<compile_context>
chip_gen: v7x
topology: tpu7x:2x2x1
jax: 0.10.2.dev20260603
libtpu: 0.0.44.dev20260713+nightly
codegen_flags: <defaults>
</compile_context>

<pallas_src>
import dataclasses
import functools

import jax
import jax.numpy as jnp
from jax import lax
from jax.experimental import pallas as pl
from jax.experimental.pallas import tpu as pltpu
from jax.experimental.pallas import tpu_sc as plsc

N = 10000
NPAD = 10240
E = 320000
D = 128
EPS = 1e-5
BNS = 1.0 / (1.0 + EPS) ** 0.5

NC, NS, L = 2, 16, 16
NW = NC * NS
EPW = E // NW
ST = 128
SUP = ST
SUPT = 78
NSUP = SUPT
NEXTRA = (E - NW * SUPT * SUP) // ST
HR = NPAD // 128
ICH = 2000
NICH = EPW // ICH

_MESH = plsc.VectorSubcoreMesh(core_axis_name="c", subcore_axis_name="s")
_CP = pltpu.CompilerParams()
if "needs_layout_passes" in pltpu.CompilerParams.__dataclass_fields__:
    _CP = dataclasses.replace(_CP, needs_layout_passes=False)

RPT_A = 624
RPT_B = N - 15 * RPT_A
TB = 400
NTB = N // TB


def _hist_body(weighted, ei_hbm, *rest):
    if weighted:
        (dinv_hbm, out_hbm, hist, shist, idxrows, ibuf_s, ibuf_d, dinv_v) = rest
    else:
        (out_hbm, hist, shist, idxrows, ibuf_s) = rest
        ibuf_d = ibuf_s
    c = lax.axis_index("c")
    s = lax.axis_index("s")
    w = c * NS + s
    base = w * EPW

    zf = jnp.zeros((L,), jnp.float32)
    lane_iota = lax.iota(jnp.int32, L)

    @pl.loop(0, HR)
    def _(i):
        @pl.loop(0, 128 // L)
        def _(k):
            hist[i, pl.ds(k * L, L)] = zf

    @pl.loop(0, HR // L)
    def _(k):
        idxrows[0, pl.ds(k * L, L)] = k * L + lane_iota

    @pl.when(s == 0)
    def _():
        pltpu.sync_copy(hist, shist)

    if weighted:
        pltpu.sync_copy(dinv_hbm, dinv_v)
    plsc.subcore_barrier()

    @pl.loop(0, NICH)
    def _(ci):
        if weighted:
            pltpu.sync_copy(ei_hbm.at[pl.ds(base + ci * ICH, ICH)], ibuf_s)
            pltpu.sync_copy(ei_hbm.at[pl.ds(E + base + ci * ICH, ICH)], ibuf_d)
        else:
            pltpu.sync_copy(ei_hbm.at[pl.ds(E + base + ci * ICH, ICH)], ibuf_s)

        @pl.loop(0, ICH // L)
        def _(i):
            key = ibuf_s[pl.ds(i * L, L)]
            if weighted:
                vals = plsc.load_gather(dinv_v, [ibuf_d[pl.ds(i * L, L)]])
            else:
                vals = zf + 1.0
            plsc.addupdate_scatter(
                hist,
                [lax.shift_right_logical(key, 7), lax.bitwise_and(key, 127)],
                vals,
            )

    pltpu.sync_copy(hist, shist.at[idxrows.at[0]], add=True)
    plsc.subcore_barrier()

    @pl.when(s == 0)
    def _():
        pltpu.sync_copy(shist, out_hbm.at[c])


def _deg_hist(ei):
    body = functools.partial(_hist_body, False)
    return pl.kernel(
        body,
        out_type=jax.ShapeDtypeStruct((NC, HR, 128), jnp.float32),
        mesh=_MESH,
        compiler_params=_CP,
        scratch_types=[
            pltpu.VMEM((HR, 128), jnp.float32),
            pltpu.VMEM_SHARED((HR, 128), jnp.float32),
            pltpu.VMEM((1, HR), jnp.int32),
            pltpu.VMEM((ICH,), jnp.int32),
        ],
    )(ei)


def _g_hist(ei, dinv_flat):
    body = functools.partial(_hist_body, True)
    return pl.kernel(
        body,
        out_type=jax.ShapeDtypeStruct((NC, HR, 128), jnp.float32),
        mesh=_MESH,
        compiler_params=_CP,
        scratch_types=[
            pltpu.VMEM((HR, 128), jnp.float32),
            pltpu.VMEM_SHARED((HR, 128), jnp.float32),
            pltpu.VMEM((1, HR), jnp.int32),
            pltpu.VMEM((ICH,), jnp.int32),
            pltpu.VMEM((ICH,), jnp.int32),
            pltpu.VMEM((N,), jnp.float32),
        ],
    )(ei, dinv_flat)


def _conv_body(t_hbm, ei_hbm, out_hbm, sidx, didx, rows, acc, isem, gsem, ssem):
    c = lax.axis_index("c")
    s = lax.axis_index("s")
    w = c * NS + s
    base = w * SUPT * SUP

    @pl.when(c == 0)
    def _():
        @pl.when(s < NS - 1)
        def _():
            pltpu.sync_copy(t_hbm.at[pl.ds(s * RPT_A, RPT_A)],
                            acc.at[pl.ds(s * RPT_A, RPT_A)])

        @pl.when(s == NS - 1)
        def _():
            pltpu.sync_copy(t_hbm.at[pl.ds(15 * RPT_A, RPT_B)],
                            acc.at[pl.ds(15 * RPT_A, RPT_B)])

    @pl.when(c == 1)
    def _():
        @pl.loop(0, SUP)
        def _(i):
            @pl.loop(0, D // L)
            def _(k):
                rows[0, i, pl.ds(k * L, L)] = jnp.zeros((L,), jnp.float32)

        @pl.loop(0, 4)
        def _(k):
            pltpu.sync_copy(rows.at[0],
                            acc.at[pl.ds(s * RPT_A + k * ST, ST)])

        @pl.when(s < NS - 1)
        def _():
            pltpu.sync_copy(rows.at[0, pl.ds(0, RPT_A - 4 * ST)],
                            acc.at[pl.ds(s * RPT_A + 4 * ST, RPT_A - 4 * ST)])

        @pl.when(s == NS - 1)
        def _():
            pltpu.sync_copy(rows.at[0],
                            acc.at[pl.ds(15 * RPT_A + 4 * ST, ST)])
    plsc.subcore_barrier()

    def start_idx(j, m):
        pltpu.async_copy(ei_hbm.at[pl.ds(base + j * SUP, SUP)],
                         sidx.at[m], isem.at[m])
        pltpu.async_copy(ei_hbm.at[pl.ds(E + base + j * SUP, ST)],
                         didx.at[m, 0], isem.at[m])

    def wait_idx(m):
        pltpu.make_async_copy(ei_hbm.at[pl.ds(0, SUP)], sidx.at[m],
                              isem.at[m]).wait()
        pltpu.make_async_copy(ei_hbm.at[pl.ds(0, ST)], didx.at[m, 0],
                              isem.at[m]).wait()

    def start_gather(m, r):
        pltpu.async_copy(t_hbm.at[sidx.at[m]], rows.at[r], gsem.at[r])

    def wait_gather(r):
        pltpu.make_async_copy(t_hbm.at[pl.ds(0, ST)], rows.at[r],
                              gsem.at[r]).wait()

    def start_scatter(m, r):
        pltpu.async_copy(rows.at[r], acc.at[didx.at[m, 0]], ssem.at[r],
                         add=True)

    def wait_scatter(m, r):
        pltpu.make_async_copy(rows.at[r], acc.at[didx.at[m, 0]],
                              ssem.at[r]).wait()

    start_idx(0, 0)
    start_idx(1, 1)

    @pl.loop(0, NSUP)
    def _(j):
        m = lax.rem(j, 4)
        r = lax.rem(j, 3)
        wait_idx(m)

        @pl.when(j >= 3)
        def _():
            wait_scatter(lax.rem(j + 1, 4), r)
        start_gather(m, r)

        @pl.when(j >= 2)
        def _():
            r2 = lax.rem(j + 1, 3)
            m2 = lax.rem(j + 2, 4)
            wait_gather(r2)
            start_scatter(m2, r2)

        @pl.when(j + 2 < NSUP)
        def _():
            start_idx(j + 2, lax.rem(j + 2, 4))

    wait_gather((NSUP - 2) % 3)
    start_scatter((NSUP - 2) % 4, (NSUP - 2) % 3)
    wait_gather((NSUP - 1) % 3)
    start_scatter((NSUP - 1) % 4, (NSUP - 1) % 3)
    wait_scatter((NSUP - 3) % 4, (NSUP - 3) % 3)
    wait_scatter((NSUP - 2) % 4, (NSUP - 2) % 3)
    wait_scatter((NSUP - 1) % 4, (NSUP - 1) % 3)

    @pl.when(w < NEXTRA)
    def _():
        xbase = NW * SUPT * SUP + w * ST
        pltpu.sync_copy(ei_hbm.at[pl.ds(xbase, ST)], sidx.at[0])
        pltpu.sync_copy(ei_hbm.at[pl.ds(E + xbase, ST)], didx.at[0, 0])
        pltpu.sync_copy(t_hbm.at[sidx.at[0]], rows.at[0])
        pltpu.sync_copy(rows.at[0], acc.at[didx.at[0, 0]], add=True)

    plsc.subcore_barrier()

    @pl.when(s < NS - 1)
    def _():
        pltpu.sync_copy(acc.at[pl.ds(s * RPT_A, RPT_A)],
                        out_hbm.at[c, pl.ds(s * RPT_A, RPT_A)])

    @pl.when(s == NS - 1)
    def _():
        pltpu.sync_copy(acc.at[pl.ds(15 * RPT_A, RPT_B)],
                        out_hbm.at[c, pl.ds(15 * RPT_A, RPT_B)])


def _conv_sc(t, ei):
    return pl.kernel(
        _conv_body,
        out_type=jax.ShapeDtypeStruct((NC, N, D), jnp.float32),
        mesh=_MESH,
        compiler_params=_CP,
        scratch_types=[
            pltpu.VMEM((4, SUP), jnp.int32),
            pltpu.VMEM((4, 1, ST), jnp.int32),
            pltpu.VMEM((3, SUP, D), jnp.float32),
            pltpu.VMEM_SHARED((N, D), jnp.float32),
            pltpu.SemaphoreType.DMA((4,)),
            pltpu.SemaphoreType.DMA((3,)),
            pltpu.SemaphoreType.DMA((3,)),
        ],
    )(t, ei)


def _tc1_body(hist_ref, x_ref, w1_ref, dinv_ref, t1_ref):
    deg = hist_ref[0] + hist_ref[1] + 1.0
    dinv = lax.rsqrt(deg)
    dinv_ref[...] = dinv
    t1_ref[...] = dinv * jnp.dot(x_ref[...], w1_ref[...],
                                 preferred_element_type=jnp.float32)


def _tc1(histp, xpad, W1):
    return pl.pallas_call(
        _tc1_body,
        grid=(NTB,),
        in_specs=[
            pl.BlockSpec((NC, TB, 1), lambda i: (0, i, 0)),
            pl.BlockSpec((TB, D), lambda i: (i, 0)),
            pl.BlockSpec((D, D), lambda i: (0, 0)),
        ],
        out_specs=[
            pl.BlockSpec((TB, 1), lambda i: (i, 0)),
            pl.BlockSpec((TB, D), lambda i: (i, 0)),
        ],
        out_shape=[
            jax.ShapeDtypeStruct((N, 1), jnp.float32),
            jax.ShapeDtypeStruct((N, D), jnp.float32),
        ],
    )(histp, xpad, W1)


def _tc2_body(acc_ref, dinv_ref, w2_ref, b1_ref, g1_ref, be1_ref,
              t2_ref):
    dinv = dinv_ref[...]
    u = acc_ref[0] + acc_ref[1]
    pre = dinv * u + b1_ref[...]
    h1 = jnp.maximum(pre * (g1_ref[...] * BNS) + be1_ref[...], 0.0)
    t2_ref[...] = dinv * jnp.dot(h1, w2_ref[...],
                                 preferred_element_type=jnp.float32)


def _tc2(acc, dinv, W2, b1, g1, be1):
    return pl.pallas_call(
        _tc2_body,
        grid=(NTB,),
        in_specs=[
            pl.BlockSpec((NC, TB, D), lambda i: (0, i, 0)),
            pl.BlockSpec((TB, 1), lambda i: (i, 0)),
            pl.BlockSpec((D, D), lambda i: (0, 0)),
            pl.BlockSpec((1, D), lambda i: (0, 0)),
            pl.BlockSpec((1, D), lambda i: (0, 0)),
            pl.BlockSpec((1, D), lambda i: (0, 0)),
        ],
        out_specs=pl.BlockSpec((TB, D), lambda i: (i, 0)),
        out_shape=jax.ShapeDtypeStruct((N, D), jnp.float32),
    )(acc, dinv, W2, b1, g1, be1)


def _tc3_body(acc_ref, dinv_ref, gp_ref, b2_ref, g2_ref, be2_ref,
              w3_ref, b3_ref, g3_ref, be3_ref, out_ref, ysum):
    i = pl.program_id(0)
    dinv = dinv_ref[...]
    u = acc_ref[0] + acc_ref[1]
    pre = dinv * u + b2_ref[...]
    h2 = jnp.maximum(pre * (g2_ref[...] * BNS) + be2_ref[...], 0.0)
    g = gp_ref[0] + gp_ref[1]
    w = dinv * (g + dinv) * (1.0 / N)
    part = jnp.sum(w * h2, axis=0, keepdims=True)

    @pl.when(i == 0)
    def _():
        ysum[...] = jnp.zeros_like(ysum)

    ysum[...] += part

    @pl.when(i == NTB - 1)
    def _():
        y = jnp.dot(ysum[...], w3_ref[...], preferred_element_type=jnp.float32)
        out_ref[...] = (y + b3_ref[...]) * (g3_ref[...] * BNS) + be3_ref[...]


def _tc3(acc, dinv, gp, b2, g2, be2, W3, b3, g3, be3):
    return pl.pallas_call(
        _tc3_body,
        grid=(NTB,),
        in_specs=[
            pl.BlockSpec((NC, TB, D), lambda i: (0, i, 0)),
            pl.BlockSpec((TB, 1), lambda i: (i, 0)),
            pl.BlockSpec((NC, TB, 1), lambda i: (0, i, 0)),
            pl.BlockSpec((1, D), lambda i: (0, 0)),
            pl.BlockSpec((1, D), lambda i: (0, 0)),
            pl.BlockSpec((1, D), lambda i: (0, 0)),
            pl.BlockSpec((D, D), lambda i: (0, 0)),
            pl.BlockSpec((1, D), lambda i: (0, 0)),
            pl.BlockSpec((1, D), lambda i: (0, 0)),
            pl.BlockSpec((1, D), lambda i: (0, 0)),
        ],
        out_specs=pl.BlockSpec((1, D), lambda i: (0, 0)),
        out_shape=jax.ShapeDtypeStruct((1, D), jnp.float32),
        scratch_shapes=[pltpu.VMEM((1, D), jnp.float32)],
    )(acc, dinv, gp, b2, g2, be2, W3, b3, g3, be3)


def kernel(x, edge_index, W1, b1, gamma1, beta1, W2, b2, gamma2, beta2,
           W3, b3, gamma3, beta3):
    row = lambda v: v.reshape(1, D)

    ei_flat = edge_index.reshape(2 * E)
    histp = _deg_hist(ei_flat).reshape(NC, NPAD)[:, :N].reshape(NC, N, 1)
    dinv, t1 = _tc1(histp, x, W1)
    acc1 = _conv_sc(t1, ei_flat)
    gp = _g_hist(ei_flat, dinv.reshape(N))
    t2 = _tc2(acc1, dinv, W2, row(b1), row(gamma1), row(beta1))
    acc2 = _conv_sc(t2, ei_flat)
    out = _tc3(acc2, dinv, gp.reshape(NC, NPAD)[:, :N].reshape(NC, N, 1),
               row(b2), row(gamma2), row(beta2), W3, row(b3), row(gamma3),
               row(beta3))
    return out

# --- scband reference (transcript-rebuilt; emitter-appended) ---
"""Pipeline reference for scband-gcnencoder-18519898980762 (READ-ONLY COPY).

The authoritative reference and input builder live on the scoring server;
editing this copy changes nothing except your own understanding.
"""

import jax, jax.numpy as jnp
import numpy as np

N = 10000
E = 320000
D = 128
EPS = 1e-5


def setup_inputs(seed: int = 0) -> dict:
    key = jax.random.key(seed)
    ks = jax.random.split(key, 8)
    inp = {}
    inp['x'] = jax.random.normal(ks[0], (N, D), dtype=jnp.float32)
    inp['edge_index'] = jax.random.randint(ks[1], (2, E), 0, N, dtype=jnp.int32)
    scale = 1.0 / np.sqrt(D)
    for i, k in zip((1, 2, 3), (ks[2], ks[3], ks[4])):
        inp[f'W{i}'] = jax.random.normal(k, (D, D), dtype=jnp.float32) * scale
        inp[f'b{i}'] = jnp.zeros((D,), dtype=jnp.float32)
        inp[f'gamma{i}'] = jnp.ones((D,), dtype=jnp.float32)
        inp[f'beta{i}'] = jnp.zeros((D,), dtype=jnp.float32)
    return inp


def reference(x, edge_index, W1, b1, gamma1, beta1, W2, b2, gamma2, beta2, W3, b3, gamma3, beta3):
    n = x.shape[0]
    src = edge_index[0]
    dst = edge_index[1]
    loop = jnp.arange(n, dtype=src.dtype)
    src = jnp.concatenate([src, loop])
    dst = jnp.concatenate([dst, loop])
    deg = jnp.zeros((n,), dtype=x.dtype).at[dst].add(1.0)
    dinv = jax.lax.rsqrt(deg)
    norm = dinv[src] * dinv[dst]

    def conv(h, W, b):
        h = h @ W
        msg = jnp.take(h, src, axis=0) * norm[:, None]
        out = jnp.zeros((n, h.shape[1]), dtype=h.dtype).at[dst].add(msg)
        return out + b

    def bn_eval(h, g, be):
        # BatchNorm1d in eval mode: running_mean=0, running_var=1
        return h * (g / jnp.sqrt(1.0 + EPS)) + be

    h = conv(x, W1, b1)
    h = bn_eval(h, gamma1, beta1)
    h = jax.nn.relu(h)  # dropout is identity in eval
    h = conv(h, W2, b2)
    h = bn_eval(h, gamma2, beta2)
    h = jax.nn.relu(h)
    h = conv(h, W3, b3)
    h = bn_eval(h, gamma3, beta3)
    return h.mean(axis=0, keepdims=True)

if __name__ == "__main__":
    import jax
    _d = setup_inputs()
    print(jax.jit(kernel)(*tuple(_d.values())))

</pallas_src>

<mosaic_0001>
#map = affine_map<(d0, d1) -> (0, 0)>
#map1 = affine_map<(d0, d1) -> (0)>
#map2 = affine_map<(d0, d1) -> (0, 0, 0)>
module attributes {stable_mosaic.version = 14 : i64} {
  func.func @_conv_body(%arg0: i32, %arg1: i32, %arg2: memref<10000x128xf32, #tpu.memory_space<hbm>>, %arg3: memref<640000xi32, #tpu.memory_space<hbm>>, %arg4: memref<2x10000x128xf32, #tpu.memory_space<hbm>>, %arg5: memref<4x128xi32, #tpu.memory_space<vmem>>, %arg6: memref<4x1x128xi32, #tpu.memory_space<vmem>>, %arg7: memref<3x128x128xf32, #tpu.memory_space<vmem>>, %arg8: memref<10000x128xf32, #tpu.memory_space<vmem_shared>>, %arg9: memref<4x!tpu.dma_semaphore, #tpu.memory_space<semaphore_mem>>, %arg10: memref<3x!tpu.dma_semaphore, #tpu.memory_space<semaphore_mem>>, %arg11: memref<3x!tpu.dma_semaphore, #tpu.memory_space<semaphore_mem>>) attributes {dimension_semantics = [#tpu.dimension_semantics<core_parallel>, #tpu.dimension_semantics<subcore_parallel>], iteration_bounds = array<i64: 2, 16>, scalar_prefetch = 0 : i64, scratch_operands = 7 : i64, tpu.core_type = #tpu.core_type<sc_vector_subcore>, window_params = [{transform_indices = #map}, {transform_indices = #map1}, {transform_indices = #map2}]} {
    %mul3A = arith.constant 16 : i32
    %mul3A_0 = arith.muli %arg0, %mul3A : i32
    %add3A = arith.addi %mul3A_0, %arg1 : i32
    %mul3A_1 = arith.constant 78 : i32
    %mul3A_2 = arith.muli %add3A, %mul3A_1 : i32
    %mul3A_3 = arith.constant 128 : i32
    %mul3A_4 = arith.muli %mul3A_2, %mul3A_3 : i32
    %eq3A = arith.constant 0 : i32
    %eq3A_5 = arith.cmpi eq, %arg0, %eq3A : i32
    %convert_element_type3A = arith.extui %eq3A_5 : i1 to i32
    %cond3A = arith.constant 0 : i32
    %cond3A_6 = arith.cmpi ne, %convert_element_type3A, %cond3A : i32
    scf.if %cond3A_6 {
      %lt3A_207 = arith.constant 15 : i32
      %lt3A_208 = arith.cmpi slt, %arg1, %lt3A_207 : i32
      %convert_element_type3A_209 = arith.extui %lt3A_208 : i1 to i32
      %cond3A_210 = arith.constant 0 : i32
      %cond3A_211 = arith.cmpi ne, %convert_element_type3A_209, %cond3A_210 : i32
      scf.if %cond3A_211 {
        %mul3A_217 = arith.constant 624 : i32
        %mul3A_218 = arith.muli %arg1, %mul3A_217 : i32
        %mul3A_219 = arith.constant 624 : i32
        %mul3A_220 = arith.muli %arg1, %mul3A_219 : i32
        "tpu.region"() ({
          %run_scoped3A = tpu.sem_alloc : memref<!tpu.dma_semaphore, #tpu.memory_space<semaphore_mem>>
          %dma_start3A_221 = arith.constant 0 : i32
          %dma_start3A_222 = tpu.memref_slice %arg8[%mul3A_220, %dma_start3A_221] : memref<10000x128xf32, #tpu.memory_space<vmem_shared>> -> memref<624x128xf32, #tpu.memory_space<vmem_shared>>
          %dma_start3A_223 = arith.constant 0 : i32
          %dma_start3A_224 = tpu.memref_slice %arg2[%mul3A_218, %dma_start3A_223] : memref<10000x128xf32, #tpu.memory_space<hbm>> -> memref<624x128xf32, #tpu.memory_space<hbm>>
          tpu.enqueue_dma source(%dma_start3A_224 : memref<624x128xf32, #tpu.memory_space<hbm>>) target(%dma_start3A_222 : memref<624x128xf32, #tpu.memory_space<vmem_shared>>) target_semaphore(%run_scoped3A : memref<!tpu.dma_semaphore, #tpu.memory_space<semaphore_mem>>)
          %dma_wait3A_225 = arith.constant 0 : i32
          %dma_wait3A_226 = tpu.memref_slice %arg8[%mul3A_220, %dma_wait3A_225] : memref<10000x128xf32, #tpu.memory_space<vmem_shared>> -> memref<624x128xf32, #tpu.memory_space<vmem_shared>>
          %dma_wait3A_227 = arith.constant 0 : i32
          %dma_wait3A_228 = tpu.memref_slice %arg2[%mul3A_218, %dma_wait3A_227] : memref<10000x128xf32, #tpu.memory_space<hbm>> -> memref<624x128xf32, #tpu.memory_space<hbm>>
          tpu.wait_dma2 semaphore(%run_scoped3A : memref<!tpu.dma_semaphore, #tpu.memory_space<semaphore_mem>>) src(%dma_wait3A_228 : memref<624x128xf32, #tpu.memory_space<hbm>>) dst(%dma_wait3A_226 : memref<624x128xf32, #tpu.memory_space<vmem_shared>>)
          tpu.yield
        }) : () -> ()
      } else {
      }
      %eq3A_212 = arith.constant 15 : i32
      %eq3A_213 = arith.cmpi eq, %arg1, %eq3A_212 : i32
      %convert_element_type3A_214 = arith.extui %eq3A_213 : i1 to i32
      %cond3A_215 = arith.constant 0 : i32
      %cond3A_216 = arith.cmpi ne, %convert_element_type3A_214, %cond3A_215 : i32
      scf.if %cond3A_216 {
        "tpu.region"() ({
          %run_scoped3A = tpu.sem_alloc : memref<!tpu.dma_semaphore, #tpu.memory_space<semaphore_mem>>
          %dma_start3A_217 = arith.constant 9360 : i32
          %dma_start3A_218 = arith.constant 0 : i32
          %dma_start3A_219 = tpu.memref_slice %arg8[%dma_start3A_217, %dma_start3A_218] : memref<10000x128xf32, #tpu.memory_space<vmem_shared>> -> memref<640x128xf32, #tpu.memory_space<vmem_shared>>
          %dma_start3A_220 = arith.constant 9360 : i32
          %dma_start3A_221 = arith.constant 0 : i32
          %dma_start3A_222 = tpu.memref_slice %arg2[%dma_start3A_220, %dma_start3A_221] : memref<10000x128xf32, #tpu.memory_space<hbm>> -> memref<640x128xf32, #tpu.memory_space<hbm>>
          tpu.enqueue_dma source(%dma_start3A_222 : memref<640x128xf32, #tpu.memory_space<hbm>>) target(%dma_start3A_219 : memref<640x128xf32, #tpu.memory_space<vmem_shared>>) target_semaphore(%run_scoped3A : memref<!tpu.dma_semaphore, #tpu.memory_space<semaphore_mem>>)
          %dma_wait3A_223 = arith.constant 9360 : i32
          %dma_wait3A_224 = arith.constant 0 : i32
          %dma_wait3A_225 = tpu.memref_slice %arg8[%dma_wait3A_223, %dma_wait3A_224] : memref<10000x128xf32, #tpu.memory_space<vmem_shared>> -> memref<640x128xf32, #tpu.memory_space<vmem_shared>>
          %dma_wait3A_226 = arith.constant 9360 : i32
          %dma_wait3A_227 = arith.constant 0 : i32
          %dma_wait3A_228 = tpu.memref_slice %arg2[%dma_wait3A_226, %dma_wait3A_227] : memref<10000x128xf32, #tpu.memory_space<hbm>> -> memref<640x128xf32, #tpu.memory_space<hbm>>
          tpu.wait_dma2 semaphore(%run_scoped3A : memref<!tpu.dma_semaphore, #tpu.memory_space<semaphore_mem>>) src(%dma_wait3A_228 : memref<640x128xf32, #tpu.memory_space<hbm>>) dst(%dma_wait3A_225 : memref<640x128xf32, #tpu.memory_space<vmem_shared>>)
          tpu.yield
        }) : () -> ()
      } else {
      }
    } else {
    }
    %eq3A_7 = arith.constant 1 : i32
    %eq3A_8 = arith.cmpi eq, %arg0, %eq3A_7 : i32
    %convert_element_type3A_9 = arith.extui %eq3A_8 : i1 to i32
    %cond3A_10 = arith.constant 0 : i32
    %cond3A_11 = arith.cmpi ne, %convert_element_type3A_9, %cond3A_10 : i32
    scf.if %cond3A_11 {
      %scan3A_207 = arith.constant 0 : i32
      %scan3A_208 = arith.constant 128 : i32
      %scan3A_209 = arith.addi %scan3A_207, %scan3A_208 : i32
      %scan3A_210 = arith.constant 1 : i32
      scf.for %scan3A_227 = %scan3A_207 to %scan3A_209 step %scan3A_210  : i32 {
        %mul3A_228 = arith.constant 1 : i32
        %mul3A_229 = arith.muli %scan3A_227, %mul3A_228 : i32
        %add3A_230 = arith.constant 0 : i32
        %add3A_231 = arith.addi %add3A_230, %mul3A_229 : i32
        %scan3A_232 = arith.constant 0 : i32
        %scan3A_233 = arith.constant 8 : i32
        %scan3A_234 = arith.addi %scan3A_232, %scan3A_233 : i32
        %scan3A_235 = arith.constant 1 : i32
        scf.for %scan3A_237 = %scan3A_232 to %scan3A_234 step %scan3A_235  : i32 {
          %mul3A_238 = arith.constant 1 : i32
          %mul3A_239 = arith.muli %scan3A_237, %mul3A_238 : i32
          %add3A_240 = arith.constant 0 : i32
          %add3A_241 = arith.addi %add3A_240, %mul3A_239 : i32
          %broadcast_in_dim3A = arith.constant 0.000000e+00 : f32
          %broadcast_in_dim3A_242 = vector.broadcast %broadcast_in_dim3A : f32 to vector<16xf32>
          %mul3A_243 = arith.constant 16 : i32
          %mul3A_244 = arith.muli %add3A_241, %mul3A_243 : i32
          %swap3A = arith.constant 0 : i32
          %swap3A_245 = arith.index_cast %swap3A : i32 to index
          %swap3A_246 = arith.index_cast %add3A_231 : i32 to index
          %swap3A_247 = arith.index_cast %mul3A_244 : i32 to index
          %swap3A_248 = tpu.vector_load %arg7[%swap3A_245, %swap3A_246, %swap3A_247] {strides = array<i32>} : memref<3x128x128xf32, #tpu.memory_space<vmem>>, vector<16xf32>,
          tpu.vector_store %arg7[%swap3A_245, %swap3A_246, %swap3A_247], %broadcast_in_dim3A_242 {strides = array<i32>} : memref<3x128x128xf32, #tpu.memory_space<vmem>>, vector<16xf32>,
        }
        %scan3A_236 = arith.constant 8 : i32
      }
      %scan3A_211 = arith.constant 128 : i32
      %scan3A_212 = arith.constant 0 : i32
      %scan3A_213 = arith.constant 4 : i32
      %scan3A_214 = arith.addi %scan3A_212, %scan3A_213 : i32
      %scan3A_215 = arith.constant 1 : i32
      scf.for %scan3A_227 = %scan3A_212 to %scan3A_214 step %scan3A_215  : i32 {
        %mul3A_228 = arith.constant 1 : i32
        %mul3A_229 = arith.muli %scan3A_227, %mul3A_228 : i32
        %add3A_230 = arith.constant 0 : i32
        %add3A_231 = arith.addi %add3A_230, %mul3A_229 : i32
        %mul3A_232 = arith.constant 624 : i32
        %mul3A_233 = arith.muli %arg1, %mul3A_232 : i32
        %mul3A_234 = arith.constant 128 : i32
        %mul3A_235 = arith.muli %add3A_231, %mul3A_234 : i32
        %add3A_236 = arith.addi %mul3A_233, %mul3A_235 : i32
        %run_scoped3A = arith.constant 0 : i32
        "tpu.region"() ({
          %run_scoped3A_237 = tpu.sem_alloc : memref<!tpu.dma_semaphore, #tpu.memory_space<semaphore_mem>>
          %dma_start3A_238 = arith.constant 0 : i32
          %dma_start3A_239 = arith.constant 0 : i32
          %dma_start3A_240 = tpu.memref_slice %arg7[%run_scoped3A, %dma_start3A_238, %dma_start3A_239] : memref<3x128x128xf32, #tpu.memory_space<vmem>> -> memref<1x128x128xf32, #tpu.memory_space<vmem>>
          %dma_start3A_241 = tpu.memref_squeeze %dma_start3A_240 : memref<1x128x128xf32, #tpu.memory_space<vmem>> -> memref<128x128xf32, #tpu.memory_space<vmem>>
          %dma_start3A_242 = arith.constant 0 : i32
          %dma_start3A_243 = tpu.memref_slice %arg8[%add3A_236, %dma_start3A_242] : memref<10000x128xf32, #tpu.memory_space<vmem_shared>> -> memref<128x128xf32, #tpu.memory_space<vmem_shared>>
          %dma_start3A_244 = arith.constant 0 : i32
          %dma_start3A_245 = tpu.memref_slice %arg8[%add3A_236, %dma_start3A_244] : memref<10000x128xf32, #tpu.memory_space<vmem_shared>> -> memref<128x128xf32, #tpu.memory_space<vmem_shared>>
          %dma_start3A_246 = arith.constant 0 : i32
          %dma_start3A_247 = arith.constant 0 : i32
          %dma_start3A_248 = tpu.memref_slice %arg7[%run_scoped3A, %dma_start3A_246, %dma_start3A_247] : memref<3x128x128xf32, #tpu.memory_space<vmem>> -> memref<1x128x128xf32, #tpu.memory_space<vmem>>
          %dma_start3A_249 = tpu.memref_squeeze %dma_start3A_248 : memref<1x128x128xf32, #tpu.memory_space<vmem>> -> memref<128x128xf32, #tpu.memory_space<vmem>>
          tpu.enqueue_dma source(%dma_start3A_249 : memref<128x128xf32, #tpu.memory_space<vmem>>) target(%dma_start3A_245 : memref<128x128xf32, #tpu.memory_space<vmem_shared>>) target_semaphore(%run_scoped3A_237 : memref<!tpu.dma_semaphore, #tpu.memory_space<semaphore_mem>>)
          %dma_wait3A_250 = arith.constant 0 : i32
          %dma_wait3A_251 = arith.constant 0 : i32
          %dma_wait3A_252 = tpu.memref_slice %arg7[%run_scoped3A, %dma_wait3A_250, %dma_wait3A_251] : memref<3x128x128xf32, #tpu.memory_space<vmem>> -> memref<1x128x128xf32, #tpu.memory_space<vmem>>
          %dma_wait3A_253 = tpu.memref_squeeze %dma_wait3A_252 : memref<1x128x128xf32, #tpu.memory_space<vmem>> -> memref<128x128xf32, #tpu.memory_space<vmem>>
          %dma_wait3A_254 = arith.constant 0 : i32
          %dma_wait3A_255 = tpu.memref_slice %arg8[%add3A_236, %dma_wait3A_254] : memref<10000x128xf32, #tpu.memory_space<vmem_shared>> -> memref<128x128xf32, #tpu.memory_space<vmem_shared>>
          %dma_wait3A_256 = arith.constant 0 : i32
          %dma_wait3A_257 = tpu.memref_slice %arg8[%add3A_236, %dma_wait3A_256] : memref<10000x128xf32, #tpu.memory_space<vmem_shared>> -> memref<128x128xf32, #tpu.memory_space<vmem_shared>>
          %dma_wait3A_258 = arith.constant 0 : i32
          %dma_wait3A_259 = arith.constant 0 : i32
          %dma_wait3A_260 = tpu.memref_slice %arg7[%run_scoped3A, %dma_wait3A_258, %dma_wait3A_259] : memref<3x128x128xf32, #tpu.memory_space<vmem>> -> memref<1x128x128xf32, #tpu.memory_space<vmem>>
          %dma_wait3A_261 = tpu.memref_squeeze %dma_wait3A_260 : memref<1x128x128xf32, #tpu.memory_space<vmem>> -> memref<128x128xf32, #tpu.memory_space<vmem>>
          tpu.wait_dma2 semaphore(%run_scoped3A_237 : memref<!tpu.dma_semaphore, #tpu.memory_space<semaphore_mem>>) src(%dma_wait3A_261 : memref<128x128xf32, #tpu.memory_space<vmem>>) dst(%dma_wait3A_257 : memref<128x128xf32, #tpu.memory_space<vmem_shared>>)
          tpu.yield
        }) : () -> ()
      }
      %scan3A_216 = arith.constant 4 : i32
      %lt3A_217 = arith.constant 15 : i32
      %lt3A_218 = arith.cmpi slt, %arg1, %lt3A_217 : i32
      %convert_element_type3A_219 = arith.extui %lt3A_218 : i1 to i32
      %cond3A_220 = arith.constant 0 : i32
      %cond3A_221 = arith.cmpi ne, %convert_element_type3A_219, %cond3A_220 : i32
      scf.if %cond3A_221 {
        %mul3A_227 = arith.constant 624 : i32
        %mul3A_228 = arith.muli %arg1, %mul3A_227 : i32
        %add3A_229 = arith.constant 512 : i32
        %add3A_230 = arith.addi %mul3A_228, %add3A_229 : i32
        %run_scoped3A = arith.constant 0 : i32
        "tpu.region"() ({
          %run_scoped3A_231 = tpu.sem_alloc : memref<!tpu.dma_semaphore, #tpu.memory_space<semaphore_mem>>
          %dma_start3A_232 = arith.constant 0 : i32
          %dma_start3A_233 = arith.constant 0 : i32
          %dma_start3A_234 = tpu.memref_slice %arg7[%run_scoped3A, %dma_start3A_232, %dma_start3A_233] : memref<3x128x128xf32, #tpu.memory_space<vmem>> -> memref<1x112x128xf32, #tpu.memory_space<vmem>>
          %dma_start3A_235 = tpu.memref_squeeze %dma_start3A_234 : memref<1x112x128xf32, #tpu.memory_space<vmem>> -> memref<112x128xf32, #tpu.memory_space<vmem>>
          %dma_start3A_236 = arith.constant 0 : i32
          %dma_start3A_237 = tpu.memref_slice %arg8[%add3A_230, %dma_start3A_236] : memref<10000x128xf32, #tpu.memory_space<vmem_shared>> -> memref<112x128xf32, #tpu.memory_space<vmem_shared>>
          %dma_start3A_238 = arith.constant 0 : i32
          %dma_start3A_239 = tpu.memref_slice %arg8[%add3A_230, %dma_start3A_238] : memref<10000x128xf32, #tpu.memory_space<vmem_shared>> -> memref<112x128xf32, #tpu.memory_space<vmem_shared>>
          %dma_start3A_240 = arith.constant 0 : i32
          %dma_start3A_241 = arith.constant 0 : i32
          %dma_start3A_242 = tpu.memref_slice %arg7[%run_scoped3A, %dma_start3A_240, %dma_start3A_241] : memref<3x128x128xf32, #tpu.memory_space<vmem>> -> memref<1x112x128xf32, #tpu.memory_space<vmem>>
          %dma_start3A_243 = tpu.memref_squeeze %dma_start3A_242 : memref<1x112x128xf32, #tpu.memory_space<vmem>> -> memref<112x128xf32, #tpu.memory_space<vmem>>
          tpu.enqueue_dma source(%dma_start3A_243 : memref<112x128xf32, #tpu.memory_space<vmem>>) target(%dma_start3A_239 : memref<112x128xf32, #tpu.memory_space<vmem_shared>>) target_semaphore(%run_scoped3A_231 : memref<!tpu.dma_semaphore, #tpu.memory_space<semaphore_mem>>)
          %dma_wait3A_244 = arith.constant 0 : i32
          %dma_wait3A_245 = arith.constant 0 : i32
          %dma_wait3A_246 = tpu.memref_slice %arg7[%run_scoped3A, %dma_wait3A_244, %dma_wait3A_245] : memref<3x128x128xf32, #tpu.memory_space<vmem>> -> memref<1x112x128xf32, #tpu.memory_space<vmem>>
          %dma_wait3A_247 = tpu.memref_squeeze %dma_wait3A_246 : memref<1x112x128xf32, #tpu.memory_space<vmem>> -> memref<112x128xf32, #tpu.memory_space<vmem>>
          %dma_wait3A_248 = arith.constant 0 : i32
          %dma_wait3A_249 = tpu.memref_slice %arg8[%add3A_230, %dma_wait3A_248] : memref<10000x128xf32, #tpu.memory_space<vmem_shared>> -> memref<112x128xf32, #tpu.memory_space<vmem_shared>>
          %dma_wait3A_250 = arith.constant 0 : i32
          %dma_wait3A_251 = tpu.memref_slice %arg8[%add3A_230, %dma_wait3A_250] : memref<10000x128xf32, #tpu.memory_space<vmem_shared>> -> memref<112x128xf32, #tpu.memory_space<vmem_shared>>
          %dma_wait3A_252 = arith.constant 0 : i32
          %dma_wait3A_253 = arith.constant 0 : i32
          %dma_wait3A_254 = tpu.memref_slice %arg7[%run_scoped3A, %dma_wait3A_252, %dma_wait3A_253] : memref<3x128x128xf32, #tpu.memory_space<vmem>> -> memref<1x112x128xf32, #tpu.memory_space<vmem>>
          %dma_wait3A_255 = tpu.memref_squeeze %dma_wait3A_254 : memref<1x112x128xf32, #tpu.memory_space<vmem>> -> memref<112x128xf32, #tpu.memory_space<vmem>>
          tpu.wait_dma2 semaphore(%run_scoped3A_231 : memref<!tpu.dma_semaphore, #tpu.memory_space<semaphore_mem>>) src(%dma_wait3A_255 : memref<112x128xf32, #tpu.memory_space<vmem>>) dst(%dma_wait3A_251 : memref<112x128xf32, #tpu.memory_space<vmem_shared>>)
          tpu.yield
        }) : () -> ()
      } else {
      }
      %eq3A_222 = arith.constant 15 : i32
      %eq3A_223 = arith.cmpi eq, %arg1, %eq3A_222 : i32
      %convert_element_type3A_224 = arith.extui %eq3A_223 : i1 to i32
      %cond3A_225 = arith.constant 0 : i32
      %cond3A_226 = arith.cmpi ne, %convert_element_type3A_224, %cond3A_225 : i32
      scf.if %cond3A_226 {
        %run_scoped3A = arith.constant 0 : i32
        "tpu.region"() ({
          %run_scoped3A_227 = tpu.sem_alloc : memref<!tpu.dma_semaphore, #tpu.memory_space<semaphore_mem>>
          %dma_start3A_228 = arith.constant 0 : i32
          %dma_start3A_229 = arith.constant 0 : i32
          %dma_start3A_230 = tpu.memref_slice %arg7[%run_scoped3A, %dma_start3A_228, %dma_start3A_229] : memref<3x128x128xf32, #tpu.memory_space<vmem>> -> memref<1x128x128xf32, #tpu.memory_space<vmem>>
          %dma_start3A_231 = tpu.memref_squeeze %dma_start3A_230 : memref<1x128x128xf32, #tpu.memory_space<vmem>> -> memref<128x128xf32, #tpu.memory_space<vmem>>
          %dma_start3A_232 = arith.constant 9872 : i32
          %dma_start3A_233 = arith.constant 0 : i32
          %dma_start3A_234 = tpu.memref_slice %arg8[%dma_start3A_232, %dma_start3A_233] : memref<10000x128xf32, #tpu.memory_space<vmem_shared>> -> memref<128x128xf32, #tpu.memory_space<vmem_shared>>
          %dma_start3A_235 = arith.constant 9872 : i32
          %dma_start3A_236 = arith.constant 0 : i32
          %dma_start3A_237 = tpu.memref_slice %arg8[%dma_start3A_235, %dma_start3A_236] : memref<10000x128xf32, #tpu.memory_space<vmem_shared>> -> memref<128x128xf32, #tpu.memory_space<vmem_shared>>
          %dma_start3A_238 = arith.constant 0 : i32
          %dma_start3A_239 = arith.constant 0 : i32
          %dma_start3A_240 = tpu.memref_slice %arg7[%run_scoped3A, %dma_start3A_238, %dma_start3A_239] : memref<3x128x128xf32, #tpu.memory_space<vmem>> -> memref<1x128x128xf32, #tpu.memory_space<vmem>>
          %dma_start3A_241 = tpu.memref_squeeze %dma_start3A_240 : memref<1x128x128xf32, #tpu.memory_space<vmem>> -> memref<128x128xf32, #tpu.memory_space<vmem>>
          tpu.enqueue_dma source(%dma_start3A_241 : memref<128x128xf32, #tpu.memory_space<vmem>>) target(%dma_start3A_237 : memref<128x128xf32, #tpu.memory_space<vmem_shared>>) target_semaphore(%run_scoped3A_227 : memref<!tpu.dma_semaphore, #tpu.memory_space<semaphore_mem>>)
          %dma_wait3A_242 = arith.constant 0 : i32
          %dma_wait3A_243 = arith.constant 0 : i32
          %dma_wait3A_244 = tpu.memref_slice %arg7[%run_scoped3A, %dma_wait3A_242, %dma_wait3A_243] : memref<3x128x128xf32, #tpu.memory_space<vmem>> -> memref<1x128x128xf32, #tpu.memory_space<vmem>>
          %dma_wait3A_245 = tpu.memref_squeeze %dma_wait3A_244 : memref<1x128x128xf32, #tpu.memory_space<vmem>> -> memref<128x128xf32, #tpu.memory_space<vmem>>
          %dma_wait3A_246 = arith.constant 9872 : i32
          %dma_wait3A_247 = arith.constant 0 : i32
          %dma_wait3A_248 = tpu.memref_slice %arg8[%dma_wait3A_246, %dma_wait3A_247] : memref<10000x128xf32, #tpu.memory_space<vmem_shared>> -> memref<128x128xf32, #tpu.memory_space<vmem_shared>>
          %dma_wait3A_249 = arith.constant 9872 : i32
          %dma_wait3A_250 = arith.constant 0 : i32
          %dma_wait3A_251 = tpu.memref_slice %arg8[%dma_wait3A_249, %dma_wait3A_250] : memref<10000x128xf32, #tpu.memory_space<vmem_shared>> -> memref<128x128xf32, #tpu.memory_space<vmem_shared>>
          %dma_wait3A_252 = arith.constant 0 : i32
          %dma_wait3A_253 = arith.constant 0 : i32
          %dma_wait3A_254 = tpu.memref_slice %arg7[%run_scoped3A, %dma_wait3A_252, %dma_wait3A_253] : memref<3x128x128xf32, #tpu.memory_space<vmem>> -> memref<1x128x128xf32, #tpu.memory_space<vmem>>
          %dma_wait3A_255 = tpu.memref_squeeze %dma_wait3A_254 : memref<1x128x128xf32, #tpu.memory_space<vmem>> -> memref<128x128xf32, #tpu.memory_space<vmem>>
          tpu.wait_dma2 semaphore(%run_scoped3A_227 : memref<!tpu.dma_semaphore, #tpu.memory_space<semaphore_mem>>) src(%dma_wait3A_255 : memref<128x128xf32, #tpu.memory_space<vmem>>) dst(%dma_wait3A_251 : memref<128x128xf32, #tpu.memory_space<vmem_shared>>)
          tpu.yield
        }) : () -> ()
      } else {
      }
    } else {
    }
    %barrier3A = arith.constant 0 : index
    tpu.barrier barrier_id(%barrier3A)
    %add3A_12 = arith.constant 0 : i32
    %add3A_13 = arith.addi %mul3A_4, %add3A_12 : i32
    %dma_start3A = arith.constant 0 : i32
    %dma_start3A_14 = arith.constant 0 : i32
    %dma_start3A_15 = arith.constant 0 : i32
    %dma_start3A_16 = tpu.memref_slice %arg5[%dma_start3A, %dma_start3A_15] : memref<4x128xi32, #tpu.memory_space<vmem>> -> memref<1x128xi32, #tpu.memory_space<vmem>>
    %dma_start3A_17 = tpu.memref_squeeze %dma_start3A_16 : memref<1x128xi32, #tpu.memory_space<vmem>> -> memref<128xi32, #tpu.memory_space<vmem>>
    %dma_start3A_18 = tpu.memref_slice %arg3[%add3A_13] : memref<640000xi32, #tpu.memory_space<hbm>> -> memref<128xi32, #tpu.memory_space<hbm>>
    %dma_start3A_19 = tpu.memref_slice %arg9[%dma_start3A_14] : memref<4x!tpu.dma_semaphore, #tpu.memory_space<semaphore_mem>> -> memref<1x!tpu.dma_semaphore, #tpu.memory_space<semaphore_mem>>
    %dma_start3A_20 = tpu.memref_squeeze %dma_start3A_19 : memref<1x!tpu.dma_semaphore, #tpu.memory_space<semaphore_mem>> -> memref<!tpu.dma_semaphore, #tpu.memory_space<semaphore_mem>>
    %dma_start3A_21 = arith.constant 0 : i32
    %dma_start3A_22 = tpu.memref_slice %arg5[%dma_start3A, %dma_start3A_21] : memref<4x128xi32, #tpu.memory_space<vmem>> -> memref<1x128xi32, #tpu.memory_space<vmem>>
    %dma_start3A_23 = tpu.memref_squeeze %dma_start3A_22 : memref<1x128xi32, #tpu.memory_space<vmem>> -> memref<128xi32, #tpu.memory_space<vmem>>
    %dma_start3A_24 = tpu.memref_slice %arg3[%add3A_13] : memref<640000xi32, #tpu.memory_space<hbm>> -> memref<128xi32, #tpu.memory_space<hbm>>
    tpu.enqueue_dma source(%dma_start3A_24 : memref<128xi32, #tpu.memory_space<hbm>>) target(%dma_start3A_23 : memref<128xi32, #tpu.memory_space<vmem>>) target_semaphore(%dma_start3A_20 : memref<!tpu.dma_semaphore, #tpu.memory_space<semaphore_mem>>)
    %add3A_25 = arith.constant 320000 : i32
    %add3A_26 = arith.addi %add3A_25, %mul3A_4 : i32
    %add3A_27 = arith.constant 0 : i32
    %add3A_28 = arith.addi %add3A_26, %add3A_27 : i32
    %dma_start3A_29 = arith.constant 0 : i32
    %dma_start3A_30 = arith.constant 0 : i32
    %dma_start3A_31 = arith.constant 0 : i32
    %dma_start3A_32 = arith.constant 0 : i32
    %dma_start3A_33 = tpu.memref_slice %arg6[%dma_start3A_29, %dma_start3A_30, %dma_start3A_32] : memref<4x1x128xi32, #tpu.memory_space<vmem>> -> memref<1x1x128xi32, #tpu.memory_space<vmem>>
    %dma_start3A_34 = tpu.memref_squeeze %dma_start3A_33 : memref<1x1x128xi32, #tpu.memory_space<vmem>> -> memref<128xi32, #tpu.memory_space<vmem>>
    %dma_start3A_35 = tpu.memref_slice %arg3[%add3A_28] : memref<640000xi32, #tpu.memory_space<hbm>> -> memref<128xi32, #tpu.memory_space<hbm>>
    %dma_start3A_36 = tpu.memref_slice %arg9[%dma_start3A_31] : memref<4x!tpu.dma_semaphore, #tpu.memory_space<semaphore_mem>> -> memref<1x!tpu.dma_semaphore, #tpu.memory_space<semaphore_mem>>
    %dma_start3A_37 = tpu.memref_squeeze %dma_start3A_36 : memref<1x!tpu.dma_semaphore, #tpu.memory_space<semaphore_mem>> -> memref<!tpu.dma_semaphore, #tpu.memory_space<semaphore_mem>>
    %dma_start3A_38 = arith.constant 0 : i32
    %dma_start3A_39 = tpu.memref_slice %arg6[%dma_start3A_29, %dma_start3A_30, %dma_start3A_38] : memref<4x1x128xi32, #tpu.memory_space<vmem>> -> memref<1x1x128xi32, #tpu.memory_space<vmem>>
    %dma_start3A_40 = tpu.memref_squeeze %dma_start3A_39 : memref<1x1x128xi32, #tpu.memory_space<vmem>> -> memref<128xi32, #tpu.memory_space<vmem>>
    %dma_start3A_41 = tpu.memref_slice %arg3[%add3A_28] : memref<640000xi32, #tpu.memory_space<hbm>> -> memref<128xi32, #tpu.memory_space<hbm>>
    tpu.enqueue_dma source(%dma_start3A_41 : memref<128xi32, #tpu.memory_space<hbm>>) target(%dma_start3A_40 : memref<128xi32, #tpu.memory_space<vmem>>) target_semaphore(%dma_start3A_37 : memref<!tpu.dma_semaphore, #tpu.memory_space<semaphore_mem>>)
    %add3A_42 = arith.constant 128 : i32
    %add3A_43 = arith.addi %mul3A_4, %add3A_42 : i32
    %dma_start3A_44 = arith.constant 1 : i32
    %dma_start3A_45 = arith.constant 1 : i32
    %dma_start3A_46 = arith.constant 0 : i32
    %dma_start3A_47 = tpu.memref_slice %arg5[%dma_start3A_44, %dma_start3A_46] : memref<4x128xi32, #tpu.memory_space<vmem>> -> memref<1x128xi32, #tpu.memory_space<vmem>>
    %dma_start3A_48 = tpu.memref_squeeze %dma_start3A_47 : memref<1x128xi32, #tpu.memory_space<vmem>> -> memref<128xi32, #tpu.memory_space<vmem>>
    %dma_start3A_49 = tpu.memref_slice %arg3[%add3A_43] : memref<640000xi32, #tpu.memory_space<hbm>> -> memref<128xi32, #tpu.memory_space<hbm>>
    %dma_start3A_50 = tpu.memref_slice %arg9[%dma_start3A_45] : memref<4x!tpu.dma_semaphore, #tpu.memory_space<semaphore_mem>> -> memref<1x!tpu.dma_semaphore, #tpu.memory_space<semaphore_mem>>
    %dma_start3A_51 = tpu.memref_squeeze %dma_start3A_50 : memref<1x!tpu.dma_semaphore, #tpu.memory_space<semaphore_mem>> -> memref<!tpu.dma_semaphore, #tpu.memory_space<semaphore_mem>>
    %dma_start3A_52 = arith.constant 0 : i32
    %dma_start3A_53 = tpu.memref_slice %arg5[%dma_start3A_44, %dma_start3A_52] : memref<4x128xi32, #tpu.memory_space<vmem>> -> memref<1x128xi32, #tpu.memory_space<vmem>>
    %dma_start3A_54 = tpu.memref_squeeze %dma_start3A_53 : memref<1x128xi32, #tpu.memory_space<vmem>> -> memref<128xi32, #tpu.memory_space<vmem>>
    %dma_start3A_55 = tpu.memref_slice %arg3[%add3A_43] : memref<640000xi32, #tpu.memory_space<hbm>> -> memref<128xi32, #tpu.memory_space<hbm>>
    tpu.enqueue_dma source(%dma_start3A_55 : memref<128xi32, #tpu.memory_space<hbm>>) target(%dma_start3A_54 : memref<128xi32, #tpu.memory_space<vmem>>) target_semaphore(%dma_start3A_51 : memref<!tpu.dma_semaphore, #tpu.memory_space<semaphore_mem>>)
    %add3A_56 = arith.constant 320000 : i32
    %add3A_57 = arith.addi %add3A_56, %mul3A_4 : i32
    %add3A_58 = arith.constant 128 : i32
    %add3A_59 = arith.addi %add3A_57, %add3A_58 : i32
    %dma_start3A_60 = arith.constant 1 : i32
    %dma_start3A_61 = arith.constant 0 : i32
    %dma_start3A_62 = arith.constant 1 : i32
    %dma_start3A_63 = arith.constant 0 : i32
    %dma_start3A_64 = tpu.memref_slice %arg6[%dma_start3A_60, %dma_start3A_61, %dma_start3A_63] : memref<4x1x128xi32, #tpu.memory_space<vmem>> -> memref<1x1x128xi32, #tpu.memory_space<vmem>>
    %dma_start3A_65 = tpu.memref_squeeze %dma_start3A_64 : memref<1x1x128xi32, #tpu.memory_space<vmem>> -> memref<128xi32, #tpu.memory_space<vmem>>
    %dma_start3A_66 = tpu.memref_slice %arg3[%add3A_59] : memref<640000xi32, #tpu.memory_space<hbm>> -> memref<128xi32, #tpu.memory_space<hbm>>
    %dma_start3A_67 = tpu.memref_slice %arg9[%dma_start3A_62] : memref<4x!tpu.dma_semaphore, #tpu.memory_space<semaphore_mem>> -> memref<1x!tpu.dma_semaphore, #tpu.memory_space<semaphore_mem>>
    %dma_start3A_68 = tpu.memref_squeeze %dma_start3A_67 : memref<1x!tpu.dma_semaphore, #tpu.memory_space<semaphore_mem>> -> memref<!tpu.dma_semaphore, #tpu.memory_space<semaphore_mem>>
    %dma_start3A_69 = arith.constant 0 : i32
    %dma_start3A_70 = tpu.memref_slice %arg6[%dma_start3A_60, %dma_start3A_61, %dma_start3A_69] : memref<4x1x128xi32, #tpu.memory_space<vmem>> -> memref<1x1x128xi32, #tpu.memory_space<vmem>>
    %dma_start3A_71 = tpu.memref_squeeze %dma_start3A_70 : memref<1x1x128xi32, #tpu.memory_space<vmem>> -> memref<128xi32, #tpu.memory_space<vmem>>
    %dma_start3A_72 = tpu.memref_slice %arg3[%add3A_59] : memref<640000xi32, #tpu.memory_space<hbm>> -> memref<128xi32, #tpu.memory_space<hbm>>
    tpu.enqueue_dma source(%dma_start3A_72 : memref<128xi32, #tpu.memory_space<hbm>>) target(%dma_start3A_71 : memref<128xi32, #tpu.memory_space<vmem>>) target_semaphore(%dma_start3A_68 : memref<!tpu.dma_semaphore, #tpu.memory_space<semaphore_mem>>)
    %scan3A = arith.constant 0 : i32
    %scan3A_73 = arith.constant 78 : i32
    %scan3A_74 = arith.addi %scan3A, %scan3A_73 : i32
    %scan3A_75 = arith.constant 1 : i32
    scf.for %scan3A_207 = %scan3A to %scan3A_74 step %scan3A_75  : i32 {
      %mul3A_208 = arith.constant 1 : i32
      %mul3A_209 = arith.muli %scan3A_207, %mul3A_208 : i32
      %add3A_210 = arith.constant 0 : i32
      %add3A_211 = arith.addi %add3A_210, %mul3A_209 : i32
      %rem3A = arith.constant 4 : i32
      %rem3A_212 = arith.remsi %add3A_211, %rem3A : i32
      %rem3A_213 = arith.constant 3 : i32
      %rem3A_214 = arith.remsi %add3A_211, %rem3A_213 : i32
      %dma_wait3A_215 = arith.constant 0 : i32
      %dma_wait3A_216 = tpu.memref_slice %arg5[%rem3A_212, %dma_wait3A_215] : memref<4x128xi32, #tpu.memory_space<vmem>> -> memref<1x128xi32, #tpu.memory_space<vmem>>
      %dma_wait3A_217 = tpu.memref_squeeze %dma_wait3A_216 : memref<1x128xi32, #tpu.memory_space<vmem>> -> memref<128xi32, #tpu.memory_space<vmem>>
      %dma_wait3A_218 = arith.constant 0 : i32
      %dma_wait3A_219 = tpu.memref_slice %arg3[%dma_wait3A_218] : memref<640000xi32, #tpu.memory_space<hbm>> -> memref<128xi32, #tpu.memory_space<hbm>>
      %dma_wait3A_220 = tpu.memref_slice %arg9[%rem3A_212] : memref<4x!tpu.dma_semaphore, #tpu.memory_space<semaphore_mem>> -> memref<1x!tpu.dma_semaphore, #tpu.memory_space<semaphore_mem>>
      %dma_wait3A_221 = tpu.memref_squeeze %dma_wait3A_220 : memref<1x!tpu.dma_semaphore, #tpu.memory_space<semaphore_mem>> -> memref<!tpu.dma_semaphore, #tpu.memory_space<semaphore_mem>>
      %dma_wait3A_222 = arith.constant 0 : i32
      %dma_wait3A_223 = tpu.memref_slice %arg5[%rem3A_212, %dma_wait3A_222] : memref<4x128xi32, #tpu.memory_space<vmem>> -> memref<1x128xi32, #tpu.memory_space<vmem>>
      %dma_wait3A_224 = tpu.memref_squeeze %dma_wait3A_223 : memref<1x128xi32, #tpu.memory_space<vmem>> -> memref<128xi32, #tpu.memory_space<vmem>>
      %dma_wait3A_225 = arith.constant 0 : i32
      %dma_wait3A_226 = tpu.memref_slice %arg3[%dma_wait3A_225] : memref<640000xi32, #tpu.memory_space<hbm>> -> memref<128xi32, #tpu.memory_space<hbm>>
      tpu.wait_dma2 semaphore(%dma_wait3A_221 : memref<!tpu.dma_semaphore, #tpu.memory_space<semaphore_mem>>) src(%dma_wait3A_226 : memref<128xi32, #tpu.memory_space<hbm>>) dst(%dma_wait3A_224 : memref<128xi32, #tpu.memory_space<vmem>>)
      %dma_wait3A_227 = arith.constant 0 : i32
      %dma_wait3A_228 = arith.constant 0 : i32
      %dma_wait3A_229 = tpu.memref_slice %arg6[%rem3A_212, %dma_wait3A_227, %dma_wait3A_228] : memref<4x1x128xi32, #tpu.memory_space<vmem>> -> memref<1x1x128xi32, #tpu.memory_space<vmem>>
      %dma_wait3A_230 = tpu.memref_squeeze %dma_wait3A_229 : memref<1x1x128xi32, #tpu.memory_space<vmem>> -> memref<128xi32, #tpu.memory_space<vmem>>
      %dma_wait3A_231 = arith.constant 0 : i32
      %dma_wait3A_232 = tpu.memref_slice %arg3[%dma_wait3A_231] : memref<640000xi32, #tpu.memory_space<hbm>> -> memref<128xi32, #tpu.memory_space<hbm>>
      %dma_wait3A_233 = tpu.memref_slice %arg9[%rem3A_212] : memref<4x!tpu.dma_semaphore, #tpu.memory_space<semaphore_mem>> -> memref<1x!tpu.dma_semaphore, #tpu.memory_space<semaphore_mem>>
      %dma_wait3A_234 = tpu.memref_squeeze %dma_wait3A_233 : memref<1x!tpu.dma_semaphore, #tpu.memory_space<semaphore_mem>> -> memref<!tpu.dma_semaphore, #tpu.memory_space<semaphore_mem>>
      %dma_wait3A_235 = arith.constant 0 : i32
      %dma_wait3A_236 = tpu.memref_slice %arg6[%rem3A_212, %dma_wait3A_227, %dma_wait3A_235] : memref<4x1x128xi32, #tpu.memory_space<vmem>> -> memref<1x1x128xi32, #tpu.memory_space<vmem>>
      %dma_wait3A_237 = tpu.memref_squeeze %dma_wait3A_236 : memref<1x1x128xi32, #tpu.memory_space<vmem>> -> memref<128xi32, #tpu.memory_space<vmem>>
      %dma_wait3A_238 = arith.constant 0 : i32
      %dma_wait3A_239 = tpu.memref_slice %arg3[%dma_wait3A_238] : memref<640000xi32, #tpu.memory_space<hbm>> -> memref<128xi32, #tpu.memory_space<hbm>>
      tpu.wait_dma2 semaphore(%dma_wait3A_234 : memref<!tpu.dma_semaphore, #tpu.memory_space<semaphore_mem>>) src(%dma_wait3A_239 : memref<128xi32, #tpu.memory_space<hbm>>) dst(%dma_wait3A_237 : memref<128xi32, #tpu.memory_space<vmem>>)
      %ge3A = arith.constant 3 : i32
      %ge3A_240 = arith.cmpi sge, %add3A_211, %ge3A : i32
      %convert_element_type3A_241 = arith.extui %ge3A_240 : i1 to i32
      %cond3A_242 = arith.constant 0 : i32
      %cond3A_243 = arith.cmpi ne, %convert_element_type3A_241, %cond3A_242 : i32
      scf.if %cond3A_243 {
        %add3A_268 = arith.constant 1 : i32
        %add3A_269 = arith.addi %add3A_211, %add3A_268 : i32
        %rem3A_270 = arith.constant 4 : i32
        %rem3A_271 = arith.remsi %add3A_269, %rem3A_270 : i32
        %dma_wait3A_272 = arith.constant 0 : i32
        %dma_wait3A_273 = arith.constant 0 : i32
        %dma_wait3A_274 = arith.constant 0 : i32
        %dma_wait3A_275 = tpu.memref_slice %arg7[%rem3A_214, %dma_wait3A_273, %dma_wait3A_274] : memref<3x128x128xf32, #tpu.memory_space<vmem>> -> memref<1x128x128xf32, #tpu.memory_space<vmem>>
        %dma_wait3A_276 = tpu.memref_squeeze %dma_wait3A_275 : memref<1x128x128xf32, #tpu.memory_space<vmem>> -> memref<128x128xf32, #tpu.memory_space<vmem>>
        %dma_wait3A_277 = arith.constant 0 : i32
        %dma_wait3A_278 = tpu.memref_slice %arg6[%rem3A_271, %dma_wait3A_272, %dma_wait3A_277] : memref<4x1x128xi32, #tpu.memory_space<vmem>> -> memref<1x1x128xi32, #tpu.memory_space<vmem>>
        %dma_wait3A_279 = tpu.memref_squeeze %dma_wait3A_278 : memref<1x1x128xi32, #tpu.memory_space<vmem>> -> memref<128xi32, #tpu.memory_space<vmem>>
        %dma_wait3A_280 = arith.constant 0 : i32
        %dma_wait3A_281 = arith.constant 0 : i32
        %dma_wait3A_282 = tpu.memref_slice %arg8[%dma_wait3A_280, %dma_wait3A_281] : memref<10000x128xf32, #tpu.memory_space<vmem_shared>> -> memref<10000x128xf32, #tpu.memory_space<vmem_shared>>
        %dma_wait3A_283 = tpu.memref_slice %arg11[%rem3A_214] : memref<3x!tpu.dma_semaphore, #tpu.memory_space<semaphore_mem>> -> memref<1x!tpu.dma_semaphore, #tpu.memory_space<semaphore_mem>>
        %dma_wait3A_284 = tpu.memref_squeeze %dma_wait3A_283 : memref<1x!tpu.dma_semaphore, #tpu.memory_space<semaphore_mem>> -> memref<!tpu.dma_semaphore, #tpu.memory_space<semaphore_mem>>
        tpu.wait_indirect_dma semaphore(%dma_wait3A_284 : memref<!tpu.dma_semaphore, #tpu.memory_space<semaphore_mem>>) src(%dma_wait3A_276 : memref<128x128xf32, #tpu.memory_space<vmem>>) dst(%dma_wait3A_282 : memref<10000x128xf32, #tpu.memory_space<vmem_shared>>)
      } else {
      }
      %dma_start3A_244 = arith.constant 0 : i32
      %dma_start3A_245 = arith.constant 0 : i32
      %dma_start3A_246 = tpu.memref_slice %arg7[%rem3A_214, %dma_start3A_244, %dma_start3A_245] : memref<3x128x128xf32, #tpu.memory_space<vmem>> -> memref<1x128x128xf32, #tpu.memory_space<vmem>>
      %dma_start3A_247 = tpu.memref_squeeze %dma_start3A_246 : memref<1x128x128xf32, #tpu.memory_space<vmem>> -> memref<128x128xf32, #tpu.memory_space<vmem>>
      %dma_start3A_248 = arith.constant 0 : i32
      %dma_start3A_249 = tpu.memref_slice %arg5[%rem3A_212, %dma_start3A_248] : memref<4x128xi32, #tpu.memory_space<vmem>> -> memref<1x128xi32, #tpu.memory_space<vmem>>
      %dma_start3A_250 = tpu.memref_squeeze %dma_start3A_249 : memref<1x128xi32, #tpu.memory_space<vmem>> -> memref<128xi32, #tpu.memory_space<vmem>>
      %dma_start3A_251 = arith.constant 0 : i32
      %dma_start3A_252 = arith.constant 0 : i32
      %dma_start3A_253 = tpu.memref_slice %arg2[%dma_start3A_251, %dma_start3A_252] : memref<10000x128xf32, #tpu.memory_space<hbm>> -> memref<10000x128xf32, #tpu.memory_space<hbm>>
      %dma_start3A_254 = tpu.memref_slice %arg10[%rem3A_214] : memref<3x!tpu.dma_semaphore, #tpu.memory_space<semaphore_mem>> -> memref<1x!tpu.dma_semaphore, #tpu.memory_space<semaphore_mem>>
      %dma_start3A_255 = tpu.memref_squeeze %dma_start3A_254 : memref<1x!tpu.dma_semaphore, #tpu.memory_space<semaphore_mem>> -> memref<!tpu.dma_semaphore, #tpu.memory_space<semaphore_mem>>
      tpu.enqueue_indirect_dma source(%dma_start3A_253 : memref<10000x128xf32, #tpu.memory_space<hbm>>) target(%dma_start3A_247 : memref<128x128xf32, #tpu.memory_space<vmem>>) offsets(%dma_start3A_250 : memref<128xi32, #tpu.memory_space<vmem>>) semaphore(%dma_start3A_255 : memref<!tpu.dma_semaphore, #tpu.memory_space<semaphore_mem>>)
      %ge3A_256 = arith.constant 2 : i32
      %ge3A_257 = arith.cmpi sge, %add3A_211, %ge3A_256 : i32
      %convert_element_type3A_258 = arith.extui %ge3A_257 : i1 to i32
      %cond3A_259 = arith.constant 0 : i32
      %cond3A_260 = arith.cmpi ne, %convert_element_type3A_258, %cond3A_259 : i32
      scf.if %cond3A_260 {
        %add3A_268 = arith.constant 1 : i32
        %add3A_269 = arith.addi %add3A_211, %add3A_268 : i32
        %rem3A_270 = arith.constant 3 : i32
        %rem3A_271 = arith.remsi %add3A_269, %rem3A_270 : i32
        %add3A_272 = arith.constant 2 : i32
        %add3A_273 = arith.addi %add3A_211, %add3A_272 : i32
        %rem3A_274 = arith.constant 4 : i32
        %rem3A_275 = arith.remsi %add3A_273, %rem3A_274 : i32
        %dma_wait3A_276 = arith.constant 0 : i32
        %dma_wait3A_277 = arith.constant 0 : i32
        %dma_wait3A_278 = tpu.memref_slice %arg7[%rem3A_271, %dma_wait3A_276, %dma_wait3A_277] : memref<3x128x128xf32, #tpu.memory_space<vmem>> -> memref<1x128x128xf32, #tpu.memory_space<vmem>>
        %dma_wait3A_279 = tpu.memref_squeeze %dma_wait3A_278 : memref<1x128x128xf32, #tpu.memory_space<vmem>> -> memref<128x128xf32, #tpu.memory_space<vmem>>
        %dma_wait3A_280 = arith.constant 0 : i32
        %dma_wait3A_281 = arith.constant 0 : i32
        %dma_wait3A_282 = tpu.memref_slice %arg2[%dma_wait3A_280, %dma_wait3A_281] : memref<10000x128xf32, #tpu.memory_space<hbm>> -> memref<128x128xf32, #tpu.memory_space<hbm>>
        %dma_wait3A_283 = tpu.memref_slice %arg10[%rem3A_271] : memref<3x!tpu.dma_semaphore, #tpu.memory_space<semaphore_mem>> -> memref<1x!tpu.dma_semaphore, #tpu.memory_space<semaphore_mem>>
        %dma_wait3A_284 = tpu.memref_squeeze %dma_wait3A_283 : memref<1x!tpu.dma_semaphore, #tpu.memory_space<semaphore_mem>> -> memref<!tpu.dma_semaphore, #tpu.memory_space<semaphore_mem>>
        %dma_wait3A_285 = arith.constant 0 : i32
        %dma_wait3A_286 = arith.constant 0 : i32
        %dma_wait3A_287 = tpu.memref_slice %arg7[%rem3A_271, %dma_wait3A_285, %dma_wait3A_286] : memref<3x128x128xf32, #tpu.memory_space<vmem>> -> memref<1x128x128xf32, #tpu.memory_space<vmem>>
        %dma_wait3A_288 = tpu.memref_squeeze %dma_wait3A_287 : memref<1x128x128xf32, #tpu.memory_space<vmem>> -> memref<128x128xf32, #tpu.memory_space<vmem>>
        %dma_wait3A_289 = arith.constant 0 : i32
        %dma_wait3A_290 = arith.constant 0 : i32
        %dma_wait3A_291 = tpu.memref_slice %arg2[%dma_wait3A_289, %dma_wait3A_290] : memref<10000x128xf32, #tpu.memory_space<hbm>> -> memref<128x128xf32, #tpu.memory_space<hbm>>
        tpu.wait_dma2 semaphore(%dma_wait3A_284 : memref<!tpu.dma_semaphore, #tpu.memory_space<semaphore_mem>>) src(%dma_wait3A_291 : memref<128x128xf32, #tpu.memory_space<hbm>>) dst(%dma_wait3A_288 : memref<128x128xf32, #tpu.memory_space<vmem>>)
        %dma_start3A_292 = arith.constant 0 : i32
        %dma_start3A_293 = arith.constant 0 : i32
        %dma_start3A_294 = arith.constant 0 : i32
        %dma_start3A_295 = tpu.memref_slice %arg7[%rem3A_271, %dma_start3A_293, %dma_start3A_294] : memref<3x128x128xf32, #tpu.memory_space<vmem>> -> memref<1x128x128xf32, #tpu.memory_space<vmem>>
        %dma_start3A_296 = tpu.memref_squeeze %dma_start3A_295 : memref<1x128x128xf32, #tpu.memory_space<vmem>> -> memref<128x128xf32, #tpu.memory_space<vmem>>
        %dma_start3A_297 = arith.constant 0 : i32
        %dma_start3A_298 = tpu.memref_slice %arg6[%rem3A_275, %dma_start3A_292, %dma_start3A_297] : memref<4x1x128xi32, #tpu.memory_space<vmem>> -> memref<1x1x128xi32, #tpu.memory_space<vmem>>
        %dma_start3A_299 = tpu.memref_squeeze %dma_start3A_298 : memref<1x1x128xi32, #tpu.memory_space<vmem>> -> memref<128xi32, #tpu.memory_space<vmem>>
        %dma_start3A_300 = arith.constant 0 : i32
        %dma_start3A_301 = arith.constant 0 : i32
        %dma_start3A_302 = tpu.memref_slice %arg8[%dma_start3A_300, %dma_start3A_301] : memref<10000x128xf32, #tpu.memory_space<vmem_shared>> -> memref<10000x128xf32, #tpu.memory_space<vmem_shared>>
        %dma_start3A_303 = tpu.memref_slice %arg11[%rem3A_271] : memref<3x!tpu.dma_semaphore, #tpu.memory_space<semaphore_mem>> -> memref<1x!tpu.dma_semaphore, #tpu.memory_space<semaphore_mem>>
        %dma_start3A_304 = tpu.memref_squeeze %dma_start3A_303 : memref<1x!tpu.dma_semaphore, #tpu.memory_space<semaphore_mem>> -> memref<!tpu.dma_semaphore, #tpu.memory_space<semaphore_mem>>
        tpu.enqueue_indirect_dma source(%dma_start3A_296 : memref<128x128xf32, #tpu.memory_space<vmem>>) target(%dma_start3A_302 : memref<10000x128xf32, #tpu.memory_space<vmem_shared>>) offsets(%dma_start3A_299 : memref<128xi32, #tpu.memory_space<vmem>>) semaphore(%dma_start3A_304 : memref<!tpu.dma_semaphore, #tpu.memory_space<semaphore_mem>>) {add = true}
      } else {
      }
      %add3A_261 = arith.constant 2 : i32
      %add3A_262 = arith.addi %add3A_211, %add3A_261 : i32
      %lt3A_263 = arith.constant 78 : i32
      %lt3A_264 = arith.cmpi slt, %add3A_262, %lt3A_263 : i32
      %convert_element_type3A_265 = arith.extui %lt3A_264 : i1 to i32
      %cond3A_266 = arith.constant 0 : i32
      %cond3A_267 = arith.cmpi ne, %convert_element_type3A_265, %cond3A_266 : i32
      scf.if %cond3A_267 {
        %add3A_268 = arith.constant 2 : i32
        %add3A_269 = arith.addi %add3A_211, %add3A_268 : i32
        %add3A_270 = arith.constant 2 : i32
        %add3A_271 = arith.addi %add3A_211, %add3A_270 : i32
        %rem3A_272 = arith.constant 4 : i32
        %rem3A_273 = arith.remsi %add3A_271, %rem3A_272 : i32
        %mul3A_274 = arith.constant 128 : i32
        %mul3A_275 = arith.muli %add3A_269, %mul3A_274 : i32
        %add3A_276 = arith.addi %mul3A_4, %mul3A_275 : i32
        %dma_start3A_277 = arith.constant 0 : i32
        %dma_start3A_278 = tpu.memref_slice %arg5[%rem3A_273, %dma_start3A_277] : memref<4x128xi32, #tpu.memory_space<vmem>> -> memref<1x128xi32, #tpu.memory_space<vmem>>
        %dma_start3A_279 = tpu.memref_squeeze %dma_start3A_278 : memref<1x128xi32, #tpu.memory_space<vmem>> -> memref<128xi32, #tpu.memory_space<vmem>>
        %dma_start3A_280 = tpu.memref_slice %arg3[%add3A_276] : memref<640000xi32, #tpu.memory_space<hbm>> -> memref<128xi32, #tpu.memory_space<hbm>>
        %dma_start3A_281 = tpu.memref_slice %arg9[%rem3A_273] : memref<4x!tpu.dma_semaphore, #tpu.memory_space<semaphore_mem>> -> memref<1x!tpu.dma_semaphore, #tpu.memory_space<semaphore_mem>>
        %dma_start3A_282 = tpu.memref_squeeze %dma_start3A_281 : memref<1x!tpu.dma_semaphore, #tpu.memory_space<semaphore_mem>> -> memref<!tpu.dma_semaphore, #tpu.memory_space<semaphore_mem>>
        %dma_start3A_283 = arith.constant 0 : i32
        %dma_start3A_284 = tpu.memref_slice %arg5[%rem3A_273, %dma_start3A_283] : memref<4x128xi32, #tpu.memory_space<vmem>> -> memref<1x128xi32, #tpu.memory_space<vmem>>
        %dma_start3A_285 = tpu.memref_squeeze %dma_start3A_284 : memref<1x128xi32, #tpu.memory_space<vmem>> -> memref<128xi32, #tpu.memory_space<vmem>>
        %dma_start3A_286 = tpu.memref_slice %arg3[%add3A_276] : memref<640000xi32, #tpu.memory_space<hbm>> -> memref<128xi32, #tpu.memory_space<hbm>>
        tpu.enqueue_dma source(%dma_start3A_286 : memref<128xi32, #tpu.memory_space<hbm>>) target(%dma_start3A_285 : memref<128xi32, #tpu.memory_space<vmem>>) target_semaphore(%dma_start3A_282 : memref<!tpu.dma_semaphore, #tpu.memory_space<semaphore_mem>>)
        %add3A_287 = arith.constant 320000 : i32
        %add3A_288 = arith.addi %add3A_287, %mul3A_4 : i32
        %mul3A_289 = arith.constant 128 : i32
        %mul3A_290 = arith.muli %add3A_269, %mul3A_289 : i32
        %add3A_291 = arith.addi %add3A_288, %mul3A_290 : i32
        %dma_start3A_292 = arith.constant 0 : i32
        %dma_start3A_293 = arith.constant 0 : i32
        %dma_start3A_294 = tpu.memref_slice %arg6[%rem3A_273, %dma_start3A_292, %dma_start3A_293] : memref<4x1x128xi32, #tpu.memory_space<vmem>> -> memref<1x1x128xi32, #tpu.memory_space<vmem>>
        %dma_start3A_295 = tpu.memref_squeeze %dma_start3A_294 : memref<1x1x128xi32, #tpu.memory_space<vmem>> -> memref<128xi32, #tpu.memory_space<vmem>>
        %dma_start3A_296 = tpu.memref_slice %arg3[%add3A_291] : memref<640000xi32, #tpu.memory_space<hbm>> -> memref<128xi32, #tpu.memory_space<hbm>>
        %dma_start3A_297 = tpu.memref_slice %arg9[%rem3A_273] : memref<4x!tpu.dma_semaphore, #tpu.memory_space<semaphore_mem>> -> memref<1x!tpu.dma_semaphore, #tpu.memory_space<semaphore_mem>>
        %dma_start3A_298 = tpu.memref_squeeze %dma_start3A_297 : memref<1x!tpu.dma_semaphore, #tpu.memory_space<semaphore_mem>> -> memref<!tpu.dma_semaphore, #tpu.memory_space<semaphore_mem>>
        %dma_start3A_299 = arith.constant 0 : i32
        %dma_start3A_300 = tpu.memref_slice %arg6[%rem3A_273, %dma_start3A_292, %dma_start3A_299] : memref<4x1x128xi32, #tpu.memory_space<vmem>> -> memref<1x1x128xi32, #tpu.memory_space<vmem>>
        %dma_start3A_301 = tpu.memref_squeeze %dma_start3A_300 : memref<1x1x128xi32, #tpu.memory_space<vmem>> -> memref<128xi32, #tpu.memory_space<vmem>>
        %dma_start3A_302 = tpu.memref_slice %arg3[%add3A_291] : memref<640000xi32, #tpu.memory_space<hbm>> -> memref<128xi32, #tpu.memory_space<hbm>>
        tpu.enqueue_dma source(%dma_start3A_302 : memref<128xi32, #tpu.memory_space<hbm>>) target(%dma_start3A_301 : memref<128xi32, #tpu.memory_space<vmem>>) target_semaphore(%dma_start3A_298 : memref<!tpu.dma_semaphore, #tpu.memory_space<semaphore_mem>>)
      } else {
      }
    }
    %scan3A_76 = arith.constant 78 : i32
    %dma_wait3A = arith.constant 1 : i32
    %dma_wait3A_77 = arith.constant 1 : i32
    %dma_wait3A_78 = arith.constant 0 : i32
    %dma_wait3A_79 = arith.constant 0 : i32
    %dma_wait3A_80 = tpu.memref_slice %arg7[%dma_wait3A, %dma_wait3A_78, %dma_wait3A_79] : memref<3x128x128xf32, #tpu.memory_space<vmem>> -> memref<1x128x128xf32, #tpu.memory_space<vmem>>
    %dma_wait3A_81 = tpu.memref_squeeze %dma_wait3A_80 : memref<1x128x128xf32, #tpu.memory_space<vmem>> -> memref<128x128xf32, #tpu.memory_space<vmem>>
    %dma_wait3A_82 = arith.constant 0 : i32
    %dma_wait3A_83 = arith.constant 0 : i32
    %dma_wait3A_84 = tpu.memref_slice %arg2[%dma_wait3A_82, %dma_wait3A_83] : memref<10000x128xf32, #tpu.memory_space<hbm>> -> memref<128x128xf32, #tpu.memory_space<hbm>>
    %dma_wait3A_85 = tpu.memref_slice %arg10[%dma_wait3A_77] : memref<3x!tpu.dma_semaphore, #tpu.memory_space<semaphore_mem>> -> memref<1x!tpu.dma_semaphore, #tpu.memory_space<semaphore_mem>>
    %dma_wait3A_86 = tpu.memref_squeeze %dma_wait3A_85 : memref<1x!tpu.dma_semaphore, #tpu.memory_space<semaphore_mem>> -> memref<!tpu.dma_semaphore, #tpu.memory_space<semaphore_mem>>
    %dma_wait3A_87 = arith.constant 0 : i32
    %dma_wait3A_88 = arith.constant 0 : i32
    %dma_wait3A_89 = tpu.memref_slice %arg7[%dma_wait3A, %dma_wait3A_87, %dma_wait3A_88] : memref<3x128x128xf32, #tpu.memory_space<vmem>> -> memref<1x128x128xf32, #tpu.memory_space<vmem>>
    %dma_wait3A_90 = tpu.memref_squeeze %dma_wait3A_89 : memref<1x128x128xf32, #tpu.memory_space<vmem>> -> memref<128x128xf32, #tpu.memory_space<vmem>>
    %dma_wait3A_91 = arith.constant 0 : i32
    %dma_wait3A_92 = arith.constant 0 : i32
    %dma_wait3A_93 = tpu.memref_slice %arg2[%dma_wait3A_91, %dma_wait3A_92] : memref<10000x128xf32, #tpu.memory_space<hbm>> -> memref<128x128xf32, #tpu.memory_space<hbm>>
    tpu.wait_dma2 semaphore(%dma_wait3A_86 : memref<!tpu.dma_semaphore, #tpu.memory_space<semaphore_mem>>) src(%dma_wait3A_93 : memref<128x128xf32, #tpu.memory_space<hbm>>) dst(%dma_wait3A_90 : memref<128x128xf32, #tpu.memory_space<vmem>>)
    %dma_start3A_94 = arith.constant 1 : i32
    %dma_start3A_95 = arith.constant 0 : i32
    %dma_start3A_96 = arith.constant 0 : i32
    %dma_start3A_97 = arith.constant 1 : i32
    %dma_start3A_98 = arith.constant 0 : i32
    %dma_start3A_99 = arith.constant 0 : i32
    %dma_start3A_100 = tpu.memref_slice %arg7[%dma_start3A_94, %dma_start3A_98, %dma_start3A_99] : memref<3x128x128xf32, #tpu.memory_space<vmem>> -> memref<1x128x128xf32, #tpu.memory_space<vmem>>
    %dma_start3A_101 = tpu.memref_squeeze %dma_start3A_100 : memref<1x128x128xf32, #tpu.memory_space<vmem>> -> memref<128x128xf32, #tpu.memory_space<vmem>>
    %dma_start3A_102 = arith.constant 0 : i32
    %dma_start3A_103 = tpu.memref_slice %arg6[%dma_start3A_95, %dma_start3A_96, %dma_start3A_102] : memref<4x1x128xi32, #tpu.memory_space<vmem>> -> memref<1x1x128xi32, #tpu.memory_space<vmem>>
    %dma_start3A_104 = tpu.memref_squeeze %dma_start3A_103 : memref<1x1x128xi32, #tpu.memory_space<vmem>> -> memref<128xi32, #tpu.memory_space<vmem>>
    %dma_start3A_105 = arith.constant 0 : i32
    %dma_start3A_106 = arith.constant 0 : i32
    %dma_start3A_107 = tpu.memref_slice %arg8[%dma_start3A_105, %dma_start3A_106] : memref<10000x128xf32, #tpu.memory_space<vmem_shared>> -> memref<10000x128xf32, #tpu.memory_space<vmem_shared>>
    %dma_start3A_108 = tpu.memref_slice %arg11[%dma_start3A_97] : memref<3x!tpu.dma_semaphore, #tpu.memory_space<semaphore_mem>> -> memref<1x!tpu.dma_semaphore, #tpu.memory_space<semaphore_mem>>
    %dma_start3A_109 = tpu.memref_squeeze %dma_start3A_108 : memref<1x!tpu.dma_semaphore, #tpu.memory_space<semaphore_mem>> -> memref<!tpu.dma_semaphore, #tpu.memory_space<semaphore_mem>>
    tpu.enqueue_indirect_dma source(%dma_start3A_101 : memref<128x128xf32, #tpu.memory_space<vmem>>) target(%dma_start3A_107 : memref<10000x128xf32, #tpu.memory_space<vmem_shared>>) offsets(%dma_start3A_104 : memref<128xi32, #tpu.memory_space<vmem>>) semaphore(%dma_start3A_109 : memref<!tpu.dma_semaphore, #tpu.memory_space<semaphore_mem>>) {add = true}
    %dma_wait3A_110 = arith.constant 2 : i32
    %dma_wait3A_111 = arith.constant 2 : i32
    %dma_wait3A_112 = arith.constant 0 : i32
    %dma_wait3A_113 = arith.constant 0 : i32
    %dma_wait3A_114 = tpu.memref_slice %arg7[%dma_wait3A_110, %dma_wait3A_112, %dma_wait3A_113] : memref<3x128x128xf32, #tpu.memory_space<vmem>> -> memref<1x128x128xf32, #tpu.memory_space<vmem>>
    %dma_wait3A_115 = tpu.memref_squeeze %dma_wait3A_114 : memref<1x128x128xf32, #tpu.memory_space<vmem>> -> memref<128x128xf32, #tpu.memory_space<vmem>>
    %dma_wait3A_116 = arith.constant 0 : i32
    %dma_wait3A_117 = arith.constant 0 : i32
    %dma_wait3A_118 = tpu.memref_slice %arg2[%dma_wait3A_116, %dma_wait3A_117] : memref<10000x128xf32, #tpu.memory_space<hbm>> -> memref<128x128xf32, #tpu.memory_space<hbm>>
    %dma_wait3A_119 = tpu.memref_slice %arg10[%dma_wait3A_111] : memref<3x!tpu.dma_semaphore, #tpu.memory_space<semaphore_mem>> -> memref<1x!tpu.dma_semaphore, #tpu.memory_space<semaphore_mem>>
    %dma_wait3A_120 = tpu.memref_squeeze %dma_wait3A_119 : memref<1x!tpu.dma_semaphore, #tpu.memory_space<semaphore_mem>> -> memref<!tpu.dma_semaphore, #tpu.memory_space<semaphore_mem>>
    %dma_wait3A_121 = arith.constant 0 : i32
    %dma_wait3A_122 = arith.constant 0 : i32
    %dma_wait3A_123 = tpu.memref_slice %arg7[%dma_wait3A_110, %dma_wait3A_121, %dma_wait3A_122] : memref<3x128x128xf32, #tpu.memory_space<vmem>> -> memref<1x128x128xf32, #tpu.memory_space<vmem>>
    %dma_wait3A_124 = tpu.memref_squeeze %dma_wait3A_123 : memref<1x128x128xf32, #tpu.memory_space<vmem>> -> memref<128x128xf32, #tpu.memory_space<vmem>>
    %dma_wait3A_125 = arith.constant 0 : i32
    %dma_wait3A_126 = arith.constant 0 : i32
    %dma_wait3A_127 = tpu.memref_slice %arg2[%dma_wait3A_125, %dma_wait3A_126] : memref<10000x128xf32, #tpu.memory_space<hbm>> -> memref<128x128xf32, #tpu.memory_space<hbm>>
    tpu.wait_dma2 semaphore(%dma_wait3A_120 : memref<!tpu.dma_semaphore, #tpu.memory_space<semaphore_mem>>) src(%dma_wait3A_127 : memref<128x128xf32, #tpu.memory_space<hbm>>) dst(%dma_wait3A_124 : memref<128x128xf32, #tpu.memory_space<vmem>>)
    %dma_start3A_128 = arith.constant 2 : i32
    %dma_start3A_129 = arith.constant 1 : i32
    %dma_start3A_130 = arith.constant 0 : i32
    %dma_start3A_131 = arith.constant 2 : i32
    %dma_start3A_132 = arith.constant 0 : i32
    %dma_start3A_133 = arith.constant 0 : i32
    %dma_start3A_134 = tpu.memref_slice %arg7[%dma_start3A_128, %dma_start3A_132, %dma_start3A_133] : memref<3x128x128xf32, #tpu.memory_space<vmem>> -> memref<1x128x128xf32, #tpu.memory_space<vmem>>
    %dma_start3A_135 = tpu.memref_squeeze %dma_start3A_134 : memref<1x128x128xf32, #tpu.memory_space<vmem>> -> memref<128x128xf32, #tpu.memory_space<vmem>>
    %dma_start3A_136 = arith.constant 0 : i32
    %dma_start3A_137 = tpu.memref_slice %arg6[%dma_start3A_129, %dma_start3A_130, %dma_start3A_136] : memref<4x1x128xi32, #tpu.memory_space<vmem>> -> memref<1x1x128xi32, #tpu.memory_space<vmem>>
    %dma_start3A_138 = tpu.memref_squeeze %dma_start3A_137 : memref<1x1x128xi32, #tpu.memory_space<vmem>> -> memref<128xi32, #tpu.memory_space<vmem>>
    %dma_start3A_139 = arith.constant 0 : i32
    %dma_start3A_140 = arith.constant 0 : i32
    %dma_start3A_141 = tpu.memref_slice %arg8[%dma_start3A_139, %dma_start3A_140] : memref<10000x128xf32, #tpu.memory_space<vmem_shared>> -> memref<10000x128xf32, #tpu.memory_space<vmem_shared>>
    %dma_start3A_142 = tpu.memref_slice %arg11[%dma_start3A_131] : memref<3x!tpu.dma_semaphore, #tpu.memory_space<semaphore_mem>> -> memref<1x!tpu.dma_semaphore, #tpu.memory_space<semaphore_mem>>
    %dma_start3A_143 = tpu.memref_squeeze %dma_start3A_142 : memref<1x!tpu.dma_semaphore, #tpu.memory_space<semaphore_mem>> -> memref<!tpu.dma_semaphore, #tpu.memory_space<semaphore_mem>>
    tpu.enqueue_indirect_dma source(%dma_start3A_135 : memref<128x128xf32, #tpu.memory_space<vmem>>) target(%dma_start3A_141 : memref<10000x128xf32, #tpu.memory_space<vmem_shared>>) offsets(%dma_start3A_138 : memref<128xi32, #tpu.memory_space<vmem>>) semaphore(%dma_start3A_143 : memref<!tpu.dma_semaphore, #tpu.memory_space<semaphore_mem>>) {add = true}
    %dma_wait3A_144 = arith.constant 0 : i32
    %dma_wait3A_145 = arith.constant 3 : i32
    %dma_wait3A_146 = arith.constant 0 : i32
    %dma_wait3A_147 = arith.constant 0 : i32
    %dma_wait3A_148 = arith.constant 0 : i32
    %dma_wait3A_149 = arith.constant 0 : i32
    %dma_wait3A_150 = tpu.memref_slice %arg7[%dma_wait3A_144, %dma_wait3A_148, %dma_wait3A_149] : memref<3x128x128xf32, #tpu.memory_space<vmem>> -> memref<1x128x128xf32, #tpu.memory_space<vmem>>
    %dma_wait3A_151 = tpu.memref_squeeze %dma_wait3A_150 : memref<1x128x128xf32, #tpu.memory_space<vmem>> -> memref<128x128xf32, #tpu.memory_space<vmem>>
    %dma_wait3A_152 = arith.constant 0 : i32
    %dma_wait3A_153 = tpu.memref_slice %arg6[%dma_wait3A_145, %dma_wait3A_146, %dma_wait3A_152] : memref<4x1x128xi32, #tpu.memory_space<vmem>> -> memref<1x1x128xi32, #tpu.memory_space<vmem>>
    %dma_wait3A_154 = tpu.memref_squeeze %dma_wait3A_153 : memref<1x1x128xi32, #tpu.memory_space<vmem>> -> memref<128xi32, #tpu.memory_space<vmem>>
    %dma_wait3A_155 = arith.constant 0 : i32
    %dma_wait3A_156 = arith.constant 0 : i32
    %dma_wait3A_157 = tpu.memref_slice %arg8[%dma_wait3A_155, %dma_wait3A_156] : memref<10000x128xf32, #tpu.memory_space<vmem_shared>> -> memref<10000x128xf32, #tpu.memory_space<vmem_shared>>
    %dma_wait3A_158 = tpu.memref_slice %arg11[%dma_wait3A_147] : memref<3x!tpu.dma_semaphore, #tpu.memory_space<semaphore_mem>> -> memref<1x!tpu.dma_semaphore, #tpu.memory_space<semaphore_mem>>
    %dma_wait3A_159 = tpu.memref_squeeze %dma_wait3A_158 : memref<1x!tpu.dma_semaphore, #tpu.memory_space<semaphore_mem>> -> memref<!tpu.dma_semaphore, #tpu.memory_space<semaphore_mem>>
    tpu.wait_indirect_dma semaphore(%dma_wait3A_159 : memref<!tpu.dma_semaphore, #tpu.memory_space<semaphore_mem>>) src(%dma_wait3A_151 : memref<128x128xf32, #tpu.memory_space<vmem>>) dst(%dma_wait3A_157 : memref<10000x128xf32, #tpu.memory_space<vmem_shared>>)
    %dma_wait3A_160 = arith.constant 1 : i32
    %dma_wait3A_161 = arith.constant 0 : i32
    %dma_wait3A_162 = arith.constant 0 : i32
    %dma_wait3A_163 = arith.constant 1 : i32
    %dma_wait3A_164 = arith.constant 0 : i32
    %dma_wait3A_165 = arith.constant 0 : i32
    %dma_wait3A_166 = tpu.memref_slice %arg7[%dma_wait3A_160, %dma_wait3A_164, %dma_wait3A_165] : memref<3x128x128xf32, #tpu.memory_space<vmem>> -> memref<1x128x128xf32, #tpu.memory_space<vmem>>
    %dma_wait3A_167 = tpu.memref_squeeze %dma_wait3A_166 : memref<1x128x128xf32, #tpu.memory_space<vmem>> -> memref<128x128xf32, #tpu.memory_space<vmem>>
    %dma_wait3A_168 = arith.constant 0 : i32
    %dma_wait3A_169 = tpu.memref_slice %arg6[%dma_wait3A_161, %dma_wait3A_162, %dma_wait3A_168] : memref<4x1x128xi32, #tpu.memory_space<vmem>> -> memref<1x1x128xi32, #tpu.memory_space<vmem>>
    %dma_wait3A_170 = tpu.memref_squeeze %dma_wait3A_169 : memref<1x1x128xi32, #tpu.memory_space<vmem>> -> memref<128xi32, #tpu.memory_space<vmem>>
    %dma_wait3A_171 = arith.constant 0 : i32
    %dma_wait3A_172 = arith.constant 0 : i32
    %dma_wait3A_173 = tpu.memref_slice %arg8[%dma_wait3A_171, %dma_wait3A_172] : memref<10000x128xf32, #tpu.memory_space<vmem_shared>> -> memref<10000x128xf32, #tpu.memory_space<vmem_shared>>
    %dma_wait3A_174 = tpu.memref_slice %arg11[%dma_wait3A_163] : memref<3x!tpu.dma_semaphore, #tpu.memory_space<semaphore_mem>> -> memref<1x!tpu.dma_semaphore, #tpu.memory_space<semaphore_mem>>
    %dma_wait3A_175 = tpu.memref_squeeze %dma_wait3A_174 : memref<1x!tpu.dma_semaphore, #tpu.memory_space<semaphore_mem>> -> memref<!tpu.dma_semaphore, #tpu.memory_space<semaphore_mem>>
    tpu.wait_indirect_dma semaphore(%dma_wait3A_175 : memref<!tpu.dma_semaphore, #tpu.memory_space<semaphore_mem>>) src(%dma_wait3A_167 : memref<128x128xf32, #tpu.memory_space<vmem>>) dst(%dma_wait3A_173 : memref<10000x128xf32, #tpu.memory_space<vmem_shared>>)
    %dma_wait3A_176 = arith.constant 2 : i32
    %dma_wait3A_177 = arith.constant 1 : i32
    %dma_wait3A_178 = arith.constant 0 : i32
    %dma_wait3A_179 = arith.constant 2 : i32
    %dma_wait3A_180 = arith.constant 0 : i32
    %dma_wait3A_181 = arith.constant 0 : i32
    %dma_wait3A_182 = tpu.memref_slice %arg7[%dma_wait3A_176, %dma_wait3A_180, %dma_wait3A_181] : memref<3x128x128xf32, #tpu.memory_space<vmem>> -> memref<1x128x128xf32, #tpu.memory_space<vmem>>
    %dma_wait3A_183 = tpu.memref_squeeze %dma_wait3A_182 : memref<1x128x128xf32, #tpu.memory_space<vmem>> -> memref<128x128xf32, #tpu.memory_space<vmem>>
    %dma_wait3A_184 = arith.constant 0 : i32
    %dma_wait3A_185 = tpu.memref_slice %arg6[%dma_wait3A_177, %dma_wait3A_178, %dma_wait3A_184] : memref<4x1x128xi32, #tpu.memory_space<vmem>> -> memref<1x1x128xi32, #tpu.memory_space<vmem>>
    %dma_wait3A_186 = tpu.memref_squeeze %dma_wait3A_185 : memref<1x1x128xi32, #tpu.memory_space<vmem>> -> memref<128xi32, #tpu.memory_space<vmem>>
    %dma_wait3A_187 = arith.constant 0 : i32
    %dma_wait3A_188 = arith.constant 0 : i32
    %dma_wait3A_189 = tpu.memref_slice %arg8[%dma_wait3A_187, %dma_wait3A_188] : memref<10000x128xf32, #tpu.memory_space<vmem_shared>> -> memref<10000x128xf32, #tpu.memory_space<vmem_shared>>
    %dma_wait3A_190 = tpu.memref_slice %arg11[%dma_wait3A_179] : memref<3x!tpu.dma_semaphore, #tpu.memory_space<semaphore_mem>> -> memref<1x!tpu.dma_semaphore, #tpu.memory_space<semaphore_mem>>
    %dma_wait3A_191 = tpu.memref_squeeze %dma_wait3A_190 : memref<1x!tpu.dma_semaphore, #tpu.memory_space<semaphore_mem>> -> memref<!tpu.dma_semaphore, #tpu.memory_space<semaphore_mem>>
    tpu.wait_indirect_dma semaphore(%dma_wait3A_191 : memref<!tpu.dma_semaphore, #tpu.memory_space<semaphore_mem>>) src(%dma_wait3A_183 : memref<128x128xf32, #tpu.memory_space<vmem>>) dst(%dma_wait3A_189 : memref<10000x128xf32, #tpu.memory_space<vmem_shared>>)
    %lt3A = arith.constant 4 : i32
    %lt3A_192 = arith.cmpi slt, %add3A, %lt3A : i32
    %convert_element_type3A_193 = arith.extui %lt3A_192 : i1 to i32
    %cond3A_194 = arith.constant 0 : i32
    %cond3A_195 = arith.cmpi ne, %convert_element_type3A_193, %cond3A_194 : i32
    scf.if %cond3A_195 {
      %mul3A_207 = arith.constant 128 : i32
      %mul3A_208 = arith.muli %add3A, %mul3A_207 : i32
      %add3A_209 = arith.constant 319488 : i32
      %add3A_210 = arith.addi %add3A_209, %mul3A_208 : i32
      %run_scoped3A = arith.constant 0 : i32
      "tpu.region"() ({
        %run_scoped3A_220 = tpu.sem_alloc : memref<!tpu.dma_semaphore, #tpu.memory_space<semaphore_mem>>
        %dma_start3A_221 = arith.constant 0 : i32
        %dma_start3A_222 = tpu.memref_slice %arg5[%run_scoped3A, %dma_start3A_221] : memref<4x128xi32, #tpu.memory_space<vmem>> -> memref<1x128xi32, #tpu.memory_space<vmem>>
        %dma_start3A_223 = tpu.memref_squeeze %dma_start3A_222 : memref<1x128xi32, #tpu.memory_space<vmem>> -> memref<128xi32, #tpu.memory_space<vmem>>
        %dma_start3A_224 = tpu.memref_slice %arg3[%add3A_210] : memref<640000xi32, #tpu.memory_space<hbm>> -> memref<128xi32, #tpu.memory_space<hbm>>
        %dma_start3A_225 = arith.constant 0 : i32
        %dma_start3A_226 = tpu.memref_slice %arg5[%run_scoped3A, %dma_start3A_225] : memref<4x128xi32, #tpu.memory_space<vmem>> -> memref<1x128xi32, #tpu.memory_space<vmem>>
        %dma_start3A_227 = tpu.memref_squeeze %dma_start3A_226 : memref<1x128xi32, #tpu.memory_space<vmem>> -> memref<128xi32, #tpu.memory_space<vmem>>
        %dma_start3A_228 = tpu.memref_slice %arg3[%add3A_210] : memref<640000xi32, #tpu.memory_space<hbm>> -> memref<128xi32, #tpu.memory_space<hbm>>
        tpu.enqueue_dma source(%dma_start3A_228 : memref<128xi32, #tpu.memory_space<hbm>>) target(%dma_start3A_227 : memref<128xi32, #tpu.memory_space<vmem>>) target_semaphore(%run_scoped3A_220 : memref<!tpu.dma_semaphore, #tpu.memory_space<semaphore_mem>>)
        %dma_wait3A_229 = arith.constant 0 : i32
        %dma_wait3A_230 = tpu.memref_slice %arg5[%run_scoped3A, %dma_wait3A_229] : memref<4x128xi32, #tpu.memory_space<vmem>> -> memref<1x128xi32, #tpu.memory_space<vmem>>
        %dma_wait3A_231 = tpu.memref_squeeze %dma_wait3A_230 : memref<1x128xi32, #tpu.memory_space<vmem>> -> memref<128xi32, #tpu.memory_space<vmem>>
        %dma_wait3A_232 = tpu.memref_slice %arg3[%add3A_210] : memref<640000xi32, #tpu.memory_space<hbm>> -> memref<128xi32, #tpu.memory_space<hbm>>
        %dma_wait3A_233 = arith.constant 0 : i32
        %dma_wait3A_234 = tpu.memref_slice %arg5[%run_scoped3A, %dma_wait3A_233] : memref<4x128xi32, #tpu.memory_space<vmem>> -> memref<1x128xi32, #tpu.memory_space<vmem>>
        %dma_wait3A_235 = tpu.memref_squeeze %dma_wait3A_234 : memref<1x128xi32, #tpu.memory_space<vmem>> -> memref<128xi32, #tpu.memory_space<vmem>>
        %dma_wait3A_236 = tpu.memref_slice %arg3[%add3A_210] : memref<640000xi32, #tpu.memory_space<hbm>> -> memref<128xi32, #tpu.memory_space<hbm>>
        tpu.wait_dma2 semaphore(%run_scoped3A_220 : memref<!tpu.dma_semaphore, #tpu.memory_space<semaphore_mem>>) src(%dma_wait3A_236 : memref<128xi32, #tpu.memory_space<hbm>>) dst(%dma_wait3A_235 : memref<128xi32, #tpu.memory_space<vmem>>)
        tpu.yield
      }) : () -> ()
      %add3A_211 = arith.constant 320000 : i32
      %add3A_212 = arith.addi %add3A_211, %add3A_210 : i32
      %run_scoped3A_213 = arith.constant 0 : i32
      %run_scoped3A_214 = arith.constant 0 : i32
      "tpu.region"() ({
        %run_scoped3A_220 = tpu.sem_alloc : memref<!tpu.dma_semaphore, #tpu.memory_space<semaphore_mem>>
        %dma_start3A_221 = arith.constant 0 : i32
        %dma_start3A_222 = tpu.memref_slice %arg6[%run_scoped3A_213, %run_scoped3A_214, %dma_start3A_221] : memref<4x1x128xi32, #tpu.memory_space<vmem>> -> memref<1x1x128xi32, #tpu.memory_space<vmem>>
        %dma_start3A_223 = tpu.memref_squeeze %dma_start3A_222 : memref<1x1x128xi32, #tpu.memory_space<vmem>> -> memref<128xi32, #tpu.memory_space<vmem>>
        %dma_start3A_224 = tpu.memref_slice %arg3[%add3A_212] : memref<640000xi32, #tpu.memory_space<hbm>> -> memref<128xi32, #tpu.memory_space<hbm>>
        %dma_start3A_225 = arith.constant 0 : i32
        %dma_start3A_226 = tpu.memref_slice %arg6[%run_scoped3A_213, %run_scoped3A_214, %dma_start3A_225] : memref<4x1x128xi32, #tpu.memory_space<vmem>> -> memref<1x1x128xi32, #tpu.memory_space<vmem>>
        %dma_start3A_227 = tpu.memref_squeeze %dma_start3A_226 : memref<1x1x128xi32, #tpu.memory_space<vmem>> -> memref<128xi32, #tpu.memory_space<vmem>>
        %dma_start3A_228 = tpu.memref_slice %arg3[%add3A_212] : memref<640000xi32, #tpu.memory_space<hbm>> -> memref<128xi32, #tpu.memory_space<hbm>>
        tpu.enqueue_dma source(%dma_start3A_228 : memref<128xi32, #tpu.memory_space<hbm>>) target(%dma_start3A_227 : memref<128xi32, #tpu.memory_space<vmem>>) target_semaphore(%run_scoped3A_220 : memref<!tpu.dma_semaphore, #tpu.memory_space<semaphore_mem>>)
        %dma_wait3A_229 = arith.constant 0 : i32
        %dma_wait3A_230 = tpu.memref_slice %arg6[%run_scoped3A_213, %run_scoped3A_214, %dma_wait3A_229] : memref<4x1x128xi32, #tpu.memory_space<vmem>> -> memref<1x1x128xi32, #tpu.memory_space<vmem>>
        %dma_wait3A_231 = tpu.memref_squeeze %dma_wait3A_230 : memref<1x1x128xi32, #tpu.memory_space<vmem>> -> memref<128xi32, #tpu.memory_space<vmem>>
        %dma_wait3A_232 = tpu.memref_slice %arg3[%add3A_212] : memref<640000xi32, #tpu.memory_space<hbm>> -> memref<128xi32, #tpu.memory_space<hbm>>
        %dma_wait3A_233 = arith.constant 0 : i32
        %dma_wait3A_234 = tpu.memref_slice %arg6[%run_scoped3A_213, %run_scoped3A_214, %dma_wait3A_233] : memref<4x1x128xi32, #tpu.memory_space<vmem>> -> memref<1x1x128xi32, #tpu.memory_space<vmem>>
        %dma_wait3A_235 = tpu.memref_squeeze %dma_wait3A_234 : memref<1x1x128xi32, #tpu.memory_space<vmem>> -> memref<128xi32, #tpu.memory_space<vmem>>
        %dma_wait3A_236 = tpu.memref_slice %arg3[%add3A_212] : memref<640000xi32, #tpu.memory_space<hbm>> -> memref<128xi32, #tpu.memory_space<hbm>>
        tpu.wait_dma2 semaphore(%run_scoped3A_220 : memref<!tpu.dma_semaphore, #tpu.memory_space<semaphore_mem>>) src(%dma_wait3A_236 : memref<128xi32, #tpu.memory_space<hbm>>) dst(%dma_wait3A_235 : memref<128xi32, #tpu.memory_space<vmem>>)
        tpu.yield
      }) : () -> ()
      %run_scoped3A_215 = arith.constant 0 : i32
      %run_scoped3A_216 = arith.constant 0 : i32
      "tpu.region"() ({
        %run_scoped3A_220 = tpu.sem_alloc : memref<!tpu.dma_semaphore, #tpu.memory_space<semaphore_mem>>
        %dma_start3A_221 = arith.constant 0 : i32
        %dma_start3A_222 = arith.constant 0 : i32
        %dma_start3A_223 = tpu.memref_slice %arg7[%run_scoped3A_216, %dma_start3A_221, %dma_start3A_222] : memref<3x128x128xf32, #tpu.memory_space<vmem>> -> memref<1x128x128xf32, #tpu.memory_space<vmem>>
        %dma_start3A_224 = tpu.memref_squeeze %dma_start3A_223 : memref<1x128x128xf32, #tpu.memory_space<vmem>> -> memref<128x128xf32, #tpu.memory_space<vmem>>
        %dma_start3A_225 = arith.constant 0 : i32
        %dma_start3A_226 = tpu.memref_slice %arg5[%run_scoped3A_215, %dma_start3A_225] : memref<4x128xi32, #tpu.memory_space<vmem>> -> memref<1x128xi32, #tpu.memory_space<vmem>>
        %dma_start3A_227 = tpu.memref_squeeze %dma_start3A_226 : memref<1x128xi32, #tpu.memory_space<vmem>> -> memref<128xi32, #tpu.memory_space<vmem>>
        %dma_start3A_228 = arith.constant 0 : i32
        %dma_start3A_229 = arith.constant 0 : i32
        %dma_start3A_230 = tpu.memref_slice %arg2[%dma_start3A_228, %dma_start3A_229] : memref<10000x128xf32, #tpu.memory_space<hbm>> -> memref<10000x128xf32, #tpu.memory_space<hbm>>
        tpu.enqueue_indirect_dma source(%dma_start3A_230 : memref<10000x128xf32, #tpu.memory_space<hbm>>) target(%dma_start3A_224 : memref<128x128xf32, #tpu.memory_space<vmem>>) offsets(%dma_start3A_227 : memref<128xi32, #tpu.memory_space<vmem>>) semaphore(%run_scoped3A_220 : memref<!tpu.dma_semaphore, #tpu.memory_space<semaphore_mem>>)
        %dma_wait3A_231 = arith.constant 0 : i32
        %dma_wait3A_232 = arith.constant 0 : i32
        %dma_wait3A_233 = tpu.memref_slice %arg7[%run_scoped3A_216, %dma_wait3A_231, %dma_wait3A_232] : memref<3x128x128xf32, #tpu.memory_space<vmem>> -> memref<1x128x128xf32, #tpu.memory_space<vmem>>
        %dma_wait3A_234 = tpu.memref_squeeze %dma_wait3A_233 : memref<1x128x128xf32, #tpu.memory_space<vmem>> -> memref<128x128xf32, #tpu.memory_space<vmem>>
        %dma_wait3A_235 = arith.constant 0 : i32
        %dma_wait3A_236 = tpu.memref_slice %arg5[%run_scoped3A_215, %dma_wait3A_235] : memref<4x128xi32, #tpu.memory_space<vmem>> -> memref<1x128xi32, #tpu.memory_space<vmem>>
        %dma_wait3A_237 = tpu.memref_squeeze %dma_wait3A_236 : memref<1x128xi32, #tpu.memory_space<vmem>> -> memref<128xi32, #tpu.memory_space<vmem>>
        %dma_wait3A_238 = arith.constant 0 : i32
        %dma_wait3A_239 = arith.constant 0 : i32
        %dma_wait3A_240 = tpu.memref_slice %arg2[%dma_wait3A_238, %dma_wait3A_239] : memref<10000x128xf32, #tpu.memory_space<hbm>> -> memref<10000x128xf32, #tpu.memory_space<hbm>>
        tpu.wait_indirect_dma semaphore(%run_scoped3A_220 : memref<!tpu.dma_semaphore, #tpu.memory_space<semaphore_mem>>) src(%dma_wait3A_240 : memref<10000x128xf32, #tpu.memory_space<hbm>>) dst(%dma_wait3A_234 : memref<128x128xf32, #tpu.memory_space<vmem>>)
        tpu.yield
      }) : () -> ()
      %run_scoped3A_217 = arith.constant 0 : i32
      %run_scoped3A_218 = arith.constant 0 : i32
      %run_scoped3A_219 = arith.constant 0 : i32
      "tpu.region"() ({
        %run_scoped3A_220 = tpu.sem_alloc : memref<!tpu.dma_semaphore, #tpu.memory_space<semaphore_mem>>
        %dma_start3A_221 = arith.constant 0 : i32
        %dma_start3A_222 = arith.constant 0 : i32
        %dma_start3A_223 = tpu.memref_slice %arg7[%run_scoped3A_217, %dma_start3A_221, %dma_start3A_222] : memref<3x128x128xf32, #tpu.memory_space<vmem>> -> memref<1x128x128xf32, #tpu.memory_space<vmem>>
        %dma_start3A_224 = tpu.memref_squeeze %dma_start3A_223 : memref<1x128x128xf32, #tpu.memory_space<vmem>> -> memref<128x128xf32, #tpu.memory_space<vmem>>
        %dma_start3A_225 = arith.constant 0 : i32
        %dma_start3A_226 = tpu.memref_slice %arg6[%run_scoped3A_218, %run_scoped3A_219, %dma_start3A_225] : memref<4x1x128xi32, #tpu.memory_space<vmem>> -> memref<1x1x128xi32, #tpu.memory_space<vmem>>
        %dma_start3A_227 = tpu.memref_squeeze %dma_start3A_226 : memref<1x1x128xi32, #tpu.memory_space<vmem>> -> memref<128xi32, #tpu.memory_space<vmem>>
        %dma_start3A_228 = arith.constant 0 : i32
        %dma_start3A_229 = arith.constant 0 : i32
        %dma_start3A_230 = tpu.memref_slice %arg8[%dma_start3A_228, %dma_start3A_229] : memref<10000x128xf32, #tpu.memory_space<vmem_shared>> -> memref<10000x128xf32, #tpu.memory_space<vmem_shared>>
        tpu.enqueue_indirect_dma source(%dma_start3A_224 : memref<128x128xf32, #tpu.memory_space<vmem>>) target(%dma_start3A_230 : memref<10000x128xf32, #tpu.memory_space<vmem_shared>>) offsets(%dma_start3A_227 : memref<128xi32, #tpu.memory_space<vmem>>) semaphore(%run_scoped3A_220 : memref<!tpu.dma_semaphore, #tpu.memory_space<semaphore_mem>>) {add = true}
        %dma_wait3A_231 = arith.constant 0 : i32
        %dma_wait3A_232 = arith.constant 0 : i32
        %dma_wait3A_233 = tpu.memref_slice %arg7[%run_scoped3A_217, %dma_wait3A_231, %dma_wait3A_232] : memref<3x128x128xf32, #tpu.memory_space<vmem>> -> memref<1x128x128xf32, #tpu.memory_space<vmem>>
        %dma_wait3A_234 = tpu.memref_squeeze %dma_wait3A_233 : memref<1x128x128xf32, #tpu.memory_space<vmem>> -> memref<128x128xf32, #tpu.memory_space<vmem>>
        %dma_wait3A_235 = arith.constant 0 : i32
        %dma_wait3A_236 = tpu.memref_slice %arg6[%run_scoped3A_218, %run_scoped3A_219, %dma_wait3A_235] : memref<4x1x128xi32, #tpu.memory_space<vmem>> -> memref<1x1x128xi32, #tpu.memory_space<vmem>>
        %dma_wait3A_237 = tpu.memref_squeeze %dma_wait3A_236 : memref<1x1x128xi32, #tpu.memory_space<vmem>> -> memref<128xi32, #tpu.memory_space<vmem>>
        %dma_wait3A_238 = arith.constant 0 : i32
        %dma_wait3A_239 = arith.constant 0 : i32
        %dma_wait3A_240 = tpu.memref_slice %arg8[%dma_wait3A_238, %dma_wait3A_239] : memref<10000x128xf32, #tpu.memory_space<vmem_shared>> -> memref<10000x128xf32, #tpu.memory_space<vmem_shared>>
        tpu.wait_indirect_dma semaphore(%run_scoped3A_220 : memref<!tpu.dma_semaphore, #tpu.memory_space<semaphore_mem>>) src(%dma_wait3A_234 : memref<128x128xf32, #tpu.memory_space<vmem>>) dst(%dma_wait3A_240 : memref<10000x128xf32, #tpu.memory_space<vmem_shared>>)
        tpu.yield
      }) : () -> ()
    } else {
    }
    %barrier3A_196 = arith.constant 0 : index
    tpu.barrier barrier_id(%barrier3A_196)
    %lt3A_197 = arith.constant 15 : i32
    %lt3A_198 = arith.cmpi slt, %arg1, %lt3A_197 : i32
    %convert_element_type3A_199 = arith.extui %lt3A_198 : i1 to i32
    %cond3A_200 = arith.constant 0 : i32
    %cond3A_201 = arith.cmpi ne, %convert_element_type3A_199, %cond3A_200 : i32
    scf.if %cond3A_201 {
      %mul3A_207 = arith.constant 624 : i32
      %mul3A_208 = arith.muli %arg1, %mul3A_207 : i32
      %mul3A_209 = arith.constant 624 : i32
      %mul3A_210 = arith.muli %arg1, %mul3A_209 : i32
      "tpu.region"() ({
        %run_scoped3A = tpu.sem_alloc : memref<!tpu.dma_semaphore, #tpu.memory_space<semaphore_mem>>
        %dma_start3A_211 = arith.constant 0 : i32
        %dma_start3A_212 = tpu.memref_slice %arg4[%arg0, %mul3A_210, %dma_start3A_211] : memref<2x10000x128xf32, #tpu.memory_space<hbm>> -> memref<1x624x128xf32, #tpu.memory_space<hbm>>
        %dma_start3A_213 = tpu.memref_squeeze %dma_start3A_212 : memref<1x624x128xf32, #tpu.memory_space<hbm>> -> memref<624x128xf32, #tpu.memory_space<hbm>>
        %dma_start3A_214 = arith.constant 0 : i32
        %dma_start3A_215 = tpu.memref_slice %arg8[%mul3A_208, %dma_start3A_214] : memref<10000x128xf32, #tpu.memory_space<vmem_shared>> -> memref<624x128xf32, #tpu.memory_space<vmem_shared>>
        tpu.enqueue_dma source(%dma_start3A_215 : memref<624x128xf32, #tpu.memory_space<vmem_shared>>) target(%dma_start3A_213 : memref<624x128xf32, #tpu.memory_space<hbm>>) target_semaphore(%run_scoped3A : memref<!tpu.dma_semaphore, #tpu.memory_space<semaphore_mem>>)
        %dma_wait3A_216 = arith.constant 0 : i32
        %dma_wait3A_217 = tpu.memref_slice %arg4[%arg0, %mul3A_210, %dma_wait3A_216] : memref<2x10000x128xf32, #tpu.memory_space<hbm>> -> memref<1x624x128xf32, #tpu.memory_space<hbm>>
        %dma_wait3A_218 = tpu.memref_squeeze %dma_wait3A_217 : memref<1x624x128xf32, #tpu.memory_space<hbm>> -> memref<624x128xf32, #tpu.memory_space<hbm>>
        %dma_wait3A_219 = arith.constant 0 : i32
        %dma_wait3A_220 = tpu.memref_slice %arg8[%mul3A_208, %dma_wait3A_219] : memref<10000x128xf32, #tpu.memory_space<vmem_shared>> -> memref<624x128xf32, #tpu.memory_space<vmem_shared>>
        tpu.wait_dma2 semaphore(%run_scoped3A : memref<!tpu.dma_semaphore, #tpu.memory_space<semaphore_mem>>) src(%dma_wait3A_220 : memref<624x128xf32, #tpu.memory_space<vmem_shared>>) dst(%dma_wait3A_218 : memref<624x128xf32, #tpu.memory_space<hbm>>)
        tpu.yield
      }) : () -> ()
    } else {
    }
    %eq3A_202 = arith.constant 15 : i32
    %eq3A_203 = arith.cmpi eq, %arg1, %eq3A_202 : i32
    %convert_element_type3A_204 = arith.extui %eq3A_203 : i1 to i32
    %cond3A_205 = arith.constant 0 : i32
    %cond3A_206 = arith.cmpi ne, %convert_element_type3A_204, %cond3A_205 : i32
    scf.if %cond3A_206 {
      "tpu.region"() ({
        %run_scoped3A = tpu.sem_alloc : memref<!tpu.dma_semaphore, #tpu.memory_space<semaphore_mem>>
        %dma_start3A_207 = arith.constant 9360 : i32
        %dma_start3A_208 = arith.constant 0 : i32
        %dma_start3A_209 = tpu.memref_slice %arg4[%arg0, %dma_start3A_207, %dma_start3A_208] : memref<2x10000x128xf32, #tpu.memory_space<hbm>> -> memref<1x640x128xf32, #tpu.memory_space<hbm>>
        %dma_start3A_210 = tpu.memref_squeeze %dma_start3A_209 : memref<1x640x128xf32, #tpu.memory_space<hbm>> -> memref<640x128xf32, #tpu.memory_space<hbm>>
        %dma_start3A_211 = arith.constant 9360 : i32
        %dma_start3A_212 = arith.constant 0 : i32
        %dma_start3A_213 = tpu.memref_slice %arg8[%dma_start3A_211, %dma_start3A_212] : memref<10000x128xf32, #tpu.memory_space<vmem_shared>> -> memref<640x128xf32, #tpu.memory_space<vmem_shared>>
        tpu.enqueue_dma source(%dma_start3A_213 : memref<640x128xf32, #tpu.memory_space<vmem_shared>>) target(%dma_start3A_210 : memref<640x128xf32, #tpu.memory_space<hbm>>) target_semaphore(%run_scoped3A : memref<!tpu.dma_semaphore, #tpu.memory_space<semaphore_mem>>)
        %dma_wait3A_214 = arith.constant 9360 : i32
        %dma_wait3A_215 = arith.constant 0 : i32
        %dma_wait3A_216 = tpu.memref_slice %arg4[%arg0, %dma_wait3A_214, %dma_wait3A_215] : memref<2x10000x128xf32, #tpu.memory_space<hbm>> -> memref<1x640x128xf32, #tpu.memory_space<hbm>>
        %dma_wait3A_217 = tpu.memref_squeeze %dma_wait3A_216 : memref<1x640x128xf32, #tpu.memory_space<hbm>> -> memref<640x128xf32, #tpu.memory_space<hbm>>
        %dma_wait3A_218 = arith.constant 9360 : i32
        %dma_wait3A_219 = arith.constant 0 : i32
        %dma_wait3A_220 = tpu.memref_slice %arg8[%dma_wait3A_218, %dma_wait3A_219] : memref<10000x128xf32, #tpu.memory_space<vmem_shared>> -> memref<640x128xf32, #tpu.memory_space<vmem_shared>>
        tpu.wait_dma2 semaphore(%run_scoped3A : memref<!tpu.dma_semaphore, #tpu.memory_space<semaphore_mem>>) src(%dma_wait3A_220 : memref<640x128xf32, #tpu.memory_space<vmem_shared>>) dst(%dma_wait3A_217 : memref<640x128xf32, #tpu.memory_space<hbm>>)
        tpu.yield
      }) : () -> ()
    } else {
    }
    return
  }
}

#map = affine_map<(d0, d1) -> (0)>
#map1 = affine_map<(d0, d1) -> (0, 0, 0)>
module attributes {stable_mosaic.version = 14 : i64} {
  func.func @_hist_body(%arg0: i32, %arg1: i32, %arg2: memref<640000xi32, #tpu.memory_space<hbm>>, %arg3: memref<2x80x128xf32, #tpu.memory_space<hbm>>, %arg4: memref<80x128xf32, #tpu.memory_space<vmem>>, %arg5: memref<80x128xf32, #tpu.memory_space<vmem_shared>>, %arg6: memref<1x80xi32, #tpu.memory_space<vmem>>, %arg7: memref<2000xi32, #tpu.memory_space<vmem>>) attributes {dimension_semantics = [#tpu.dimension_semantics<core_parallel>, #tpu.dimension_semantics<subcore_parallel>], iteration_bounds = array<i64: 2, 16>, scalar_prefetch = 0 : i64, scratch_operands = 4 : i64, tpu.core_type = #tpu.core_type<sc_vector_subcore>, window_params = [{transform_indices = #map}, {transform_indices = #map1}]} {
    %mul3A = arith.constant 16 : i32
    %mul3A_0 = arith.muli %arg0, %mul3A : i32
    %add3A = arith.addi %mul3A_0, %arg1 : i32
    %mul3A_1 = arith.constant 10000 : i32
    %mul3A_2 = arith.muli %add3A, %mul3A_1 : i32
    %broadcast_in_dim3A = arith.constant 0.000000e+00 : f32
    %broadcast_in_dim3A_3 = vector.broadcast %broadcast_in_dim3A : f32 to vector<16xf32>
    %iota3A = tpu.iota {dimensions = array<i32: 0>} : vector<16xi32>
    %scan3A = arith.constant 0 : i32
    %scan3A_4 = arith.constant 80 : i32
    %scan3A_5 = arith.addi %scan3A, %scan3A_4 : i32
    %scan3A_6 = arith.constant 1 : i32
    scf.for %scan3A_26 = %scan3A to %scan3A_5 step %scan3A_6  : i32 {
      %mul3A_27 = arith.constant 1 : i32
      %mul3A_28 = arith.muli %scan3A_26, %mul3A_27 : i32
      %add3A_29 = arith.constant 0 : i32
      %add3A_30 = arith.addi %add3A_29, %mul3A_28 : i32
      %scan3A_31 = arith.constant 0 : i32
      %scan3A_32 = arith.constant 8 : i32
      %scan3A_33 = arith.addi %scan3A_31, %scan3A_32 : i32
      %scan3A_34 = arith.constant 1 : i32
      scf.for %scan3A_36 = %scan3A_31 to %scan3A_33 step %scan3A_34  : i32 {
        %mul3A_37 = arith.constant 1 : i32
        %mul3A_38 = arith.muli %scan3A_36, %mul3A_37 : i32
        %add3A_39 = arith.constant 0 : i32
        %add3A_40 = arith.addi %add3A_39, %mul3A_38 : i32
        %mul3A_41 = arith.constant 16 : i32
        %mul3A_42 = arith.muli %add3A_40, %mul3A_41 : i32
        %swap3A = arith.index_cast %add3A_30 : i32 to index
        %swap3A_43 = arith.index_cast %mul3A_42 : i32 to index
        %swap3A_44 = tpu.vector_load %arg4[%swap3A, %swap3A_43] {strides = array<i32>} : memref<80x128xf32, #tpu.memory_space<vmem>>, vector<16xf32>,
        tpu.vector_store %arg4[%swap3A, %swap3A_43], %broadcast_in_dim3A_3 {strides = array<i32>} : memref<80x128xf32, #tpu.memory_space<vmem>>, vector<16xf32>,
      }
      %scan3A_35 = arith.constant 8 : i32
    }
    %scan3A_7 = arith.constant 80 : i32
    %scan3A_8 = arith.constant 0 : i32
    %scan3A_9 = arith.constant 5 : i32
    %scan3A_10 = arith.addi %scan3A_8, %scan3A_9 : i32
    %scan3A_11 = arith.constant 1 : i32
    scf.for %scan3A_26 = %scan3A_8 to %scan3A_10 step %scan3A_11  : i32 {
      %mul3A_27 = arith.constant 1 : i32
      %mul3A_28 = arith.muli %scan3A_26, %mul3A_27 : i32
      %add3A_29 = arith.constant 0 : i32
      %add3A_30 = arith.addi %add3A_29, %mul3A_28 : i32
      %mul3A_31 = arith.constant 16 : i32
      %mul3A_32 = arith.muli %add3A_30, %mul3A_31 : i32
      %add3A_33 = vector.broadcast %mul3A_32 : i32 to vector<16xi32>
      %add3A_34 = arith.addi %add3A_33, %iota3A : vector<16xi32>
      %mul3A_35 = arith.constant 16 : i32
      %mul3A_36 = arith.muli %add3A_30, %mul3A_35 : i32
      %swap3A = arith.constant 0 : i32
      %swap3A_37 = arith.index_cast %swap3A : i32 to index
      %swap3A_38 = arith.index_cast %mul3A_36 : i32 to index
      %swap3A_39 = tpu.vector_load %arg6[%swap3A_37, %swap3A_38] {strides = array<i32>} : memref<1x80xi32, #tpu.memory_space<vmem>>, vector<16xi32>,
      tpu.vector_store %arg6[%swap3A_37, %swap3A_38], %add3A_34 {strides = array<i32>} : memref<1x80xi32, #tpu.memory_space<vmem>>, vector<16xi32>,
    }
    %scan3A_12 = arith.constant 5 : i32
    %eq3A = arith.constant 0 : i32
    %eq3A_13 = arith.cmpi eq, %arg1, %eq3A : i32
    %convert_element_type3A = arith.extui %eq3A_13 : i1 to i32
    %cond3A = arith.constant 0 : i32
    %cond3A_14 = arith.cmpi ne, %convert_element_type3A, %cond3A : i32
    scf.if %cond3A_14 {
      "tpu.region"() ({
        %run_scoped3A_26 = tpu.sem_alloc : memref<!tpu.dma_semaphore, #tpu.memory_space<semaphore_mem>>
        tpu.enqueue_dma source(%arg4 : memref<80x128xf32, #tpu.memory_space<vmem>>) target(%arg5 : memref<80x128xf32, #tpu.memory_space<vmem_shared>>) target_semaphore(%run_scoped3A_26 : memref<!tpu.dma_semaphore, #tpu.memory_space<semaphore_mem>>)
        tpu.wait_dma2 semaphore(%run_scoped3A_26 : memref<!tpu.dma_semaphore, #tpu.memory_space<semaphore_mem>>) src(%arg4 : memref<80x128xf32, #tpu.memory_space<vmem>>) dst(%arg5 : memref<80x128xf32, #tpu.memory_space<vmem_shared>>)
        tpu.yield
      }) : () -> ()
    } else {
    }
    %barrier3A = arith.constant 0 : index
    tpu.barrier barrier_id(%barrier3A)
    %scan3A_15 = arith.constant 0 : i32
    %scan3A_16 = arith.constant 5 : i32
    %scan3A_17 = arith.addi %scan3A_15, %scan3A_16 : i32
    %scan3A_18 = arith.constant 1 : i32
    scf.for %scan3A_26 = %scan3A_15 to %scan3A_17 step %scan3A_18  : i32 {
      %mul3A_27 = arith.constant 1 : i32
      %mul3A_28 = arith.muli %scan3A_26, %mul3A_27 : i32
      %add3A_29 = arith.constant 0 : i32
      %add3A_30 = arith.addi %add3A_29, %mul3A_28 : i32
      %add3A_31 = arith.constant 320000 : i32
      %add3A_32 = arith.addi %add3A_31, %mul3A_2 : i32
      %mul3A_33 = arith.constant 2000 : i32
      %mul3A_34 = arith.muli %add3A_30, %mul3A_33 : i32
      %add3A_35 = arith.addi %add3A_32, %mul3A_34 : i32
      "tpu.region"() ({
        %run_scoped3A_41 = tpu.sem_alloc : memref<!tpu.dma_semaphore, #tpu.memory_space<semaphore_mem>>
        %dma_start3A = tpu.memref_slice %arg2[%add3A_35] : memref<640000xi32, #tpu.memory_space<hbm>> -> memref<2000xi32, #tpu.memory_space<hbm>>
        %dma_start3A_42 = tpu.memref_slice %arg2[%add3A_35] : memref<640000xi32, #tpu.memory_space<hbm>> -> memref<2000xi32, #tpu.memory_space<hbm>>
        tpu.enqueue_dma source(%dma_start3A_42 : memref<2000xi32, #tpu.memory_space<hbm>>) target(%arg7 : memref<2000xi32, #tpu.memory_space<vmem>>) target_semaphore(%run_scoped3A_41 : memref<!tpu.dma_semaphore, #tpu.memory_space<semaphore_mem>>)
        %dma_wait3A = tpu.memref_slice %arg2[%add3A_35] : memref<640000xi32, #tpu.memory_space<hbm>> -> memref<2000xi32, #tpu.memory_space<hbm>>
        %dma_wait3A_43 = tpu.memref_slice %arg2[%add3A_35] : memref<640000xi32, #tpu.memory_space<hbm>> -> memref<2000xi32, #tpu.memory_space<hbm>>
        tpu.wait_dma2 semaphore(%run_scoped3A_41 : memref<!tpu.dma_semaphore, #tpu.memory_space<semaphore_mem>>) src(%dma_wait3A_43 : memref<2000xi32, #tpu.memory_space<hbm>>) dst(%arg7 : memref<2000xi32, #tpu.memory_space<vmem>>)
        tpu.yield
      }) : () -> ()
      %scan3A_36 = arith.constant 0 : i32
      %scan3A_37 = arith.constant 125 : i32
      %scan3A_38 = arith.addi %scan3A_36, %scan3A_37 : i32
      %scan3A_39 = arith.constant 1 : i32
      scf.for %scan3A_41 = %scan3A_36 to %scan3A_38 step %scan3A_39  : i32 {
        %mul3A_42 = arith.constant 1 : i32
        %mul3A_43 = arith.muli %scan3A_41, %mul3A_42 : i32
        %add3A_44 = arith.constant 0 : i32
        %add3A_45 = arith.addi %add3A_44, %mul3A_43 : i32
        %mul3A_46 = arith.constant 16 : i32
        %mul3A_47 = arith.muli %add3A_45, %mul3A_46 : i32
        %get3A = arith.index_cast %mul3A_47 : i32 to index
        %get3A_48 = tpu.vector_load %arg7[%get3A] {strides = array<i32>} : memref<2000xi32, #tpu.memory_space<vmem>>, vector<16xi32>,
        %add3A_49 = arith.constant 1.000000e+00 : f32
        %add3A_50 = vector.broadcast %add3A_49 : f32 to vector<16xf32>
        %add3A_51 = arith.addf %broadcast_in_dim3A_3, %add3A_50 : vector<16xf32>
        %shift_right_logical3A = arith.constant 7 : i32
        %shift_right_logical3A_52 = vector.broadcast %shift_right_logical3A : i32 to vector<16xi32>
        %shift_right_logical3A_53 = arith.shrui %get3A_48, %shift_right_logical3A_52 : vector<16xi32>
        %and3A = arith.constant 127 : i32
        %and3A_54 = vector.broadcast %and3A : i32 to vector<16xi32>
        %and3A_55 = arith.andi %get3A_48, %and3A_54 : vector<16xi32>
        tpu.vector_store_idx %arg4[%shift_right_logical3A_53, %and3A_55], %add3A_51 {add = true} : memref<80x128xf32, #tpu.memory_space<vmem>>[vector<16xi32>, vector<16xi32>], vector<16xf32>,
      }
      %scan3A_40 = arith.constant 125 : i32
    }
    %scan3A_19 = arith.constant 5 : i32
    %run_scoped3A = arith.constant 0 : i32
    "tpu.region"() ({
      %run_scoped3A_26 = tpu.sem_alloc : memref<!tpu.dma_semaphore, #tpu.memory_space<semaphore_mem>>
      %dma_start3A = arith.constant 0 : i32
      %dma_start3A_27 = tpu.memref_slice %arg6[%run_scoped3A, %dma_start3A] : memref<1x80xi32, #tpu.memory_space<vmem>> -> memref<1x80xi32, #tpu.memory_space<vmem>>
      %dma_start3A_28 = tpu.memref_squeeze %dma_start3A_27 : memref<1x80xi32, #tpu.memory_space<vmem>> -> memref<80xi32, #tpu.memory_space<vmem>>
      %dma_start3A_29 = arith.constant 0 : i32
      %dma_start3A_30 = arith.constant 0 : i32
      %dma_start3A_31 = tpu.memref_slice %arg5[%dma_start3A_29, %dma_start3A_30] : memref<80x128xf32, #tpu.memory_space<vmem_shared>> -> memref<80x128xf32, #tpu.memory_space<vmem_shared>>
      tpu.enqueue_indirect_dma source(%arg4 : memref<80x128xf32, #tpu.memory_space<vmem>>) target(%dma_start3A_31 : memref<80x128xf32, #tpu.memory_space<vmem_shared>>) offsets(%dma_start3A_28 : memref<80xi32, #tpu.memory_space<vmem>>) semaphore(%run_scoped3A_26 : memref<!tpu.dma_semaphore, #tpu.memory_space<semaphore_mem>>) {add = true}
      %dma_wait3A = arith.constant 0 : i32
      %dma_wait3A_32 = tpu.memref_slice %arg6[%run_scoped3A, %dma_wait3A] : memref<1x80xi32, #tpu.memory_space<vmem>> -> memref<1x80xi32, #tpu.memory_space<vmem>>
      %dma_wait3A_33 = tpu.memref_squeeze %dma_wait3A_32 : memref<1x80xi32, #tpu.memory_space<vmem>> -> memref<80xi32, #tpu.memory_space<vmem>>
      %dma_wait3A_34 = arith.constant 0 : i32
      %dma_wait3A_35 = arith.constant 0 : i32
      %dma_wait3A_36 = tpu.memref_slice %arg5[%dma_wait3A_34, %dma_wait3A_35] : memref<80x128xf32, #tpu.memory_space<vmem_shared>> -> memref<80x128xf32, #tpu.memory_space<vmem_shared>>
      tpu.wait_indirect_dma semaphore(%run_scoped3A_26 : memref<!tpu.dma_semaphore, #tpu.memory_space<semaphore_mem>>) src(%arg4 : memref<80x128xf32, #tpu.memory_space<vmem>>) dst(%dma_wait3A_36 : memref<80x128xf32, #tpu.memory_space<vmem_shared>>)
      tpu.yield
    }) : () -> ()
    %barrier3A_20 = arith.constant 0 : index
    tpu.barrier barrier_id(%barrier3A_20)
    %eq3A_21 = arith.constant 0 : i32
    %eq3A_22 = arith.cmpi eq, %arg1, %eq3A_21 : i32
    %convert_element_type3A_23 = arith.extui %eq3A_22 : i1 to i32
    %cond3A_24 = arith.constant 0 : i32
    %cond3A_25 = arith.cmpi ne, %convert_element_type3A_23, %cond3A_24 : i32
    scf.if %cond3A_25 {
      "tpu.region"() ({
        %run_scoped3A_26 = tpu.sem_alloc : memref<!tpu.dma_semaphore, #tpu.memory_space<semaphore_mem>>
        %dma_start3A = arith.constant 0 : i32
        %dma_start3A_27 = arith.constant 0 : i32
        %dma_start3A_28 = tpu.memref_slice %arg3[%arg0, %dma_start3A, %dma_start3A_27] : memref<2x80x128xf32, #tpu.memory_space<hbm>> -> memref<1x80x128xf32, #tpu.memory_space<hbm>>
        %dma_start3A_29 = tpu.memref_squeeze %dma_start3A_28 : memref<1x80x128xf32, #tpu.memory_space<hbm>> -> memref<80x128xf32, #tpu.memory_space<hbm>>
        tpu.enqueue_dma source(%arg5 : memref<80x128xf32, #tpu.memory_space<vmem_shared>>) target(%dma_start3A_29 : memref<80x128xf32, #tpu.memory_space<hbm>>) target_semaphore(%run_scoped3A_26 : memref<!tpu.dma_semaphore, #tpu.memory_space<semaphore_mem>>)
        %dma_wait3A = arith.constant 0 : i32
        %dma_wait3A_30 = arith.constant 0 : i32
        %dma_wait3A_31 = tpu.memref_slice %arg3[%arg0, %dma_wait3A, %dma_wait3A_30] : memref<2x80x128xf32, #tpu.memory_space<hbm>> -> memref<1x80x128xf32, #tpu.memory_space<hbm>>
        %dma_wait3A_32 = tpu.memref_squeeze %dma_wait3A_31 : memref<1x80x128xf32, #tpu.memory_space<hbm>> -> memref<80x128xf32, #tpu.memory_space<hbm>>
        tpu.wait_dma2 semaphore(%run_scoped3A_26 : memref<!tpu.dma_semaphore, #tpu.memory_space<semaphore_mem>>) src(%arg5 : memref<80x128xf32, #tpu.memory_space<vmem_shared>>) dst(%dma_wait3A_32 : memref<80x128xf32, #tpu.memory_space<hbm>>)
        tpu.yield
      }) : () -> ()
    } else {
    }
    return
  }
}

#map = affine_map<(d0, d1) -> (0)>
#map1 = affine_map<(d0, d1) -> (0, 0, 0)>
module attributes {stable_mosaic.version = 14 : i64} {
  func.func @_hist_body(%arg0: i32, %arg1: i32, %arg2: memref<640000xi32, #tpu.memory_space<hbm>>, %arg3: memref<10000xf32, #tpu.memory_space<hbm>>, %arg4: memref<2x80x128xf32, #tpu.memory_space<hbm>>, %arg5: memref<80x128xf32, #tpu.memory_space<vmem>>, %arg6: memref<80x128xf32, #tpu.memory_space<vmem_shared>>, %arg7: memref<1x80xi32, #tpu.memory_space<vmem>>, %arg8: memref<2000xi32, #tpu.memory_space<vmem>>, %arg9: memref<2000xi32, #tpu.memory_space<vmem>>, %arg10: memref<10000xf32, #tpu.memory_space<vmem>>) attributes {dimension_semantics = [#tpu.dimension_semantics<core_parallel>, #tpu.dimension_semantics<subcore_parallel>], iteration_bounds = array<i64: 2, 16>, scalar_prefetch = 0 : i64, scratch_operands = 6 : i64, tpu.core_type = #tpu.core_type<sc_vector_subcore>, window_params = [{transform_indices = #map}, {transform_indices = #map}, {transform_indices = #map1}]} {
    %mul3A = arith.constant 16 : i32
    %mul3A_0 = arith.muli %arg0, %mul3A : i32
    %add3A = arith.addi %mul3A_0, %arg1 : i32
    %mul3A_1 = arith.constant 10000 : i32
    %mul3A_2 = arith.muli %add3A, %mul3A_1 : i32
    %broadcast_in_dim3A = arith.constant 0.000000e+00 : f32
    %broadcast_in_dim3A_3 = vector.broadcast %broadcast_in_dim3A : f32 to vector<16xf32>
    %iota3A = tpu.iota {dimensions = array<i32: 0>} : vector<16xi32>
    %scan3A = arith.constant 0 : i32
    %scan3A_4 = arith.constant 80 : i32
    %scan3A_5 = arith.addi %scan3A, %scan3A_4 : i32
    %scan3A_6 = arith.constant 1 : i32
    scf.for %scan3A_26 = %scan3A to %scan3A_5 step %scan3A_6  : i32 {
      %mul3A_27 = arith.constant 1 : i32
      %mul3A_28 = arith.muli %scan3A_26, %mul3A_27 : i32
      %add3A_29 = arith.constant 0 : i32
      %add3A_30 = arith.addi %add3A_29, %mul3A_28 : i32
      %scan3A_31 = arith.constant 0 : i32
      %scan3A_32 = arith.constant 8 : i32
      %scan3A_33 = arith.addi %scan3A_31, %scan3A_32 : i32
      %scan3A_34 = arith.constant 1 : i32
      scf.for %scan3A_36 = %scan3A_31 to %scan3A_33 step %scan3A_34  : i32 {
        %mul3A_37 = arith.constant 1 : i32
        %mul3A_38 = arith.muli %scan3A_36, %mul3A_37 : i32
        %add3A_39 = arith.constant 0 : i32
        %add3A_40 = arith.addi %add3A_39, %mul3A_38 : i32
        %mul3A_41 = arith.constant 16 : i32
        %mul3A_42 = arith.muli %add3A_40, %mul3A_41 : i32
        %swap3A = arith.index_cast %add3A_30 : i32 to index
        %swap3A_43 = arith.index_cast %mul3A_42 : i32 to index
        %swap3A_44 = tpu.vector_load %arg5[%swap3A, %swap3A_43] {strides = array<i32>} : memref<80x128xf32, #tpu.memory_space<vmem>>, vector<16xf32>,
        tpu.vector_store %arg5[%swap3A, %swap3A_43], %broadcast_in_dim3A_3 {strides = array<i32>} : memref<80x128xf32, #tpu.memory_space<vmem>>, vector<16xf32>,
      }
      %scan3A_35 = arith.constant 8 : i32
    }
    %scan3A_7 = arith.constant 80 : i32
    %scan3A_8 = arith.constant 0 : i32
    %scan3A_9 = arith.constant 5 : i32
    %scan3A_10 = arith.addi %scan3A_8, %scan3A_9 : i32
    %scan3A_11 = arith.constant 1 : i32
    scf.for %scan3A_26 = %scan3A_8 to %scan3A_10 step %scan3A_11  : i32 {
      %mul3A_27 = arith.constant 1 : i32
      %mul3A_28 = arith.muli %scan3A_26, %mul3A_27 : i32
      %add3A_29 = arith.constant 0 : i32
      %add3A_30 = arith.addi %add3A_29, %mul3A_28 : i32
      %mul3A_31 = arith.constant 16 : i32
      %mul3A_32 = arith.muli %add3A_30, %mul3A_31 : i32
      %add3A_33 = vector.broadcast %mul3A_32 : i32 to vector<16xi32>
      %add3A_34 = arith.addi %add3A_33, %iota3A : vector<16xi32>
      %mul3A_35 = arith.constant 16 : i32
      %mul3A_36 = arith.muli %add3A_30, %mul3A_35 : i32
      %swap3A = arith.constant 0 : i32
      %swap3A_37 = arith.index_cast %swap3A : i32 to index
      %swap3A_38 = arith.index_cast %mul3A_36 : i32 to index
      %swap3A_39 = tpu.vector_load %arg7[%swap3A_37, %swap3A_38] {strides = array<i32>} : memref<1x80xi32, #tpu.memory_space<vmem>>, vector<16xi32>,
      tpu.vector_store %arg7[%swap3A_37, %swap3A_38], %add3A_34 {strides = array<i32>} : memref<1x80xi32, #tpu.memory_space<vmem>>, vector<16xi32>,
    }
    %scan3A_12 = arith.constant 5 : i32
    %eq3A = arith.constant 0 : i32
    %eq3A_13 = arith.cmpi eq, %arg1, %eq3A : i32
    %convert_element_type3A = arith.extui %eq3A_13 : i1 to i32
    %cond3A = arith.constant 0 : i32
    %cond3A_14 = arith.cmpi ne, %convert_element_type3A, %cond3A : i32
    scf.if %cond3A_14 {
      "tpu.region"() ({
        %run_scoped3A_26 = tpu.sem_alloc : memref<!tpu.dma_semaphore, #tpu.memory_space<semaphore_mem>>
        tpu.enqueue_dma source(%arg5 : memref<80x128xf32, #tpu.memory_space<vmem>>) target(%arg6 : memref<80x128xf32, #tpu.memory_space<vmem_shared>>) target_semaphore(%run_scoped3A_26 : memref<!tpu.dma_semaphore, #tpu.memory_space<semaphore_mem>>)
        tpu.wait_dma2 semaphore(%run_scoped3A_26 : memref<!tpu.dma_semaphore, #tpu.memory_space<semaphore_mem>>) src(%arg5 : memref<80x128xf32, #tpu.memory_space<vmem>>) dst(%arg6 : memref<80x128xf32, #tpu.memory_space<vmem_shared>>)
        tpu.yield
      }) : () -> ()
    } else {
    }
    "tpu.region"() ({
      %run_scoped3A_26 = tpu.sem_alloc : memref<!tpu.dma_semaphore, #tpu.memory_space<semaphore_mem>>
      tpu.enqueue_dma source(%arg3 : memref<10000xf32, #tpu.memory_space<hbm>>) target(%arg10 : memref<10000xf32, #tpu.memory_space<vmem>>) target_semaphore(%run_scoped3A_26 : memref<!tpu.dma_semaphore, #tpu.memory_space<semaphore_mem>>)
      tpu.wait_dma2 semaphore(%run_scoped3A_26 : memref<!tpu.dma_semaphore, #tpu.memory_space<semaphore_mem>>) src(%arg3 : memref<10000xf32, #tpu.memory_space<hbm>>) dst(%arg10 : memref<10000xf32, #tpu.memory_space<vmem>>)
      tpu.yield
    }) : () -> ()
    %barrier3A = arith.constant 0 : index
    tpu.barrier barrier_id(%barrier3A)
    %scan3A_15 = arith.constant 0 : i32
    %scan3A_16 = arith.constant 5 : i32
    %scan3A_17 = arith.addi %scan3A_15, %scan3A_16 : i32
    %scan3A_18 = arith.constant 1 : i32
    scf.for %scan3A_26 = %scan3A_15 to %scan3A_17 step %scan3A_18  : i32 {
      %mul3A_27 = arith.constant 1 : i32
      %mul3A_28 = arith.muli %scan3A_26, %mul3A_27 : i32
      %add3A_29 = arith.constant 0 : i32
      %add3A_30 = arith.addi %add3A_29, %mul3A_28 : i32
      %mul3A_31 = arith.constant 2000 : i32
      %mul3A_32 = arith.muli %add3A_30, %mul3A_31 : i32
      %add3A_33 = arith.addi %mul3A_2, %mul3A_32 : i32
      "tpu.region"() ({
        %run_scoped3A_44 = tpu.sem_alloc : memref<!tpu.dma_semaphore, #tpu.memory_space<semaphore_mem>>
        %dma_start3A = tpu.memref_slice %arg2[%add3A_33] : memref<640000xi32, #tpu.memory_space<hbm>> -> memref<2000xi32, #tpu.memory_space<hbm>>
        %dma_start3A_45 = tpu.memref_slice %arg2[%add3A_33] : memref<640000xi32, #tpu.memory_space<hbm>> -> memref<2000xi32, #tpu.memory_space<hbm>>
        tpu.enqueue_dma source(%dma_start3A_45 : memref<2000xi32, #tpu.memory_space<hbm>>) target(%arg8 : memref<2000xi32, #tpu.memory_space<vmem>>) target_semaphore(%run_scoped3A_44 : memref<!tpu.dma_semaphore, #tpu.memory_space<semaphore_mem>>)
        %dma_wait3A = tpu.memref_slice %arg2[%add3A_33] : memref<640000xi32, #tpu.memory_space<hbm>> -> memref<2000xi32, #tpu.memory_space<hbm>>
        %dma_wait3A_46 = tpu.memref_slice %arg2[%add3A_33] : memref<640000xi32, #tpu.memory_space<hbm>> -> memref<2000xi32, #tpu.memory_space<hbm>>
        tpu.wait_dma2 semaphore(%run_scoped3A_44 : memref<!tpu.dma_semaphore, #tpu.memory_space<semaphore_mem>>) src(%dma_wait3A_46 : memref<2000xi32, #tpu.memory_space<hbm>>) dst(%arg8 : memref<2000xi32, #tpu.memory_space<vmem>>)
        tpu.yield
      }) : () -> ()
      %add3A_34 = arith.constant 320000 : i32
      %add3A_35 = arith.addi %add3A_34, %mul3A_2 : i32
      %mul3A_36 = arith.constant 2000 : i32
      %mul3A_37 = arith.muli %add3A_30, %mul3A_36 : i32
      %add3A_38 = arith.addi %add3A_35, %mul3A_37 : i32
      "tpu.region"() ({
        %run_scoped3A_44 = tpu.sem_alloc : memref<!tpu.dma_semaphore, #tpu.memory_space<semaphore_mem>>
        %dma_start3A = tpu.memref_slice %arg2[%add3A_38] : memref<640000xi32, #tpu.memory_space<hbm>> -> memref<2000xi32, #tpu.memory_space<hbm>>
        %dma_start3A_45 = tpu.memref_slice %arg2[%add3A_38] : memref<640000xi32, #tpu.memory_space<hbm>> -> memref<2000xi32, #tpu.memory_space<hbm>>
        tpu.enqueue_dma source(%dma_start3A_45 : memref<2000xi32, #tpu.memory_space<hbm>>) target(%arg9 : memref<2000xi32, #tpu.memory_space<vmem>>) target_semaphore(%run_scoped3A_44 : memref<!tpu.dma_semaphore, #tpu.memory_space<semaphore_mem>>)
        %dma_wait3A = tpu.memref_slice %arg2[%add3A_38] : memref<640000xi32, #tpu.memory_space<hbm>> -> memref<2000xi32, #tpu.memory_space<hbm>>
        %dma_wait3A_46 = tpu.memref_slice %arg2[%add3A_38] : memref<640000xi32, #tpu.memory_space<hbm>> -> memref<2000xi32, #tpu.memory_space<hbm>>
        tpu.wait_dma2 semaphore(%run_scoped3A_44 : memref<!tpu.dma_semaphore, #tpu.memory_space<semaphore_mem>>) src(%dma_wait3A_46 : memref<2000xi32, #tpu.memory_space<hbm>>) dst(%arg9 : memref<2000xi32, #tpu.memory_space<vmem>>)
        tpu.yield
      }) : () -> ()
      %scan3A_39 = arith.constant 0 : i32
      %scan3A_40 = arith.constant 125 : i32
      %scan3A_41 = arith.addi %scan3A_39, %scan3A_40 : i32
      %scan3A_42 = arith.constant 1 : i32
      scf.for %scan3A_44 = %scan3A_39 to %scan3A_41 step %scan3A_42  : i32 {
        %mul3A_45 = arith.constant 1 : i32
        %mul3A_46 = arith.muli %scan3A_44, %mul3A_45 : i32
        %add3A_47 = arith.constant 0 : i32
        %add3A_48 = arith.addi %add3A_47, %mul3A_46 : i32
        %mul3A_49 = arith.constant 16 : i32
        %mul3A_50 = arith.muli %add3A_48, %mul3A_49 : i32
        %get3A = arith.index_cast %mul3A_50 : i32 to index
        %get3A_51 = tpu.vector_load %arg8[%get3A] {strides = array<i32>} : memref<2000xi32, #tpu.memory_space<vmem>>, vector<16xi32>,
        %mul3A_52 = arith.constant 16 : i32
        %mul3A_53 = arith.muli %add3A_48, %mul3A_52 : i32
        %get3A_54 = arith.index_cast %mul3A_53 : i32 to index
        %get3A_55 = tpu.vector_load %arg9[%get3A_54] {strides = array<i32>} : memref<2000xi32, #tpu.memory_space<vmem>>, vector<16xi32>,
        %gather3A = tpu.vector_load_idx %arg10[%get3A_55] : memref<10000xf32, #tpu.memory_space<vmem>>[vector<16xi32>], vector<16xf32>,
        %shift_right_logical3A = arith.constant 7 : i32
        %shift_right_logical3A_56 = vector.broadcast %shift_right_logical3A : i32 to vector<16xi32>
        %shift_right_logical3A_57 = arith.shrui %get3A_51, %shift_right_logical3A_56 : vector<16xi32>
        %and3A = arith.constant 127 : i32
        %and3A_58 = vector.broadcast %and3A : i32 to vector<16xi32>
        %and3A_59 = arith.andi %get3A_51, %and3A_58 : vector<16xi32>
        tpu.vector_store_idx %arg5[%shift_right_logical3A_57, %and3A_59], %gather3A {add = true} : memref<80x128xf32, #tpu.memory_space<vmem>>[vector<16xi32>, vector<16xi32>], vector<16xf32>,
      }
      %scan3A_43 = arith.constant 125 : i32
    }
    %scan3A_19 = arith.constant 5 : i32
    %run_scoped3A = arith.constant 0 : i32
    "tpu.region"() ({
      %run_scoped3A_26 = tpu.sem_alloc : memref<!tpu.dma_semaphore, #tpu.memory_space<semaphore_mem>>
      %dma_start3A = arith.constant 0 : i32
      %dma_start3A_27 = tpu.memref_slice %arg7[%run_scoped3A, %dma_start3A] : memref<1x80xi32, #tpu.memory_space<vmem>> -> memref<1x80xi32, #tpu.memory_space<vmem>>
      %dma_start3A_28 = tpu.memref_squeeze %dma_start3A_27 : memref<1x80xi32, #tpu.memory_space<vmem>> -> memref<80xi32, #tpu.memory_space<vmem>>
      %dma_start3A_29 = arith.constant 0 : i32
      %dma_start3A_30 = arith.constant 0 : i32
      %dma_start3A_31 = tpu.memref_slice %arg6[%dma_start3A_29, %dma_start3A_30] : memref<80x128xf32, #tpu.memory_space<vmem_shared>> -> memref<80x128xf32, #tpu.memory_space<vmem_shared>>
      tpu.enqueue_indirect_dma source(%arg5 : memref<80x128xf32, #tpu.memory_space<vmem>>) target(%dma_start3A_31 : memref<80x128xf32, #tpu.memory_space<vmem_shared>>) offsets(%dma_start3A_28 : memref<80xi32, #tpu.memory_space<vmem>>) semaphore(%run_scoped3A_26 : memref<!tpu.dma_semaphore, #tpu.memory_space<semaphore_mem>>) {add = true}
      %dma_wait3A = arith.constant 0 : i32
      %dma_wait3A_32 = tpu.memref_slice %arg7[%run_scoped3A, %dma_wait3A] : memref<1x80xi32, #tpu.memory_space<vmem>> -> memref<1x80xi32, #tpu.memory_space<vmem>>
      %dma_wait3A_33 = tpu.memref_squeeze %dma_wait3A_32 : memref<1x80xi32, #tpu.memory_space<vmem>> -> memref<80xi32, #tpu.memory_space<vmem>>
      %dma_wait3A_34 = arith.constant 0 : i32
      %dma_wait3A_35 = arith.constant 0 : i32
      %dma_wait3A_36 = tpu.memref_slice %arg6[%dma_wait3A_34, %dma_wait3A_35] : memref<80x128xf32, #tpu.memory_space<vmem_shared>> -> memref<80x128xf32, #tpu.memory_space<vmem_shared>>
      tpu.wait_indirect_dma semaphore(%run_scoped3A_26 : memref<!tpu.dma_semaphore, #tpu.memory_space<semaphore_mem>>) src(%arg5 : memref<80x128xf32, #tpu.memory_space<vmem>>) dst(%dma_wait3A_36 : memref<80x128xf32, #tpu.memory_space<vmem_shared>>)
      tpu.yield
    }) : () -> ()
    %barrier3A_20 = arith.constant 0 : index
    tpu.barrier barrier_id(%barrier3A_20)
    %eq3A_21 = arith.constant 0 : i32
    %eq3A_22 = arith.cmpi eq, %arg1, %eq3A_21 : i32
    %convert_element_type3A_23 = arith.extui %eq3A_22 : i1 to i32
    %cond3A_24 = arith.constant 0 : i32
    %cond3A_25 = arith.cmpi ne, %convert_element_type3A_23, %cond3A_24 : i32
    scf.if %cond3A_25 {
      "tpu.region"() ({
        %run_scoped3A_26 = tpu.sem_alloc : memref<!tpu.dma_semaphore, #tpu.memory_space<semaphore_mem>>
        %dma_start3A = arith.constant 0 : i32
        %dma_start3A_27 = arith.constant 0 : i32
        %dma_start3A_28 = tpu.memref_slice %arg4[%arg0, %dma_start3A, %dma_start3A_27] : memref<2x80x128xf32, #tpu.memory_space<hbm>> -> memref<1x80x128xf32, #tpu.memory_space<hbm>>
        %dma_start3A_29 = tpu.memref_squeeze %dma_start3A_28 : memref<1x80x128xf32, #tpu.memory_space<hbm>> -> memref<80x128xf32, #tpu.memory_space<hbm>>
        tpu.enqueue_dma source(%arg6 : memref<80x128xf32, #tpu.memory_space<vmem_shared>>) target(%dma_start3A_29 : memref<80x128xf32, #tpu.memory_space<hbm>>) target_semaphore(%run_scoped3A_26 : memref<!tpu.dma_semaphore, #tpu.memory_space<semaphore_mem>>)
        %dma_wait3A = arith.constant 0 : i32
        %dma_wait3A_30 = arith.constant 0 : i32
        %dma_wait3A_31 = tpu.memref_slice %arg4[%arg0, %dma_wait3A, %dma_wait3A_30] : memref<2x80x128xf32, #tpu.memory_space<hbm>> -> memref<1x80x128xf32, #tpu.memory_space<hbm>>
        %dma_wait3A_32 = tpu.memref_squeeze %dma_wait3A_31 : memref<1x80x128xf32, #tpu.memory_space<hbm>> -> memref<80x128xf32, #tpu.memory_space<hbm>>
        tpu.wait_dma2 semaphore(%run_scoped3A_26 : memref<!tpu.dma_semaphore, #tpu.memory_space<semaphore_mem>>) src(%arg6 : memref<80x128xf32, #tpu.memory_space<vmem_shared>>) dst(%dma_wait3A_32 : memref<80x128xf32, #tpu.memory_space<hbm>>)
        tpu.yield
      }) : () -> ()
    } else {
    }
    return
  }
}

#map = affine_map<(d0, d1) -> (0, 0)>
#map1 = affine_map<(d0, d1) -> (0)>
#map2 = affine_map<(d0, d1) -> (0, 0, 0)>
module attributes {stable_mosaic.version = 14 : i64} {
  func.func @_conv_body(%arg0: i32, %arg1: i32, %arg2: memref<10000x128xf32, #tpu.memory_space<hbm>>, %arg3: memref<640000xi32, #tpu.memory_space<hbm>>, %arg4: memref<2x10000x128xf32, #tpu.memory_space<hbm>>, %arg5: memref<4x128xi32, #tpu.memory_space<vmem>>, %arg6: memref<4x1x128xi32, #tpu.memory_space<vmem>>, %arg7: memref<3x128x128xf32, #tpu.memory_space<vmem>>, %arg8: memref<10000x128xf32, #tpu.memory_space<vmem_shared>>, %arg9: memref<4x!tpu.dma_semaphore, #tpu.memory_space<semaphore_mem>>, %arg10: memref<3x!tpu.dma_semaphore, #tpu.memory_space<semaphore_mem>>, %arg11: memref<3x!tpu.dma_semaphore, #tpu.memory_space<semaphore_mem>>) attributes {dimension_semantics = [#tpu.dimension_semantics<core_parallel>, #tpu.dimension_semantics<subcore_parallel>], iteration_bounds = array<i64: 2, 16>, scalar_prefetch = 0 : i64, scratch_operands = 7 : i64, tpu.core_type = #tpu.core_type<sc_vector_subcore>, window_params = [{transform_indices = #map}, {transform_indices = #map1}, {transform_indices = #map2}]} {
    %mul3A = arith.constant 16 : i32
    %mul3A_0 = arith.muli %arg0, %mul3A : i32
    %add3A = arith.addi %mul3A_0, %arg1 : i32
    %mul3A_1 = arith.constant 78 : i32
    %mul3A_2 = arith.muli %add3A, %mul3A_1 : i32
    %mul3A_3 = arith.constant 128 : i32
    %mul3A_4 = arith.muli %mul3A_2, %mul3A_3 : i32
    %eq3A = arith.constant 0 : i32
    %eq3A_5 = arith.cmpi eq, %arg0, %eq3A : i32
    %convert_element_type3A = arith.extui %eq3A_5 : i1 to i32
    %cond3A = arith.constant 0 : i32
    %cond3A_6 = arith.cmpi ne, %convert_element_type3A, %cond3A : i32
    scf.if %cond3A_6 {
      %lt3A_207 = arith.constant 15 : i32
      %lt3A_208 = arith.cmpi slt, %arg1, %lt3A_207 : i32
      %convert_element_type3A_209 = arith.extui %lt3A_208 : i1 to i32
      %cond3A_210 = arith.constant 0 : i32
      %cond3A_211 = arith.cmpi ne, %convert_element_type3A_209, %cond3A_210 : i32
      scf.if %cond3A_211 {
        %mul3A_217 = arith.constant 624 : i32
        %mul3A_218 = arith.muli %arg1, %mul3A_217 : i32
        %mul3A_219 = arith.constant 624 : i32
        %mul3A_220 = arith.muli %arg1, %mul3A_219 : i32
        "tpu.region"() ({
          %run_scoped3A = tpu.sem_alloc : memref<!tpu.dma_semaphore, #tpu.memory_space<semaphore_mem>>
          %dma_start3A_221 = arith.constant 0 : i32
          %dma_start3A_222 = tpu.memref_slice %arg8[%mul3A_220, %dma_start3A_221] : memref<10000x128xf32, #tpu.memory_space<vmem_shared>> -> memref<624x128xf32, #tpu.memory_space<vmem_shared>>
          %dma_start3A_223 = arith.constant 0 : i32
          %dma_start3A_224 = tpu.memref_slice %arg2[%mul3A_218, %dma_start3A_223] : memref<10000x128xf32, #tpu.memory_space<hbm>> -> memref<624x128xf32, #tpu.memory_space<hbm>>
          tpu.enqueue_dma source(%dma_start3A_224 : memref<624x128xf32, #tpu.memory_space<hbm>>) target(%dma_start3A_222 : memref<624x128xf32, #tpu.memory_space<vmem_shared>>) target_semaphore(%run_scoped3A : memref<!tpu.dma_semaphore, #tpu.memory_space<semaphore_mem>>)
          %dma_wait3A_225 = arith.constant 0 : i32
          %dma_wait3A_226 = tpu.memref_slice %arg8[%mul3A_220, %dma_wait3A_225] : memref<10000x128xf32, #tpu.memory_space<vmem_shared>> -> memref<624x128xf32, #tpu.memory_space<vmem_shared>>
          %dma_wait3A_227 = arith.constant 0 : i32
          %dma_wait3A_228 = tpu.memref_slice %arg2[%mul3A_218, %dma_wait3A_227] : memref<10000x128xf32, #tpu.memory_space<hbm>> -> memref<624x128xf32, #tpu.memory_space<hbm>>
          tpu.wait_dma2 semaphore(%run_scoped3A : memref<!tpu.dma_semaphore, #tpu.memory_space<semaphore_mem>>) src(%dma_wait3A_228 : memref<624x128xf32, #tpu.memory_space<hbm>>) dst(%dma_wait3A_226 : memref<624x128xf32, #tpu.memory_space<vmem_shared>>)
          tpu.yield
        }) : () -> ()
      } else {
      }
      %eq3A_212 = arith.constant 15 : i32
      %eq3A_213 = arith.cmpi eq, %arg1, %eq3A_212 : i32
      %convert_element_type3A_214 = arith.extui %eq3A_213 : i1 to i32
      %cond3A_215 = arith.constant 0 : i32
      %cond3A_216 = arith.cmpi ne, %convert_element_type3A_214, %cond3A_215 : i32
      scf.if %cond3A_216 {
        "tpu.region"() ({
          %run_scoped3A = tpu.sem_alloc : memref<!tpu.dma_semaphore, #tpu.memory_space<semaphore_mem>>
          %dma_start3A_217 = arith.constant 9360 : i32
          %dma_start3A_218 = arith.constant 0 : i32
          %dma_start3A_219 = tpu.memref_slice %arg8[%dma_start3A_217, %dma_start3A_218] : memref<10000x128xf32, #tpu.memory_space<vmem_shared>> -> memref<640x128xf32, #tpu.memory_space<vmem_shared>>
          %dma_start3A_220 = arith.constant 9360 : i32
          %dma_start3A_221 = arith.constant 0 : i32
          %dma_start3A_222 = tpu.memref_slice %arg2[%dma_start3A_220, %dma_start3A_221] : memref<10000x128xf32, #tpu.memory_space<hbm>> -> memref<640x128xf32, #tpu.memory_space<hbm>>
          tpu.enqueue_dma source(%dma_start3A_222 : memref<640x128xf32, #tpu.memory_space<hbm>>) target(%dma_start3A_219 : memref<640x128xf32, #tpu.memory_space<vmem_shared>>) target_semaphore(%run_scoped3A : memref<!tpu.dma_semaphore, #tpu.memory_space<semaphore_mem>>)
          %dma_wait3A_223 = arith.constant 9360 : i32
          %dma_wait3A_224 = arith.constant 0 : i32
          %dma_wait3A_225 = tpu.memref_slice %arg8[%dma_wait3A_223, %dma_wait3A_224] : memref<10000x128xf32, #tpu.memory_space<vmem_shared>> -> memref<640x128xf32, #tpu.memory_space<vmem_shared>>
          %dma_wait3A_226 = arith.constant 9360 : i32
          %dma_wait3A_227 = arith.constant 0 : i32
          %dma_wait3A_228 = tpu.memref_slice %arg2[%dma_wait3A_226, %dma_wait3A_227] : memref<10000x128xf32, #tpu.memory_space<hbm>> -> memref<640x128xf32, #tpu.memory_space<hbm>>
          tpu.wait_dma2 semaphore(%run_scoped3A : memref<!tpu.dma_semaphore, #tpu.memory_space<semaphore_mem>>) src(%dma_wait3A_228 : memref<640x128xf32, #tpu.memory_space<hbm>>) dst(%dma_wait3A_225 : memref<640x128xf32, #tpu.memory_space<vmem_shared>>)
          tpu.yield
        }) : () -> ()
      } else {
      }
    } else {
    }
    %eq3A_7 = arith.constant 1 : i32
    %eq3A_8 = arith.cmpi eq, %arg0, %eq3A_7 : i32
    %convert_element_type3A_9 = arith.extui %eq3A_8 : i1 to i32
    %cond3A_10 = arith.constant 0 : i32
    %cond3A_11 = arith.cmpi ne, %convert_element_type3A_9, %cond3A_10 : i32
    scf.if %cond3A_11 {
      %scan3A_207 = arith.constant 0 : i32
      %scan3A_208 = arith.constant 128 : i32
      %scan3A_209 = arith.addi %scan3A_207, %scan3A_208 : i32
      %scan3A_210 = arith.constant 1 : i32
      scf.for %scan3A_227 = %scan3A_207 to %scan3A_209 step %scan3A_210  : i32 {
        %mul3A_228 = arith.constant 1 : i32
        %mul3A_229 = arith.muli %scan3A_227, %mul3A_228 : i32
        %add3A_230 = arith.constant 0 : i32
        %add3A_231 = arith.addi %add3A_230, %mul3A_229 : i32
        %scan3A_232 = arith.constant 0 : i32
        %scan3A_233 = arith.constant 8 : i32
        %scan3A_234 = arith.addi %scan3A_232, %scan3A_233 : i32
        %scan3A_235 = arith.constant 1 : i32
        scf.for %scan3A_237 = %scan3A_232 to %scan3A_234 step %scan3A_235  : i32 {
          %mul3A_238 = arith.constant 1 : i32
          %mul3A_239 = arith.muli %scan3A_237, %mul3A_238 : i32
          %add3A_240 = arith.constant 0 : i32
          %add3A_241 = arith.addi %add3A_240, %mul3A_239 : i32
          %broadcast_in_dim3A = arith.constant 0.000000e+00 : f32
          %broadcast_in_dim3A_242 = vector.broadcast %broadcast_in_dim3A : f32 to vector<16xf32>
          %mul3A_243 = arith.constant 16 : i32
          %mul3A_244 = arith.muli %add3A_241, %mul3A_243 : i32
          %swap3A = arith.constant 0 : i32
          %swap3A_245 = arith.index_cast %swap3A : i32 to index
          %swap3A_246 = arith.index_cast %add3A_231 : i32 to index
          %swap3A_247 = arith.index_cast %mul3A_244 : i32 to index
          %swap3A_248 = tpu.vector_load %arg7[%swap3A_245, %swap3A_246, %swap3A_247] {strides = array<i32>} : memref<3x128x128xf32, #tpu.memory_space<vmem>>, vector<16xf32>,
          tpu.vector_store %arg7[%swap3A_245, %swap3A_246, %swap3A_247], %broadcast_in_dim3A_242 {strides = array<i32>} : memref<3x128x128xf32, #tpu.memory_space<vmem>>, vector<16xf32>,
        }
        %scan3A_236 = arith.constant 8 : i32
      }
      %scan3A_211 = arith.constant 128 : i32
      %scan3A_212 = arith.constant 0 : i32
      %scan3A_213 = arith.constant 4 : i32
      %scan3A_214 = arith.addi %scan3A_212, %scan3A_213 : i32
      %scan3A_215 = arith.constant 1 : i32
      scf.for %scan3A_227 = %scan3A_212 to %scan3A_214 step %scan3A_215  : i32 {
        %mul3A_228 = arith.constant 1 : i32
        %mul3A_229 = arith.muli %scan3A_227, %mul3A_228 : i32
        %add3A_230 = arith.constant 0 : i32
        %add3A_231 = arith.addi %add3A_230, %mul3A_229 : i32
        %mul3A_232 = arith.constant 624 : i32
        %mul3A_233 = arith.muli %arg1, %mul3A_232 : i32
        %mul3A_234 = arith.constant 128 : i32
        %mul3A_235 = arith.muli %add3A_231, %mul3A_234 : i32
        %add3A_236 = arith.addi %mul3A_233, %mul3A_235 : i32
        %run_scoped3A = arith.constant 0 : i32
        "tpu.region"() ({
          %run_scoped3A_237 = tpu.sem_alloc : memref<!tpu.dma_semaphore, #tpu.memory_space<semaphore_mem>>
          %dma_start3A_238 = arith.constant 0 : i32
          %dma_start3A_239 = arith.constant 0 : i32
          %dma_start3A_240 = tpu.memref_slice %arg7[%run_scoped3A, %dma_start3A_238, %dma_start3A_239] : memref<3x128x128xf32, #tpu.memory_space<vmem>> -> memref<1x128x128xf32, #tpu.memory_space<vmem>>
          %dma_start3A_241 = tpu.memref_squeeze %dma_start3A_240 : memref<1x128x128xf32, #tpu.memory_space<vmem>> -> memref<128x128xf32, #tpu.memory_space<vmem>>
          %dma_start3A_242 = arith.constant 0 : i32
          %dma_start3A_243 = tpu.memref_slice %arg8[%add3A_236, %dma_start3A_242] : memref<10000x128xf32, #tpu.memory_space<vmem_shared>> -> memref<128x128xf32, #tpu.memory_space<vmem_shared>>
          %dma_start3A_244 = arith.constant 0 : i32
          %dma_start3A_245 = tpu.memref_slice %arg8[%add3A_236, %dma_start3A_244] : memref<10000x128xf32, #tpu.memory_space<vmem_shared>> -> memref<128x128xf32, #tpu.memory_space<vmem_shared>>
          %dma_start3A_246 = arith.constant 0 : i32
          %dma_start3A_247 = arith.constant 0 : i32
          %dma_start3A_248 = tpu.memref_slice %arg7[%run_scoped3A, %dma_start3A_246, %dma_start3A_247] : memref<3x128x128xf32, #tpu.memory_space<vmem>> -> memref<1x128x128xf32, #tpu.memory_space<vmem>>
          %dma_start3A_249 = tpu.memref_squeeze %dma_start3A_248 : memref<1x128x128xf32, #tpu.memory_space<vmem>> -> memref<128x128xf32, #tpu.memory_space<vmem>>
          tpu.enqueue_dma source(%dma_start3A_249 : memref<128x128xf32, #tpu.memory_space<vmem>>) target(%dma_start3A_245 : memref<128x128xf32, #tpu.memory_space<vmem_shared>>) target_semaphore(%run_scoped3A_237 : memref<!tpu.dma_semaphore, #tpu.memory_space<semaphore_mem>>)
          %dma_wait3A_250 = arith.constant 0 : i32
          %dma_wait3A_251 = arith.constant 0 : i32
          %dma_wait3A_252 = tpu.memref_slice %arg7[%run_scoped3A, %dma_wait3A_250, %dma_wait3A_251] : memref<3x128x128xf32, #tpu.memory_space<vmem>> -> memref<1x128x128xf32, #tpu.memory_space<vmem>>
          %dma_wait3A_253 = tpu.memref_squeeze %dma_wait3A_252 : memref<1x128x128xf32, #tpu.memory_space<vmem>> -> memref<128x128xf32, #tpu.memory_space<vmem>>
          %dma_wait3A_254 = arith.constant 0 : i32
          %dma_wait3A_255 = tpu.memref_slice %arg8[%add3A_236, %dma_wait3A_254] : memref<10000x128xf32, #tpu.memory_space<vmem_shared>> -> memref<128x128xf32, #tpu.memory_space<vmem_shared>>
          %dma_wait3A_256 = arith.constant 0 : i32
          %dma_wait3A_257 = tpu.memref_slice %arg8[%add3A_236, %dma_wait3A_256] : memref<10000x128xf32, #tpu.memory_space<vmem_shared>> -> memref<128x128xf32, #tpu.memory_space<vmem_shared>>
          %dma_wait3A_258 = arith.constant 0 : i32
          %dma_wait3A_259 = arith.constant 0 : i32
          %dma_wait3A_260 = tpu.memref_slice %arg7[%run_scoped3A, %dma_wait3A_258, %dma_wait3A_259] : memref<3x128x128xf32, #tpu.memory_space<vmem>> -> memref<1x128x128xf32, #tpu.memory_space<vmem>>
          %dma_wait3A_261 = tpu.memref_squeeze %dma_wait3A_260 : memref<1x128x128xf32, #tpu.memory_space<vmem>> -> memref<128x128xf32, #tpu.memory_space<vmem>>
          tpu.wait_dma2 semaphore(%run_scoped3A_237 : memref<!tpu.dma_semaphore, #tpu.memory_space<semaphore_mem>>) src(%dma_wait3A_261 : memref<128x128xf32, #tpu.memory_space<vmem>>) dst(%dma_wait3A_257 : memref<128x128xf32, #tpu.memory_space<vmem_shared>>)
          tpu.yield
        }) : () -> ()
      }
      %scan3A_216 = arith.constant 4 : i32
      %lt3A_217 = arith.constant 15 : i32
      %lt3A_218 = arith.cmpi slt, %arg1, %lt3A_217 : i32
      %convert_element_type3A_219 = arith.extui %lt3A_218 : i1 to i32
      %cond3A_220 = arith.constant 0 : i32
      %cond3A_221 = arith.cmpi ne, %convert_element_type3A_219, %cond3A_220 : i32
      scf.if %cond3A_221 {
        %mul3A_227 = arith.constant 624 : i32
        %mul3A_228 = arith.muli %arg1, %mul3A_227 : i32
        %add3A_229 = arith.constant 512 : i32
        %add3A_230 = arith.addi %mul3A_228, %add3A_229 : i32
        %run_scoped3A = arith.constant 0 : i32
        "tpu.region"() ({
          %run_scoped3A_231 = tpu.sem_alloc : memref<!tpu.dma_semaphore, #tpu.memory_space<semaphore_mem>>
          %dma_start3A_232 = arith.constant 0 : i32
          %dma_start3A_233 = arith.constant 0 : i32
          %dma_start3A_234 = tpu.memref_slice %arg7[%run_scoped3A, %dma_start3A_232, %dma_start3A_233] : memref<3x128x128xf32, #tpu.memory_space<vmem>> -> memref<1x112x128xf32, #tpu.memory_space<vmem>>
          %dma_start3A_235 = tpu.memref_squeeze %dma_start3A_234 : memref<1x112x128xf32, #tpu.memory_space<vmem>> -> memref<112x128xf32, #tpu.memory_space<vmem>>
          %dma_start3A_236 = arith.constant 0 : i32
          %dma_start3A_237 = tpu.memref_slice %arg8[%add3A_230, %dma_start3A_236] : memref<10000x128xf32, #tpu.memory_space<vmem_shared>> -> memref<112x128xf32, #tpu.memory_space<vmem_shared>>
          %dma_start3A_238 = arith.constant 0 : i32
          %dma_start3A_239 = tpu.memref_slice %arg8[%add3A_230, %dma_start3A_238] : memref<10000x128xf32, #tpu.memory_space<vmem_shared>> -> memref<112x128xf32, #tpu.memory_space<vmem_shared>>
          %dma_start3A_240 = arith.constant 0 : i32
          %dma_start3A_241 = arith.constant 0 : i32
          %dma_start3A_242 = tpu.memref_slice %arg7[%run_scoped3A, %dma_start3A_240, %dma_start3A_241] : memref<3x128x128xf32, #tpu.memory_space<vmem>> -> memref<1x112x128xf32, #tpu.memory_space<vmem>>
          %dma_start3A_243 = tpu.memref_squeeze %dma_start3A_242 : memref<1x112x128xf32, #tpu.memory_space<vmem>> -> memref<112x128xf32, #tpu.memory_space<vmem>>
          tpu.enqueue_dma source(%dma_start3A_243 : memref<112x128xf32, #tpu.memory_space<vmem>>) target(%dma_start3A_239 : memref<112x128xf32, #tpu.memory_space<vmem_shared>>) target_semaphore(%run_scoped3A_231 : memref<!tpu.dma_semaphore, #tpu.memory_space<semaphore_mem>>)
          %dma_wait3A_244 = arith.constant 0 : i32
          %dma_wait3A_245 = arith.constant 0 : i32
          %dma_wait3A_246 = tpu.memref_slice %arg7[%run_scoped3A, %dma_wait3A_244, %dma_wait3A_245] : memref<3x128x128xf32, #tpu.memory_space<vmem>> -> memref<1x112x128xf32, #tpu.memory_space<vmem>>
          %dma_wait3A_247 = tpu.memref_squeeze %dma_wait3A_246 : memref<1x112x128xf32, #tpu.memory_space<vmem>> -> memref<112x128xf32, #tpu.memory_space<vmem>>
          %dma_wait3A_248 = arith.constant 0 : i32
          %dma_wait3A_249 = tpu.memref_slice %arg8[%add3A_230, %dma_wait3A_248] : memref<10000x128xf32, #tpu.memory_space<vmem_shared>> -> memref<112x128xf32, #tpu.memory_space<vmem_shared>>
          %dma_wait3A_250 = arith.constant 0 : i32
          %dma_wait3A_251 = tpu.memref_slice %arg8[%add3A_230, %dma_wait3A_250] : memref<10000x128xf32, #tpu.memory_space<vmem_shared>> -> memref<112x128xf32, #tpu.memory_space<vmem_shared>>
          %dma_wait3A_252 = arith.constant 0 : i32
          %dma_wait3A_253 = arith.constant 0 : i32
          %dma_wait3A_254 = tpu.memref_slice %arg7[%run_scoped3A, %dma_wait3A_252, %dma_wait3A_253] : memref<3x128x128xf32, #tpu.memory_space<vmem>> -> memref<1x112x128xf32, #tpu.memory_space<vmem>>
          %dma_wait3A_255 = tpu.memref_squeeze %dma_wait3A_254 : memref<1x112x128xf32, #tpu.memory_space<vmem>> -> memref<112x128xf32, #tpu.memory_space<vmem>>
          tpu.wait_dma2 semaphore(%run_scoped3A_231 : memref<!tpu.dma_semaphore, #tpu.memory_space<semaphore_mem>>) src(%dma_wait3A_255 : memref<112x128xf32, #tpu.memory_space<vmem>>) dst(%dma_wait3A_251 : memref<112x128xf32, #tpu.memory_space<vmem_shared>>)
          tpu.yield
        }) : () -> ()
      } else {
      }
      %eq3A_222 = arith.constant 15 : i32
      %eq3A_223 = arith.cmpi eq, %arg1, %eq3A_222 : i32
      %convert_element_type3A_224 = arith.extui %eq3A_223 : i1 to i32
      %cond3A_225 = arith.constant 0 : i32
      %cond3A_226 = arith.cmpi ne, %convert_element_type3A_224, %cond3A_225 : i32
      scf.if %cond3A_226 {
        %run_scoped3A = arith.constant 0 : i32
        "tpu.region"() ({
          %run_scoped3A_227 = tpu.sem_alloc : memref<!tpu.dma_semaphore, #tpu.memory_space<semaphore_mem>>
          %dma_start3A_228 = arith.constant 0 : i32
          %dma_start3A_229 = arith.constant 0 : i32
          %dma_start3A_230 = tpu.memref_slice %arg7[%run_scoped3A, %dma_start3A_228, %dma_start3A_229] : memref<3x128x128xf32, #tpu.memory_space<vmem>> -> memref<1x128x128xf32, #tpu.memory_space<vmem>>
          %dma_start3A_231 = tpu.memref_squeeze %dma_start3A_230 : memref<1x128x128xf32, #tpu.memory_space<vmem>> -> memref<128x128xf32, #tpu.memory_space<vmem>>
          %dma_start3A_232 = arith.constant 9872 : i32
          %dma_start3A_233 = arith.constant 0 : i32
          %dma_start3A_234 = tpu.memref_slice %arg8[%dma_start3A_232, %dma_start3A_233] : memref<10000x128xf32, #tpu.memory_space<vmem_shared>> -> memref<128x128xf32, #tpu.memory_space<vmem_shared>>
          %dma_start3A_235 = arith.constant 9872 : i32
          %dma_start3A_236 = arith.constant 0 : i32
          %dma_start3A_237 = tpu.memref_slice %arg8[%dma_start3A_235, %dma_start3A_236] : memref<10000x128xf32, #tpu.memory_space<vmem_shared>> -> memref<128x128xf32, #tpu.memory_space<vmem_shared>>
          %dma_start3A_238 = arith.constant 0 : i32
          %dma_start3A_239 = arith.constant 0 : i32
          %dma_start3A_240 = tpu.memref_slice %arg7[%run_scoped3A, %dma_start3A_238, %dma_start3A_239] : memref<3x128x128xf32, #tpu.memory_space<vmem>> -> memref<1x128x128xf32, #tpu.memory_space<vmem>>
          %dma_start3A_241 = tpu.memref_squeeze %dma_start3A_240 : memref<1x128x128xf32, #tpu.memory_space<vmem>> -> memref<128x128xf32, #tpu.memory_space<vmem>>
          tpu.enqueue_dma source(%dma_start3A_241 : memref<128x128xf32, #tpu.memory_space<vmem>>) target(%dma_start3A_237 : memref<128x128xf32, #tpu.memory_space<vmem_shared>>) target_semaphore(%run_scoped3A_227 : memref<!tpu.dma_semaphore, #tpu.memory_space<semaphore_mem>>)
          %dma_wait3A_242 = arith.constant 0 : i32
          %dma_wait3A_243 = arith.constant 0 : i32
          %dma_wait3A_244 = tpu.memref_slice %arg7[%run_scoped3A, %dma_wait3A_242, %dma_wait3A_243] : memref<3x128x128xf32, #tpu.memory_space<vmem>> -> memref<1x128x128xf32, #tpu.memory_space<vmem>>
          %dma_wait3A_245 = tpu.memref_squeeze %dma_wait3A_244 : memref<1x128x128xf32, #tpu.memory_space<vmem>> -> memref<128x128xf32, #tpu.memory_space<vmem>>
          %dma_wait3A_246 = arith.constant 9872 : i32
          %dma_wait3A_247 = arith.constant 0 : i32
          %dma_wait3A_248 = tpu.memref_slice %arg8[%dma_wait3A_246, %dma_wait3A_247] : memref<10000x128xf32, #tpu.memory_space<vmem_shared>> -> memref<128x128xf32, #tpu.memory_space<vmem_shared>>
          %dma_wait3A_249 = arith.constant 9872 : i32
          %dma_wait3A_250 = arith.constant 0 : i32
          %dma_wait3A_251 = tpu.memref_slice %arg8[%dma_wait3A_249, %dma_wait3A_250] : memref<10000x128xf32, #tpu.memory_space<vmem_shared>> -> memref<128x128xf32, #tpu.memory_space<vmem_shared>>
          %dma_wait3A_252 = arith.constant 0 : i32
          %dma_wait3A_253 = arith.constant 0 : i32
          %dma_wait3A_254 = tpu.memref_slice %arg7[%run_scoped3A, %dma_wait3A_252, %dma_wait3A_253] : memref<3x128x128xf32, #tpu.memory_space<vmem>> -> memref<1x128x128xf32, #tpu.memory_space<vmem>>
          %dma_wait3A_255 = tpu.memref_squeeze %dma_wait3A_254 : memref<1x128x128xf32, #tpu.memory_space<vmem>> -> memref<128x128xf32, #tpu.memory_space<vmem>>
          tpu.wait_dma2 semaphore(%run_scoped3A_227 : memref<!tpu.dma_semaphore, #tpu.memory_space<semaphore_mem>>) src(%dma_wait3A_255 : memref<128x128xf32, #tpu.memory_space<vmem>>) dst(%dma_wait3A_251 : memref<128x128xf32, #tpu.memory_space<vmem_shared>>)
          tpu.yield
        }) : () -> ()
      } else {
      }
    } else {
    }
    %barrier3A = arith.constant 0 : index
    tpu.barrier barrier_id(%barrier3A)
    %add3A_12 = arith.constant 0 : i32
    %add3A_13 = arith.addi %mul3A_4, %add3A_12 : i32
    %dma_start3A = arith.constant 0 : i32
    %dma_start3A_14 = arith.constant 0 : i32
    %dma_start3A_15 = arith.constant 0 : i32
    %dma_start3A_16 = tpu.memref_slice %arg5[%dma_start3A, %dma_start3A_15] : memref<4x128xi32, #tpu.memory_space<vmem>> -> memref<1x128xi32, #tpu.memory_space<vmem>>
    %dma_start3A_17 = tpu.memref_squeeze %dma_start3A_16 : memref<1x128xi32, #tpu.memory_space<vmem>> -> memref<128xi32, #tpu.memory_space<vmem>>
    %dma_start3A_18 = tpu.memref_slice %arg3[%add3A_13] : memref<640000xi32, #tpu.memory_space<hbm>> -> memref<128xi32, #tpu.memory_space<hbm>>
    %dma_start3A_19 = tpu.memref_slice %arg9[%dma_start3A_14] : memref<4x!tpu.dma_semaphore, #tpu.memory_space<semaphore_mem>> -> memref<1x!tpu.dma_semaphore, #tpu.memory_space<semaphore_mem>>
    %dma_start3A_20 = tpu.memref_squeeze %dma_start3A_19 : memref<1x!tpu.dma_semaphore, #tpu.memory_space<semaphore_mem>> -> memref<!tpu.dma_semaphore, #tpu.memory_space<semaphore_mem>>
    %dma_start3A_21 = arith.constant 0 : i32
    %dma_start3A_22 = tpu.memref_slice %arg5[%dma_start3A, %dma_start3A_21] : memref<4x128xi32, #tpu.memory_space<vmem>> -> memref<1x128xi32, #tpu.memory_space<vmem>>
    %dma_start3A_23 = tpu.memref_squeeze %dma_start3A_22 : memref<1x128xi32, #tpu.memory_space<vmem>> -> memref<128xi32, #tpu.memory_space<vmem>>
    %dma_start3A_24 = tpu.memref_slice %arg3[%add3A_13] : memref<640000xi32, #tpu.memory_space<hbm>> -> memref<128xi32, #tpu.memory_space<hbm>>
    tpu.enqueue_dma source(%dma_start3A_24 : memref<128xi32, #tpu.memory_space<hbm>>) target(%dma_start3A_23 : memref<128xi32, #tpu.memory_space<vmem>>) target_semaphore(%dma_start3A_20 : memref<!tpu.dma_semaphore, #tpu.memory_space<semaphore_mem>>)
    %add3A_25 = arith.constant 320000 : i32
    %add3A_26 = arith.addi %add3A_25, %mul3A_4 : i32
    %add3A_27 = arith.constant 0 : i32
    %add3A_28 = arith.addi %add3A_26, %add3A_27 : i32
    %dma_start3A_29 = arith.constant 0 : i32
    %dma_start3A_30 = arith.constant 0 : i32
    %dma_start3A_31 = arith.constant 0 : i32
    %dma_start3A_32 = arith.constant 0 : i32
    %dma_start3A_33 = tpu.memref_slice %arg6[%dma_start3A_29, %dma_start3A_30, %dma_start3A_32] : memref<4x1x128xi32, #tpu.memory_space<vmem>> -> memref<1x1x128xi32, #tpu.memory_space<vmem>>
    %dma_start3A_34 = tpu.memref_squeeze %dma_start3A_33 : memref<1x1x128xi32, #tpu.memory_space<vmem>> -> memref<128xi32, #tpu.memory_space<vmem>>
    %dma_start3A_35 = tpu.memref_slice %arg3[%add3A_28] : memref<640000xi32, #tpu.memory_space<hbm>> -> memref<128xi32, #tpu.memory_space<hbm>>
    %dma_start3A_36 = tpu.memref_slice %arg9[%dma_start3A_31] : memref<4x!tpu.dma_semaphore, #tpu.memory_space<semaphore_mem>> -> memref<1x!tpu.dma_semaphore, #tpu.memory_space<semaphore_mem>>
    %dma_start3A_37 = tpu.memref_squeeze %dma_start3A_36 : memref<1x!tpu.dma_semaphore, #tpu.memory_space<semaphore_mem>> -> memref<!tpu.dma_semaphore, #tpu.memory_space<semaphore_mem>>
    %dma_start3A_38 = arith.constant 0 : i32
    %dma_start3A_39 = tpu.memref_slice %arg6[%dma_start3A_29, %dma_start3A_30, %dma_start3A_38] : memref<4x1x128xi32, #tpu.memory_space<vmem>> -> memref<1x1x128xi32, #tpu.memory_space<vmem>>
    %dma_start3A_40 = tpu.memref_squeeze %dma_start3A_39 : memref<1x1x128xi32, #tpu.memory_space<vmem>> -> memref<128xi32, #tpu.memory_space<vmem>>
    %dma_start3A_41 = tpu.memref_slice %arg3[%add3A_28] : memref<640000xi32, #tpu.memory_space<hbm>> -> memref<128xi32, #tpu.memory_space<hbm>>
    tpu.enqueue_dma source(%dma_start3A_41 : memref<128xi32, #tpu.memory_space<hbm>>) target(%dma_start3A_40 : memref<128xi32, #tpu.memory_space<vmem>>) target_semaphore(%dma_start3A_37 : memref<!tpu.dma_semaphore, #tpu.memory_space<semaphore_mem>>)
    %add3A_42 = arith.constant 128 : i32
    %add3A_43 = arith.addi %mul3A_4, %add3A_42 : i32
    %dma_start3A_44 = arith.constant 1 : i32
    %dma_start3A_45 = arith.constant 1 : i32
    %dma_start3A_46 = arith.constant 0 : i32
    %dma_start3A_47 = tpu.memref_slice %arg5[%dma_start3A_44, %dma_start3A_46] : memref<4x128xi32, #tpu.memory_space<vmem>> -> memref<1x128xi32, #tpu.memory_space<vmem>>
    %dma_start3A_48 = tpu.memref_squeeze %dma_start3A_47 : memref<1x128xi32, #tpu.memory_space<vmem>> -> memref<128xi32, #tpu.memory_space<vmem>>
    %dma_start3A_49 = tpu.memref_slice %arg3[%add3A_43] : memref<640000xi32, #tpu.memory_space<hbm>> -> memref<128xi32, #tpu.memory_space<hbm>>
    %dma_start3A_50 = tpu.memref_slice %arg9[%dma_start3A_45] : memref<4x!tpu.dma_semaphore, #tpu.memory_space<semaphore_mem>> -> memref<1x!tpu.dma_semaphore, #tpu.memory_space<semaphore_mem>>
    %dma_start3A_51 = tpu.memref_squeeze %dma_start3A_50 : memref<1x!tpu.dma_semaphore, #tpu.memory_space<semaphore_mem>> -> memref<!tpu.dma_semaphore, #tpu.memory_space<semaphore_mem>>
    %dma_start3A_52 = arith.constant 0 : i32
    %dma_start3A_53 = tpu.memref_slice %arg5[%dma_start3A_44, %dma_start3A_52] : memref<4x128xi32, #tpu.memory_space<vmem>> -> memref<1x128xi32, #tpu.memory_space<vmem>>
    %dma_start3A_54 = tpu.memref_squeeze %dma_start3A_53 : memref<1x128xi32, #tpu.memory_space<vmem>> -> memref<128xi32, #tpu.memory_space<vmem>>
    %dma_start3A_55 = tpu.memref_slice %arg3[%add3A_43] : memref<640000xi32, #tpu.memory_space<hbm>> -> memref<128xi32, #tpu.memory_space<hbm>>
    tpu.enqueue_dma source(%dma_start3A_55 : memref<128xi32, #tpu.memory_space<hbm>>) target(%dma_start3A_54 : memref<128xi32, #tpu.memory_space<vmem>>) target_semaphore(%dma_start3A_51 : memref<!tpu.dma_semaphore, #tpu.memory_space<semaphore_mem>>)
    %add3A_56 = arith.constant 320000 : i32
    %add3A_57 = arith.addi %add3A_56, %mul3A_4 : i32
    %add3A_58 = arith.constant 128 : i32
    %add3A_59 = arith.addi %add3A_57, %add3A_58 : i32
    %dma_start3A_60 = arith.constant 1 : i32
    %dma_start3A_61 = arith.constant 0 : i32
    %dma_start3A_62 = arith.constant 1 : i32
    %dma_start3A_63 = arith.constant 0 : i32
    %dma_start3A_64 = tpu.memref_slice %arg6[%dma_start3A_60, %dma_start3A_61, %dma_start3A_63] : memref<4x1x128xi32, #tpu.memory_space<vmem>> -> memref<1x1x128xi32, #tpu.memory_space<vmem>>
    %dma_start3A_65 = tpu.memref_squeeze %dma_start3A_64 : memref<1x1x128xi32, #tpu.memory_space<vmem>> -> memref<128xi32, #tpu.memory_space<vmem>>
    %dma_start3A_66 = tpu.memref_slice %arg3[%add3A_59] : memref<640000xi32, #tpu.memory_space<hbm>> -> memref<128xi32, #tpu.memory_space<hbm>>
    %dma_start3A_67 = tpu.memref_slice %arg9[%dma_start3A_62] : memref<4x!tpu.dma_semaphore, #tpu.memory_space<semaphore_mem>> -> memref<1x!tpu.dma_semaphore, #tpu.memory_space<semaphore_mem>>
    %dma_start3A_68 = tpu.memref_squeeze %dma_start3A_67 : memref<1x!tpu.dma_semaphore, #tpu.memory_space<semaphore_mem>> -> memref<!tpu.dma_semaphore, #tpu.memory_space<semaphore_mem>>
    %dma_start3A_69 = arith.constant 0 : i32
    %dma_start3A_70 = tpu.memref_slice %arg6[%dma_start3A_60, %dma_start3A_61, %dma_start3A_69] : memref<4x1x128xi32, #tpu.memory_space<vmem>> -> memref<1x1x128xi32, #tpu.memory_space<vmem>>
    %dma_start3A_71 = tpu.memref_squeeze %dma_start3A_70 : memref<1x1x128xi32, #tpu.memory_space<vmem>> -> memref<128xi32, #tpu.memory_space<vmem>>
    %dma_start3A_72 = tpu.memref_slice %arg3[%add3A_59] : memref<640000xi32, #tpu.memory_space<hbm>> -> memref<128xi32, #tpu.memory_space<hbm>>
    tpu.enqueue_dma source(%dma_start3A_72 : memref<128xi32, #tpu.memory_space<hbm>>) target(%dma_start3A_71 : memref<128xi32, #tpu.memory_space<vmem>>) target_semaphore(%dma_start3A_68 : memref<!tpu.dma_semaphore, #tpu.memory_space<semaphore_mem>>)
    %scan3A = arith.constant 0 : i32
    %scan3A_73 = arith.constant 78 : i32
    %scan3A_74 = arith.addi %scan3A, %scan3A_73 : i32
    %scan3A_75 = arith.constant 1 : i32
    scf.for %scan3A_207 = %scan3A to %scan3A_74 step %scan3A_75  : i32 {
      %mul3A_208 = arith.constant 1 : i32
      %mul3A_209 = arith.muli %scan3A_207, %mul3A_208 : i32
      %add3A_210 = arith.constant 0 : i32
      %add3A_211 = arith.addi %add3A_210, %mul3A_209 : i32
      %rem3A = arith.constant 4 : i32
      %rem3A_212 = arith.remsi %add3A_211, %rem3A : i32
      %rem3A_213 = arith.constant 3 : i32
      %rem3A_214 = arith.remsi %add3A_211, %rem3A_213 : i32
      %dma_wait3A_215 = arith.constant 0 : i32
      %dma_wait3A_216 = tpu.memref_slice %arg5[%rem3A_212, %dma_wait3A_215] : memref<4x128xi32, #tpu.memory_space<vmem>> -> memref<1x128xi32, #tpu.memory_space<vmem>>
      %dma_wait3A_217 = tpu.memref_squeeze %dma_wait3A_216 : memref<1x128xi32, #tpu.memory_space<vmem>> -> memref<128xi32, #tpu.memory_space<vmem>>
      %dma_wait3A_218 = arith.constant 0 : i32
      %dma_wait3A_219 = tpu.memref_slice %arg3[%dma_wait3A_218] : memref<640000xi32, #tpu.memory_space<hbm>> -> memref<128xi32, #tpu.memory_space<hbm>>
      %dma_wait3A_220 = tpu.memref_slice %arg9[%rem3A_212] : memref<4x!tpu.dma_semaphore, #tpu.memory_space<semaphore_mem>> -> memref<1x!tpu.dma_semaphore, #tpu.memory_space<semaphore_mem>>
      %dma_wait3A_221 = tpu.memref_squeeze %dma_wait3A_220 : memref<1x!tpu.dma_semaphore, #tpu.memory_space<semaphore_mem>> -> memref<!tpu.dma_semaphore, #tpu.memory_space<semaphore_mem>>
      %dma_wait3A_222 = arith.constant 0 : i32
      %dma_wait3A_223 = tpu.memref_slice %arg5[%rem3A_212, %dma_wait3A_222] : memref<4x128xi32, #tpu.memory_space<vmem>> -> memref<1x128xi32, #tpu.memory_space<vmem>>
      %dma_wait3A_224 = tpu.memref_squeeze %dma_wait3A_223 : memref<1x128xi32, #tpu.memory_space<vmem>> -> memref<128xi32, #tpu.memory_space<vmem>>
      %dma_wait3A_225 = arith.constant 0 : i32
      %dma_wait3A_226 = tpu.memref_slice %arg3[%dma_wait3A_225] : memref<640000xi32, #tpu.memory_space<hbm>> -> memref<128xi32, #tpu.memory_space<hbm>>
      tpu.wait_dma2 semaphore(%dma_wait3A_221 : memref<!tpu.dma_semaphore, #tpu.memory_space<semaphore_mem>>) src(%dma_wait3A_226 : memref<128xi32, #tpu.memory_space<hbm>>) dst(%dma_wait3A_224 : memref<128xi32, #tpu.memory_space<vmem>>)
      %dma_wait3A_227 = arith.constant 0 : i32
      %dma_wait3A_228 = arith.constant 0 : i32
      %dma_wait3A_229 = tpu.memref_slice %arg6[%rem3A_212, %dma_wait3A_227, %dma_wait3A_228] : memref<4x1x128xi32, #tpu.memory_space<vmem>> -> memref<1x1x128xi32, #tpu.memory_space<vmem>>
      %dma_wait3A_230 = tpu.memref_squeeze %dma_wait3A_229 : memref<1x1x128xi32, #tpu.memory_space<vmem>> -> memref<128xi32, #tpu.memory_space<vmem>>
      %dma_wait3A_231 = arith.constant 0 : i32
      %dma_wait3A_232 = tpu.memref_slice %arg3[%dma_wait3A_231] : memref<640000xi32, #tpu.memory_space<hbm>> -> memref<128xi32, #tpu.memory_space<hbm>>
      %dma_wait3A_233 = tpu.memref_slice %arg9[%rem3A_212] : memref<4x!tpu.dma_semaphore, #tpu.memory_space<semaphore_mem>> -> memref<1x!tpu.dma_semaphore, #tpu.memory_space<semaphore_mem>>
      %dma_wait3A_234 = tpu.memref_squeeze %dma_wait3A_233 : memref<1x!tpu.dma_semaphore, #tpu.memory_space<semaphore_mem>> -> memref<!tpu.dma_semaphore, #tpu.memory_space<semaphore_mem>>
      %dma_wait3A_235 = arith.constant 0 : i32
      %dma_wait3A_236 = tpu.memref_slice %arg6[%rem3A_212, %dma_wait3A_227, %dma_wait3A_235] : memref<4x1x128xi32, #tpu.memory_space<vmem>> -> memref<1x1x128xi32, #tpu.memory_space<vmem>>
      %dma_wait3A_237 = tpu.memref_squeeze %dma_wait3A_236 : memref<1x1x128xi32, #tpu.memory_space<vmem>> -> memref<128xi32, #tpu.memory_space<vmem>>
      %dma_wait3A_238 = arith.constant 0 : i32
      %dma_wait3A_239 = tpu.memref_slice %arg3[%dma_wait3A_238] : memref<640000xi32, #tpu.memory_space<hbm>> -> memref<128xi32, #tpu.memory_space<hbm>>
      tpu.wait_dma2 semaphore(%dma_wait3A_234 : memref<!tpu.dma_semaphore, #tpu.memory_space<semaphore_mem>>) src(%dma_wait3A_239 : memref<128xi32, #tpu.memory_space<hbm>>) dst(%dma_wait3A_237 : memref<128xi32, #tpu.memory_space<vmem>>)
      %ge3A = arith.constant 3 : i32
      %ge3A_240 = arith.cmpi sge, %add3A_211, %ge3A : i32
      %convert_element_type3A_241 = arith.extui %ge3A_240 : i1 to i32
      %cond3A_242 = arith.constant 0 : i32
      %cond3A_243 = arith.cmpi ne, %convert_element_type3A_241, %cond3A_242 : i32
      scf.if %cond3A_243 {
        %add3A_268 = arith.constant 1 : i32
        %add3A_269 = arith.addi %add3A_211, %add3A_268 : i32
        %rem3A_270 = arith.constant 4 : i32
        %rem3A_271 = arith.remsi %add3A_269, %rem3A_270 : i32
        %dma_wait3A_272 = arith.constant 0 : i32
        %dma_wait3A_273 = arith.constant 0 : i32
        %dma_wait3A_274 = arith.constant 0 : i32
        %dma_wait3A_275 = tpu.memref_slice %arg7[%rem3A_214, %dma_wait3A_273, %dma_wait3A_274] : memref<3x128x128xf32, #tpu.memory_space<vmem>> -> memref<1x128x128xf32, #tpu.memory_space<vmem>>
        %dma_wait3A_276 = tpu.memref_squeeze %dma_wait3A_275 : memref<1x128x128xf32, #tpu.memory_space<vmem>> -> memref<128x128xf32, #tpu.memory_space<vmem>>
        %dma_wait3A_277 = arith.constant 0 : i32
        %dma_wait3A_278 = tpu.memref_slice %arg6[%rem3A_271, %dma_wait3A_272, %dma_wait3A_277] : memref<4x1x128xi32, #tpu.memory_space<vmem>> -> memref<1x1x128xi32, #tpu.memory_space<vmem>>
        %dma_wait3A_279 = tpu.memref_squeeze %dma_wait3A_278 : memref<1x1x128xi32, #tpu.memory_space<vmem>> -> memref<128xi32, #tpu.memory_space<vmem>>
        %dma_wait3A_280 = arith.constant 0 : i32
        %dma_wait3A_281 = arith.constant 0 : i32
        %dma_wait3A_282 = tpu.memref_slice %arg8[%dma_wait3A_280, %dma_wait3A_281] : memref<10000x128xf32, #tpu.memory_space<vmem_shared>> -> memref<10000x128xf32, #tpu.memory_space<vmem_shared>>
        %dma_wait3A_283 = tpu.memref_slice %arg11[%rem3A_214] : memref<3x!tpu.dma_semaphore, #tpu.memory_space<semaphore_mem>> -> memref<1x!tpu.dma_semaphore, #tpu.memory_space<semaphore_mem>>
        %dma_wait3A_284 = tpu.memref_squeeze %dma_wait3A_283 : memref<1x!tpu.dma_semaphore, #tpu.memory_space<semaphore_mem>> -> memref<!tpu.dma_semaphore, #tpu.memory_space<semaphore_mem>>
        tpu.wait_indirect_dma semaphore(%dma_wait3A_284 : memref<!tpu.dma_semaphore, #tpu.memory_space<semaphore_mem>>) src(%dma_wait3A_276 : memref<128x128xf32, #tpu.memory_space<vmem>>) dst(%dma_wait3A_282 : memref<10000x128xf32, #tpu.memory_space<vmem_shared>>)
      } else {
      }
      %dma_start3A_244 = arith.constant 0 : i32
      %dma_start3A_245 = arith.constant 0 : i32
      %dma_start3A_246 = tpu.memref_slice %arg7[%rem3A_214, %dma_start3A_244, %dma_start3A_245] : memref<3x128x128xf32, #tpu.memory_space<vmem>> -> memref<1x128x128xf32, #tpu.memory_space<vmem>>
      %dma_start3A_247 = tpu.memref_squeeze %dma_start3A_246 : memref<1x128x128xf32, #tpu.memory_space<vmem>> -> memref<128x128xf32, #tpu.memory_space<vmem>>
      %dma_start3A_248 = arith.constant 0 : i32
      %dma_start3A_249 = tpu.memref_slice %arg5[%rem3A_212, %dma_start3A_248] : memref<4x128xi32, #tpu.memory_space<vmem>> -> memref<1x128xi32, #tpu.memory_space<vmem>>
      %dma_start3A_250 = tpu.memref_squeeze %dma_start3A_249 : memref<1x128xi32, #tpu.memory_space<vmem>> -> memref<128xi32, #tpu.memory_space<vmem>>
      %dma_start3A_251 = arith.constant 0 : i32
      %dma_start3A_252 = arith.constant 0 : i32
      %dma_start3A_253 = tpu.memref_slice %arg2[%dma_start3A_251, %dma_start3A_252] : memref<10000x128xf32, #tpu.memory_space<hbm>> -> memref<10000x128xf32, #tpu.memory_space<hbm>>
      %dma_start3A_254 = tpu.memref_slice %arg10[%rem3A_214] : memref<3x!tpu.dma_semaphore, #tpu.memory_space<semaphore_mem>> -> memref<1x!tpu.dma_semaphore, #tpu.memory_space<semaphore_mem>>
      %dma_start3A_255 = tpu.memref_squeeze %dma_start3A_254 : memref<1x!tpu.dma_semaphore, #tpu.memory_space<semaphore_mem>> -> memref<!tpu.dma_semaphore, #tpu.memory_space<semaphore_mem>>
      tpu.enqueue_indirect_dma source(%dma_start3A_253 : memref<10000x128xf32, #tpu.memory_space<hbm>>) target(%dma_start3A_247 : memref<128x128xf32, #tpu.memory_space<vmem>>) offsets(%dma_start3A_250 : memref<128xi32, #tpu.memory_space<vmem>>) semaphore(%dma_start3A_255 : memref<!tpu.dma_semaphore, #tpu.memory_space<semaphore_mem>>)
      %ge3A_256 = arith.constant 2 : i32
      %ge3A_257 = arith.cmpi sge, %add3A_211, %ge3A_256 : i32
      %convert_element_type3A_258 = arith.extui %ge3A_257 : i1 to i32
      %cond3A_259 = arith.constant 0 : i32
      %cond3A_260 = arith.cmpi ne, %convert_element_type3A_258, %cond3A_259 : i32
      scf.if %cond3A_260 {
        %add3A_268 = arith.constant 1 : i32
        %add3A_269 = arith.addi %add3A_211, %add3A_268 : i32
        %rem3A_270 = arith.constant 3 : i32
        %rem3A_271 = arith.remsi %add3A_269, %rem3A_270 : i32
        %add3A_272 = arith.constant 2 : i32
        %add3A_273 = arith.addi %add3A_211, %add3A_272 : i32
        %rem3A_274 = arith.constant 4 : i32
        %rem3A_275 = arith.remsi %add3A_273, %rem3A_274 : i32
        %dma_wait3A_276 = arith.constant 0 : i32
        %dma_wait3A_277 = arith.constant 0 : i32
        %dma_wait3A_278 = tpu.memref_slice %arg7[%rem3A_271, %dma_wait3A_276, %dma_wait3A_277] : memref<3x128x128xf32, #tpu.memory_space<vmem>> -> memref<1x128x128xf32, #tpu.memory_space<vmem>>
        %dma_wait3A_279 = tpu.memref_squeeze %dma_wait3A_278 : memref<1x128x128xf32, #tpu.memory_space<vmem>> -> memref<128x128xf32, #tpu.memory_space<vmem>>
        %dma_wait3A_280 = arith.constant 0 : i32
        %dma_wait3A_281 = arith.constant 0 : i32
        %dma_wait3A_282 = tpu.memref_slice %arg2[%dma_wait3A_280, %dma_wait3A_281] : memref<10000x128xf32, #tpu.memory_space<hbm>> -> memref<128x128xf32, #tpu.memory_space<hbm>>
        %dma_wait3A_283 = tpu.memref_slice %arg10[%rem3A_271] : memref<3x!tpu.dma_semaphore, #tpu.memory_space<semaphore_mem>> -> memref<1x!tpu.dma_semaphore, #tpu.memory_space<semaphore_mem>>
        %dma_wait3A_284 = tpu.memref_squeeze %dma_wait3A_283 : memref<1x!tpu.dma_semaphore, #tpu.memory_space<semaphore_mem>> -> memref<!tpu.dma_semaphore, #tpu.memory_space<semaphore_mem>>
        %dma_wait3A_285 = arith.constant 0 : i32
        %dma_wait3A_286 = arith.constant 0 : i32
        %dma_wait3A_287 = tpu.memref_slice %arg7[%rem3A_271, %dma_wait3A_285, %dma_wait3A_286] : memref<3x128x128xf32, #tpu.memory_space<vmem>> -> memref<1x128x128xf32, #tpu.memory_space<vmem>>
        %dma_wait3A_288 = tpu.memref_squeeze %dma_wait3A_287 : memref<1x128x128xf32, #tpu.memory_space<vmem>> -> memref<128x128xf32, #tpu.memory_space<vmem>>
        %dma_wait3A_289 = arith.constant 0 : i32
        %dma_wait3A_290 = arith.constant 0 : i32
        %dma_wait3A_291 = tpu.memref_slice %arg2[%dma_wait3A_289, %dma_wait3A_290] : memref<10000x128xf32, #tpu.memory_space<hbm>> -> memref<128x128xf32, #tpu.memory_space<hbm>>
        tpu.wait_dma2 semaphore(%dma_wait3A_284 : memref<!tpu.dma_semaphore, #tpu.memory_space<semaphore_mem>>) src(%dma_wait3A_291 : memref<128x128xf32, #tpu.memory_space<hbm>>) dst(%dma_wait3A_288 : memref<128x128xf32, #tpu.memory_space<vmem>>)
        %dma_start3A_292 = arith.constant 0 : i32
        %dma_start3A_293 = arith.constant 0 : i32
        %dma_start3A_294 = arith.constant 0 : i32
        %dma_start3A_295 = tpu.memref_slice %arg7[%rem3A_271, %dma_start3A_293, %dma_start3A_294] : memref<3x128x128xf32, #tpu.memory_space<vmem>> -> memref<1x128x128xf32, #tpu.memory_space<vmem>>
        %dma_start3A_296 = tpu.memref_squeeze %dma_start3A_295 : memref<1x128x128xf32, #tpu.memory_space<vmem>> -> memref<128x128xf32, #tpu.memory_space<vmem>>
        %dma_start3A_297 = arith.constant 0 : i32
        %dma_start3A_298 = tpu.memref_slice %arg6[%rem3A_275, %dma_start3A_292, %dma_start3A_297] : memref<4x1x128xi32, #tpu.memory_space<vmem>> -> memref<1x1x128xi32, #tpu.memory_space<vmem>>
        %dma_start3A_299 = tpu.memref_squeeze %dma_start3A_298 : memref<1x1x128xi32, #tpu.memory_space<vmem>> -> memref<128xi32, #tpu.memory_space<vmem>>
        %dma_start3A_300 = arith.constant 0 : i32
        %dma_start3A_301 = arith.constant 0 : i32
        %dma_start3A_302 = tpu.memref_slice %arg8[%dma_start3A_300, %dma_start3A_301] : memref<10000x128xf32, #tpu.memory_space<vmem_shared>> -> memref<10000x128xf32, #tpu.memory_space<vmem_shared>>
        %dma_start3A_303 = tpu.memref_slice %arg11[%rem3A_271] : memref<3x!tpu.dma_semaphore, #tpu.memory_space<semaphore_mem>> -> memref<1x!tpu.dma_semaphore, #tpu.memory_space<semaphore_mem>>
        %dma_start3A_304 = tpu.memref_squeeze %dma_start3A_303 : memref<1x!tpu.dma_semaphore, #tpu.memory_space<semaphore_mem>> -> memref<!tpu.dma_semaphore, #tpu.memory_space<semaphore_mem>>
        tpu.enqueue_indirect_dma source(%dma_start3A_296 : memref<128x128xf32, #tpu.memory_space<vmem>>) target(%dma_start3A_302 : memref<10000x128xf32, #tpu.memory_space<vmem_shared>>) offsets(%dma_start3A_299 : memref<128xi32, #tpu.memory_space<vmem>>) semaphore(%dma_start3A_304 : memref<!tpu.dma_semaphore, #tpu.memory_space<semaphore_mem>>) {add = true}
      } else {
      }
      %add3A_261 = arith.constant 2 : i32
      %add3A_262 = arith.addi %add3A_211, %add3A_261 : i32
      %lt3A_263 = arith.constant 78 : i32
      %lt3A_264 = arith.cmpi slt, %add3A_262, %lt3A_263 : i32
      %convert_element_type3A_265 = arith.extui %lt3A_264 : i1 to i32
      %cond3A_266 = arith.constant 0 : i32
      %cond3A_267 = arith.cmpi ne, %convert_element_type3A_265, %cond3A_266 : i32
      scf.if %cond3A_267 {
        %add3A_268 = arith.constant 2 : i32
        %add3A_269 = arith.addi %add3A_211, %add3A_268 : i32
        %add3A_270 = arith.constant 2 : i32
        %add3A_271 = arith.addi %add3A_211, %add3A_270 : i32
        %rem3A_272 = arith.constant 4 : i32
        %rem3A_273 = arith.remsi %add3A_271, %rem3A_272 : i32
        %mul3A_274 = arith.constant 128 : i32
        %mul3A_275 = arith.muli %add3A_269, %mul3A_274 : i32
        %add3A_276 = arith.addi %mul3A_4, %mul3A_275 : i32
        %dma_start3A_277 = arith.constant 0 : i32
        %dma_start3A_278 = tpu.memref_slice %arg5[%rem3A_273, %dma_start3A_277] : memref<4x128xi32, #tpu.memory_space<vmem>> -> memref<1x128xi32, #tpu.memory_space<vmem>>
        %dma_start3A_279 = tpu.memref_squeeze %dma_start3A_278 : memref<1x128xi32, #tpu.memory_space<vmem>> -> memref<128xi32, #tpu.memory_space<vmem>>
        %dma_start3A_280 = tpu.memref_slice %arg3[%add3A_276] : memref<640000xi32, #tpu.memory_space<hbm>> -> memref<128xi32, #tpu.memory_space<hbm>>
        %dma_start3A_281 = tpu.memref_slice %arg9[%rem3A_273] : memref<4x!tpu.dma_semaphore, #tpu.memory_space<semaphore_mem>> -> memref<1x!tpu.dma_semaphore, #tpu.memory_space<semaphore_mem>>
        %dma_start3A_282 = tpu.memref_squeeze %dma_start3A_281 : memref<1x!tpu.dma_semaphore, #tpu.memory_space<semaphore_mem>> -> memref<!tpu.dma_semaphore, #tpu.memory_space<semaphore_mem>>
        %dma_start3A_283 = arith.constant 0 : i32
        %dma_start3A_284 = tpu.memref_slice %arg5[%rem3A_273, %dma_start3A_283] : memref<4x128xi32, #tpu.memory_space<vmem>> -> memref<1x128xi32, #tpu.memory_space<vmem>>
        %dma_start3A_285 = tpu.memref_squeeze %dma_start3A_284 : memref<1x128xi32, #tpu.memory_space<vmem>> -> memref<128xi32, #tpu.memory_space<vmem>>
        %dma_start3A_286 = tpu.memref_slice %arg3[%add3A_276] : memref<640000xi32, #tpu.memory_space<hbm>> -> memref<128xi32, #tpu.memory_space<hbm>>
        tpu.enqueue_dma source(%dma_start3A_286 : memref<128xi32, #tpu.memory_space<hbm>>) target(%dma_start3A_285 : memref<128xi32, #tpu.memory_space<vmem>>) target_semaphore(%dma_start3A_282 : memref<!tpu.dma_semaphore, #tpu.memory_space<semaphore_mem>>)
        %add3A_287 = arith.constant 320000 : i32
        %add3A_288 = arith.addi %add3A_287, %mul3A_4 : i32
        %mul3A_289 = arith.constant 128 : i32
        %mul3A_290 = arith.muli %add3A_269, %mul3A_289 : i32
        %add3A_291 = arith.addi %add3A_288, %mul3A_290 : i32
        %dma_start3A_292 = arith.constant 0 : i32
        %dma_start3A_293 = arith.constant 0 : i32
        %dma_start3A_294 = tpu.memref_slice %arg6[%rem3A_273, %dma_start3A_292, %dma_start3A_293] : memref<4x1x128xi32, #tpu.memory_space<vmem>> -> memref<1x1x128xi32, #tpu.memory_space<vmem>>
        %dma_start3A_295 = tpu.memref_squeeze %dma_start3A_294 : memref<1x1x128xi32, #tpu.memory_space<vmem>> -> memref<128xi32, #tpu.memory_space<vmem>>
        %dma_start3A_296 = tpu.memref_slice %arg3[%add3A_291] : memref<640000xi32, #tpu.memory_space<hbm>> -> memref<128xi32, #tpu.memory_space<hbm>>
        %dma_start3A_297 = tpu.memref_slice %arg9[%rem3A_273] : memref<4x!tpu.dma_semaphore, #tpu.memory_space<semaphore_mem>> -> memref<1x!tpu.dma_semaphore, #tpu.memory_space<semaphore_mem>>
        %dma_start3A_298 = tpu.memref_squeeze %dma_start3A_297 : memref<1x!tpu.dma_semaphore, #tpu.memory_space<semaphore_mem>> -> memref<!tpu.dma_semaphore, #tpu.memory_space<semaphore_mem>>
        %dma_start3A_299 = arith.constant 0 : i32
        %dma_start3A_300 = tpu.memref_slice %arg6[%rem3A_273, %dma_start3A_292, %dma_start3A_299] : memref<4x1x128xi32, #tpu.memory_space<vmem>> -> memref<1x1x128xi32, #tpu.memory_space<vmem>>
        %dma_start3A_301 = tpu.memref_squeeze %dma_start3A_300 : memref<1x1x128xi32, #tpu.memory_space<vmem>> -> memref<128xi32, #tpu.memory_space<vmem>>
        %dma_start3A_302 = tpu.memref_slice %arg3[%add3A_291] : memref<640000xi32, #tpu.memory_space<hbm>> -> memref<128xi32, #tpu.memory_space<hbm>>
        tpu.enqueue_dma source(%dma_start3A_302 : memref<128xi32, #tpu.memory_space<hbm>>) target(%dma_start3A_301 : memref<128xi32, #tpu.memory_space<vmem>>) target_semaphore(%dma_start3A_298 : memref<!tpu.dma_semaphore, #tpu.memory_space<semaphore_mem>>)
      } else {
      }
    }
    %scan3A_76 = arith.constant 78 : i32
    %dma_wait3A = arith.constant 1 : i32
    %dma_wait3A_77 = arith.constant 1 : i32
    %dma_wait3A_78 = arith.constant 0 : i32
    %dma_wait3A_79 = arith.constant 0 : i32
    %dma_wait3A_80 = tpu.memref_slice %arg7[%dma_wait3A, %dma_wait3A_78, %dma_wait3A_79] : memref<3x128x128xf32, #tpu.memory_space<vmem>> -> memref<1x128x128xf32, #tpu.memory_space<vmem>>
    %dma_wait3A_81 = tpu.memref_squeeze %dma_wait3A_80 : memref<1x128x128xf32, #tpu.memory_space<vmem>> -> memref<128x128xf32, #tpu.memory_space<vmem>>
    %dma_wait3A_82 = arith.constant 0 : i32
    %dma_wait3A_83 = arith.constant 0 : i32
    %dma_wait3A_84 = tpu.memref_slice %arg2[%dma_wait3A_82, %dma_wait3A_83] : memref<10000x128xf32, #tpu.memory_space<hbm>> -> memref<128x128xf32, #tpu.memory_space<hbm>>
    %dma_wait3A_85 = tpu.memref_slice %arg10[%dma_wait3A_77] : memref<3x!tpu.dma_semaphore, #tpu.memory_space<semaphore_mem>> -> memref<1x!tpu.dma_semaphore, #tpu.memory_space<semaphore_mem>>
    %dma_wait3A_86 = tpu.memref_squeeze %dma_wait3A_85 : memref<1x!tpu.dma_semaphore, #tpu.memory_space<semaphore_mem>> -> memref<!tpu.dma_semaphore, #tpu.memory_space<semaphore_mem>>
    %dma_wait3A_87 = arith.constant 0 : i32
    %dma_wait3A_88 = arith.constant 0 : i32
    %dma_wait3A_89 = tpu.memref_slice %arg7[%dma_wait3A, %dma_wait3A_87, %dma_wait3A_88] : memref<3x128x128xf32, #tpu.memory_space<vmem>> -> memref<1x128x128xf32, #tpu.memory_space<vmem>>
    %dma_wait3A_90 = tpu.memref_squeeze %dma_wait3A_89 : memref<1x128x128xf32, #tpu.memory_space<vmem>> -> memref<128x128xf32, #tpu.memory_space<vmem>>
    %dma_wait3A_91 = arith.constant 0 : i32
    %dma_wait3A_92 = arith.constant 0 : i32
    %dma_wait3A_93 = tpu.memref_slice %arg2[%dma_wait3A_91, %dma_wait3A_92] : memref<10000x128xf32, #tpu.memory_space<hbm>> -> memref<128x128xf32, #tpu.memory_space<hbm>>
    tpu.wait_dma2 semaphore(%dma_wait3A_86 : memref<!tpu.dma_semaphore, #tpu.memory_space<semaphore_mem>>) src(%dma_wait3A_93 : memref<128x128xf32, #tpu.memory_space<hbm>>) dst(%dma_wait3A_90 : memref<128x128xf32, #tpu.memory_space<vmem>>)
    %dma_start3A_94 = arith.constant 1 : i32
    %dma_start3A_95 = arith.constant 0 : i32
    %dma_start3A_96 = arith.constant 0 : i32
    %dma_start3A_97 = arith.constant 1 : i32
    %dma_start3A_98 = arith.constant 0 : i32
    %dma_start3A_99 = arith.constant 0 : i32
    %dma_start3A_100 = tpu.memref_slice %arg7[%dma_start3A_94, %dma_start3A_98, %dma_start3A_99] : memref<3x128x128xf32, #tpu.memory_space<vmem>> -> memref<1x128x128xf32, #tpu.memory_space<vmem>>
    %dma_start3A_101 = tpu.memref_squeeze %dma_start3A_100 : memref<1x128x128xf32, #tpu.memory_space<vmem>> -> memref<128x128xf32, #tpu.memory_space<vmem>>
    %dma_start3A_102 = arith.constant 0 : i32
    %dma_start3A_103 = tpu.memref_slice %arg6[%dma_start3A_95, %dma_start3A_96, %dma_start3A_102] : memref<4x1x128xi32, #tpu.memory_space<vmem>> -> memref<1x1x128xi32, #tpu.memory_space<vmem>>
    %dma_start3A_104 = tpu.memref_squeeze %dma_start3A_103 : memref<1x1x128xi32, #tpu.memory_space<vmem>> -> memref<128xi32, #tpu.memory_space<vmem>>
    %dma_start3A_105 = arith.constant 0 : i32
    %dma_start3A_106 = arith.constant 0 : i32
    %dma_start3A_107 = tpu.memref_slice %arg8[%dma_start3A_105, %dma_start3A_106] : memref<10000x128xf32, #tpu.memory_space<vmem_shared>> -> memref<10000x128xf32, #tpu.memory_space<vmem_shared>>
    %dma_start3A_108 = tpu.memref_slice %arg11[%dma_start3A_97] : memref<3x!tpu.dma_semaphore, #tpu.memory_space<semaphore_mem>> -> memref<1x!tpu.dma_semaphore, #tpu.memory_space<semaphore_mem>>
    %dma_start3A_109 = tpu.memref_squeeze %dma_start3A_108 : memref<1x!tpu.dma_semaphore, #tpu.memory_space<semaphore_mem>> -> memref<!tpu.dma_semaphore, #tpu.memory_space<semaphore_mem>>
    tpu.enqueue_indirect_dma source(%dma_start3A_101 : memref<128x128xf32, #tpu.memory_space<vmem>>) target(%dma_start3A_107 : memref<10000x128xf32, #tpu.memory_space<vmem_shared>>) offsets(%dma_start3A_104 : memref<128xi32, #tpu.memory_space<vmem>>) semaphore(%dma_start3A_109 : memref<!tpu.dma_semaphore, #tpu.memory_space<semaphore_mem>>) {add = true}
    %dma_wait3A_110 = arith.constant 2 : i32
    %dma_wait3A_111 = arith.constant 2 : i32
    %dma_wait3A_112 = arith.constant 0 : i32
    %dma_wait3A_113 = arith.constant 0 : i32
    %dma_wait3A_114 = tpu.memref_slice %arg7[%dma_wait3A_110, %dma_wait3A_112, %dma_wait3A_113] : memref<3x128x128xf32, #tpu.memory_space<vmem>> -> memref<1x128x128xf32, #tpu.memory_space<vmem>>
    %dma_wait3A_115 = tpu.memref_squeeze %dma_wait3A_114 : memref<1x128x128xf32, #tpu.memory_space<vmem>> -> memref<128x128xf32, #tpu.memory_space<vmem>>
    %dma_wait3A_116 = arith.constant 0 : i32
    %dma_wait3A_117 = arith.constant 0 : i32
    %dma_wait3A_118 = tpu.memref_slice %arg2[%dma_wait3A_116, %dma_wait3A_117] : memref<10000x128xf32, #tpu.memory_space<hbm>> -> memref<128x128xf32, #tpu.memory_space<hbm>>
    %dma_wait3A_119 = tpu.memref_slice %arg10[%dma_wait3A_111] : memref<3x!tpu.dma_semaphore, #tpu.memory_space<semaphore_mem>> -> memref<1x!tpu.dma_semaphore, #tpu.memory_space<semaphore_mem>>
    %dma_wait3A_120 = tpu.memref_squeeze %dma_wait3A_119 : memref<1x!tpu.dma_semaphore, #tpu.memory_space<semaphore_mem>> -> memref<!tpu.dma_semaphore, #tpu.memory_space<semaphore_mem>>
    %dma_wait3A_121 = arith.constant 0 : i32
    %dma_wait3A_122 = arith.constant 0 : i32
    %dma_wait3A_123 = tpu.memref_slice %arg7[%dma_wait3A_110, %dma_wait3A_121, %dma_wait3A_122] : memref<3x128x128xf32, #tpu.memory_space<vmem>> -> memref<1x128x128xf32, #tpu.memory_space<vmem>>
    %dma_wait3A_124 = tpu.memref_squeeze %dma_wait3A_123 : memref<1x128x128xf32, #tpu.memory_space<vmem>> -> memref<128x128xf32, #tpu.memory_space<vmem>>
    %dma_wait3A_125 = arith.constant 0 : i32
    %dma_wait3A_126 = arith.constant 0 : i32
    %dma_wait3A_127 = tpu.memref_slice %arg2[%dma_wait3A_125, %dma_wait3A_126] : memref<10000x128xf32, #tpu.memory_space<hbm>> -> memref<128x128xf32, #tpu.memory_space<hbm>>
    tpu.wait_dma2 semaphore(%dma_wait3A_120 : memref<!tpu.dma_semaphore, #tpu.memory_space<semaphore_mem>>) src(%dma_wait3A_127 : memref<128x128xf32, #tpu.memory_space<hbm>>) dst(%dma_wait3A_124 : memref<128x128xf32, #tpu.memory_space<vmem>>)
    %dma_start3A_128 = arith.constant 2 : i32
    %dma_start3A_129 = arith.constant 1 : i32
    %dma_start3A_130 = arith.constant 0 : i32
    %dma_start3A_131 = arith.constant 2 : i32
    %dma_start3A_132 = arith.constant 0 : i32
    %dma_start3A_133 = arith.constant 0 : i32
    %dma_start3A_134 = tpu.memref_slice %arg7[%dma_start3A_128, %dma_start3A_132, %dma_start3A_133] : memref<3x128x128xf32, #tpu.memory_space<vmem>> -> memref<1x128x128xf32, #tpu.memory_space<vmem>>
    %dma_start3A_135 = tpu.memref_squeeze %dma_start3A_134 : memref<1x128x128xf32, #tpu.memory_space<vmem>> -> memref<128x128xf32, #tpu.memory_space<vmem>>
    %dma_start3A_136 = arith.constant 0 : i32
    %dma_start3A_137 = tpu.memref_slice %arg6[%dma_start3A_129, %dma_start3A_130, %dma_start3A_136] : memref<4x1x128xi32, #tpu.memory_space<vmem>> -> memref<1x1x128xi32, #tpu.memory_space<vmem>>
    %dma_start3A_138 = tpu.memref_squeeze %dma_start3A_137 : memref<1x1x128xi32, #tpu.memory_space<vmem>> -> memref<128xi32, #tpu.memory_space<vmem>>
    %dma_start3A_139 = arith.constant 0 : i32
    %dma_start3A_140 = arith.constant 0 : i32
    %dma_start3A_141 = tpu.memref_slice %arg8[%dma_start3A_139, %dma_start3A_140] : memref<10000x128xf32, #tpu.memory_space<vmem_shared>> -> memref<10000x128xf32, #tpu.memory_space<vmem_shared>>
    %dma_start3A_142 = tpu.memref_slice %arg11[%dma_start3A_131] : memref<3x!tpu.dma_semaphore, #tpu.memory_space<semaphore_mem>> -> memref<1x!tpu.dma_semaphore, #tpu.memory_space<semaphore_mem>>
    %dma_start3A_143 = tpu.memref_squeeze %dma_start3A_142 : memref<1x!tpu.dma_semaphore, #tpu.memory_space<semaphore_mem>> -> memref<!tpu.dma_semaphore, #tpu.memory_space<semaphore_mem>>
    tpu.enqueue_indirect_dma source(%dma_start3A_135 : memref<128x128xf32, #tpu.memory_space<vmem>>) target(%dma_start3A_141 : memref<10000x128xf32, #tpu.memory_space<vmem_shared>>) offsets(%dma_start3A_138 : memref<128xi32, #tpu.memory_space<vmem>>) semaphore(%dma_start3A_143 : memref<!tpu.dma_semaphore, #tpu.memory_space<semaphore_mem>>) {add = true}
    %dma_wait3A_144 = arith.constant 0 : i32
    %dma_wait3A_145 = arith.constant 3 : i32
    %dma_wait3A_146 = arith.constant 0 : i32
    %dma_wait3A_147 = arith.constant 0 : i32
    %dma_wait3A_148 = arith.constant 0 : i32
    %dma_wait3A_149 = arith.constant 0 : i32
    %dma_wait3A_150 = tpu.memref_slice %arg7[%dma_wait3A_144, %dma_wait3A_148, %dma_wait3A_149] : memref<3x128x128xf32, #tpu.memory_space<vmem>> -> memref<1x128x128xf32, #tpu.memory_space<vmem>>
    %dma_wait3A_151 = tpu.memref_squeeze %dma_wait3A_150 : memref<1x128x128xf32, #tpu.memory_space<vmem>> -> memref<128x128xf32, #tpu.memory_space<vmem>>
    %dma_wait3A_152 = arith.constant 0 : i32
    %dma_wait3A_153 = tpu.memref_slice %arg6[%dma_wait3A_145, %dma_wait3A_146, %dma_wait3A_152] : memref<4x1x128xi32, #tpu.memory_space<vmem>> -> memref<1x1x128xi32, #tpu.memory_space<vmem>>
    %dma_wait3A_154 = tpu.memref_squeeze %dma_wait3A_153 : memref<1x1x128xi32, #tpu.memory_space<vmem>> -> memref<128xi32, #tpu.memory_space<vmem>>
    %dma_wait3A_155 = arith.constant 0 : i32
    %dma_wait3A_156 = arith.constant 0 : i32
    %dma_wait3A_157 = tpu.memref_slice %arg8[%dma_wait3A_155, %dma_wait3A_156] : memref<10000x128xf32, #tpu.memory_space<vmem_shared>> -> memref<10000x128xf32, #tpu.memory_space<vmem_shared>>
    %dma_wait3A_158 = tpu.memref_slice %arg11[%dma_wait3A_147] : memref<3x!tpu.dma_semaphore, #tpu.memory_space<semaphore_mem>> -> memref<1x!tpu.dma_semaphore, #tpu.memory_space<semaphore_mem>>
    %dma_wait3A_159 = tpu.memref_squeeze %dma_wait3A_158 : memref<1x!tpu.dma_semaphore, #tpu.memory_space<semaphore_mem>> -> memref<!tpu.dma_semaphore, #tpu.memory_space<semaphore_mem>>
    tpu.wait_indirect_dma semaphore(%dma_wait3A_159 : memref<!tpu.dma_semaphore, #tpu.memory_space<semaphore_mem>>) src(%dma_wait3A_151 : memref<128x128xf32, #tpu.memory_space<vmem>>) dst(%dma_wait3A_157 : memref<10000x128xf32, #tpu.memory_space<vmem_shared>>)
    %dma_wait3A_160 = arith.constant 1 : i32
    %dma_wait3A_161 = arith.constant 0 : i32
    %dma_wait3A_162 = arith.constant 0 : i32
    %dma_wait3A_163 = arith.constant 1 : i32
    %dma_wait3A_164 = arith.constant 0 : i32
    %dma_wait3A_165 = arith.constant 0 : i32
    %dma_wait3A_166 = tpu.memref_slice %arg7[%dma_wait3A_160, %dma_wait3A_164, %dma_wait3A_165] : memref<3x128x128xf32, #tpu.memory_space<vmem>> -> memref<1x128x128xf32, #tpu.memory_space<vmem>>
    %dma_wait3A_167 = tpu.memref_squeeze %dma_wait3A_166 : memref<1x128x128xf32, #tpu.memory_space<vmem>> -> memref<128x128xf32, #tpu.memory_space<vmem>>
    %dma_wait3A_168 = arith.constant 0 : i32
    %dma_wait3A_169 = tpu.memref_slice %arg6[%dma_wait3A_161, %dma_wait3A_162, %dma_wait3A_168] : memref<4x1x128xi32, #tpu.memory_space<vmem>> -> memref<1x1x128xi32, #tpu.memory_space<vmem>>
    %dma_wait3A_170 = tpu.memref_squeeze %dma_wait3A_169 : memref<1x1x128xi32, #tpu.memory_space<vmem>> -> memref<128xi32, #tpu.memory_space<vmem>>
    %dma_wait3A_171 = arith.constant 0 : i32
    %dma_wait3A_172 = arith.constant 0 : i32
    %dma_wait3A_173 = tpu.memref_slice %arg8[%dma_wait3A_171, %dma_wait3A_172] : memref<10000x128xf32, #tpu.memory_space<vmem_shared>> -> memref<10000x128xf32, #tpu.memory_space<vmem_shared>>
    %dma_wait3A_174 = tpu.memref_slice %arg11[%dma_wait3A_163] : memref<3x!tpu.dma_semaphore, #tpu.memory_space<semaphore_mem>> -> memref<1x!tpu.dma_semaphore, #tpu.memory_space<semaphore_mem>>
    %dma_wait3A_175 = tpu.memref_squeeze %dma_wait3A_174 : memref<1x!tpu.dma_semaphore, #tpu.memory_space<semaphore_mem>> -> memref<!tpu.dma_semaphore, #tpu.memory_space<semaphore_mem>>
    tpu.wait_indirect_dma semaphore(%dma_wait3A_175 : memref<!tpu.dma_semaphore, #tpu.memory_space<semaphore_mem>>) src(%dma_wait3A_167 : memref<128x128xf32, #tpu.memory_space<vmem>>) dst(%dma_wait3A_173 : memref<10000x128xf32, #tpu.memory_space<vmem_shared>>)
    %dma_wait3A_176 = arith.constant 2 : i32
    %dma_wait3A_177 = arith.constant 1 : i32
    %dma_wait3A_178 = arith.constant 0 : i32
    %dma_wait3A_179 = arith.constant 2 : i32
    %dma_wait3A_180 = arith.constant 0 : i32
    %dma_wait3A_181 = arith.constant 0 : i32
    %dma_wait3A_182 = tpu.memref_slice %arg7[%dma_wait3A_176, %dma_wait3A_180, %dma_wait3A_181] : memref<3x128x128xf32, #tpu.memory_space<vmem>> -> memref<1x128x128xf32, #tpu.memory_space<vmem>>
    %dma_wait3A_183 = tpu.memref_squeeze %dma_wait3A_182 : memref<1x128x128xf32, #tpu.memory_space<vmem>> -> memref<128x128xf32, #tpu.memory_space<vmem>>
    %dma_wait3A_184 = arith.constant 0 : i32
    %dma_wait3A_185 = tpu.memref_slice %arg6[%dma_wait3A_177, %dma_wait3A_178, %dma_wait3A_184] : memref<4x1x128xi32, #tpu.memory_space<vmem>> -> memref<1x1x128xi32, #tpu.memory_space<vmem>>
    %dma_wait3A_186 = tpu.memref_squeeze %dma_wait3A_185 : memref<1x1x128xi32, #tpu.memory_space<vmem>> -> memref<128xi32, #tpu.memory_space<vmem>>
    %dma_wait3A_187 = arith.constant 0 : i32
    %dma_wait3A_188 = arith.constant 0 : i32
    %dma_wait3A_189 = tpu.memref_slice %arg8[%dma_wait3A_187, %dma_wait3A_188] : memref<10000x128xf32, #tpu.memory_space<vmem_shared>> -> memref<10000x128xf32, #tpu.memory_space<vmem_shared>>
    %dma_wait3A_190 = tpu.memref_slice %arg11[%dma_wait3A_179] : memref<3x!tpu.dma_semaphore, #tpu.memory_space<semaphore_mem>> -> memref<1x!tpu.dma_semaphore, #tpu.memory_space<semaphore_mem>>
    %dma_wait3A_191 = tpu.memref_squeeze %dma_wait3A_190 : memref<1x!tpu.dma_semaphore, #tpu.memory_space<semaphore_mem>> -> memref<!tpu.dma_semaphore, #tpu.memory_space<semaphore_mem>>
    tpu.wait_indirect_dma semaphore(%dma_wait3A_191 : memref<!tpu.dma_semaphore, #tpu.memory_space<semaphore_mem>>) src(%dma_wait3A_183 : memref<128x128xf32, #tpu.memory_space<vmem>>) dst(%dma_wait3A_189 : memref<10000x128xf32, #tpu.memory_space<vmem_shared>>)
    %lt3A = arith.constant 4 : i32
    %lt3A_192 = arith.cmpi slt, %add3A, %lt3A : i32
    %convert_element_type3A_193 = arith.extui %lt3A_192 : i1 to i32
    %cond3A_194 = arith.constant 0 : i32
    %cond3A_195 = arith.cmpi ne, %convert_element_type3A_193, %cond3A_194 : i32
    scf.if %cond3A_195 {
      %mul3A_207 = arith.constant 128 : i32
      %mul3A_208 = arith.muli %add3A, %mul3A_207 : i32
      %add3A_209 = arith.constant 319488 : i32
      %add3A_210 = arith.addi %add3A_209, %mul3A_208 : i32
      %run_scoped3A = arith.constant 0 : i32
      "tpu.region"() ({
        %run_scoped3A_220 = tpu.sem_alloc : memref<!tpu.dma_semaphore, #tpu.memory_space<semaphore_mem>>
        %dma_start3A_221 = arith.constant 0 : i32
        %dma_start3A_222 = tpu.memref_slice %arg5[%run_scoped3A, %dma_start3A_221] : memref<4x128xi32, #tpu.memory_space<vmem>> -> memref<1x128xi32, #tpu.memory_space<vmem>>
        %dma_start3A_223 = tpu.memref_squeeze %dma_start3A_222 : memref<1x128xi32, #tpu.memory_space<vmem>> -> memref<128xi32, #tpu.memory_space<vmem>>
        %dma_start3A_224 = tpu.memref_slice %arg3[%add3A_210] : memref<640000xi32, #tpu.memory_space<hbm>> -> memref<128xi32, #tpu.memory_space<hbm>>
        %dma_start3A_225 = arith.constant 0 : i32
        %dma_start3A_226 = tpu.memref_slice %arg5[%run_scoped3A, %dma_start3A_225] : memref<4x128xi32, #tpu.memory_space<vmem>> -> memref<1x128xi32, #tpu.memory_space<vmem>>
        %dma_start3A_227 = tpu.memref_squeeze %dma_start3A_226 : memref<1x128xi32, #tpu.memory_space<vmem>> -> memref<128xi32, #tpu.memory_space<vmem>>
        %dma_start3A_228 = tpu.memref_slice %arg3[%add3A_210] : memref<640000xi32, #tpu.memory_space<hbm>> -> memref<128xi32, #tpu.memory_space<hbm>>
        tpu.enqueue_dma source(%dma_start3A_228 : memref<128xi32, #tpu.memory_space<hbm>>) target(%dma_start3A_227 : memref<128xi32, #tpu.memory_space<vmem>>) target_semaphore(%run_scoped3A_220 : memref<!tpu.dma_semaphore, #tpu.memory_space<semaphore_mem>>)
        %dma_wait3A_229 = arith.constant 0 : i32
        %dma_wait3A_230 = tpu.memref_slice %arg5[%run_scoped3A, %dma_wait3A_229] : memref<4x128xi32, #tpu.memory_space<vmem>> -> memref<1x128xi32, #tpu.memory_space<vmem>>
        %dma_wait3A_231 = tpu.memref_squeeze %dma_wait3A_230 : memref<1x128xi32, #tpu.memory_space<vmem>> -> memref<128xi32, #tpu.memory_space<vmem>>
        %dma_wait3A_232 = tpu.memref_slice %arg3[%add3A_210] : memref<640000xi32, #tpu.memory_space<hbm>> -> memref<128xi32, #tpu.memory_space<hbm>>
        %dma_wait3A_233 = arith.constant 0 : i32
        %dma_wait3A_234 = tpu.memref_slice %arg5[%run_scoped3A, %dma_wait3A_233] : memref<4x128xi32, #tpu.memory_space<vmem>> -> memref<1x128xi32, #tpu.memory_space<vmem>>
        %dma_wait3A_235 = tpu.memref_squeeze %dma_wait3A_234 : memref<1x128xi32, #tpu.memory_space<vmem>> -> memref<128xi32, #tpu.memory_space<vmem>>
        %dma_wait3A_236 = tpu.memref_slice %arg3[%add3A_210] : memref<640000xi32, #tpu.memory_space<hbm>> -> memref<128xi32, #tpu.memory_space<hbm>>
        tpu.wait_dma2 semaphore(%run_scoped3A_220 : memref<!tpu.dma_semaphore, #tpu.memory_space<semaphore_mem>>) src(%dma_wait3A_236 : memref<128xi32, #tpu.memory_space<hbm>>) dst(%dma_wait3A_235 : memref<128xi32, #tpu.memory_space<vmem>>)
        tpu.yield
      }) : () -> ()
      %add3A_211 = arith.constant 320000 : i32
      %add3A_212 = arith.addi %add3A_211, %add3A_210 : i32
      %run_scoped3A_213 = arith.constant 0 : i32
      %run_scoped3A_214 = arith.constant 0 : i32
      "tpu.region"() ({
        %run_scoped3A_220 = tpu.sem_alloc : memref<!tpu.dma_semaphore, #tpu.memory_space<semaphore_mem>>
        %dma_start3A_221 = arith.constant 0 : i32
        %dma_start3A_222 = tpu.memref_slice %arg6[%run_scoped3A_213, %run_scoped3A_214, %dma_start3A_221] : memref<4x1x128xi32, #tpu.memory_space<vmem>> -> memref<1x1x128xi32, #tpu.memory_space<vmem>>
        %dma_start3A_223 = tpu.memref_squeeze %dma_start3A_222 : memref<1x1x128xi32, #tpu.memory_space<vmem>> -> memref<128xi32, #tpu.memory_space<vmem>>
        %dma_start3A_224 = tpu.memref_slice %arg3[%add3A_212] : memref<640000xi32, #tpu.memory_space<hbm>> -> memref<128xi32, #tpu.memory_space<hbm>>
        %dma_start3A_225 = arith.constant 0 : i32
        %dma_start3A_226 = tpu.memref_slice %arg6[%run_scoped3A_213, %run_scoped3A_214, %dma_start3A_225] : memref<4x1x128xi32, #tpu.memory_space<vmem>> -> memref<1x1x128xi32, #tpu.memory_space<vmem>>
        %dma_start3A_227 = tpu.memref_squeeze %dma_start3A_226 : memref<1x1x128xi32, #tpu.memory_space<vmem>> -> memref<128xi32, #tpu.memory_space<vmem>>
        %dma_start3A_228 = tpu.memref_slice %arg3[%add3A_212] : memref<640000xi32, #tpu.memory_space<hbm>> -> memref<128xi32, #tpu.memory_space<hbm>>
        tpu.enqueue_dma source(%dma_start3A_228 : memref<128xi32, #tpu.memory_space<hbm>>) target(%dma_start3A_227 : memref<128xi32, #tpu.memory_space<vmem>>) target_semaphore(%run_scoped3A_220 : memref<!tpu.dma_semaphore, #tpu.memory_space<semaphore_mem>>)
        %dma_wait3A_229 = arith.constant 0 : i32
        %dma_wait3A_230 = tpu.memref_slice %arg6[%run_scoped3A_213, %run_scoped3A_214, %dma_wait3A_229] : memref<4x1x128xi32, #tpu.memory_space<vmem>> -> memref<1x1x128xi32, #tpu.memory_space<vmem>>
        %dma_wait3A_231 = tpu.memref_squeeze %dma_wait3A_230 : memref<1x1x128xi32, #tpu.memory_space<vmem>> -> memref<128xi32, #tpu.memory_space<vmem>>
        %dma_wait3A_232 = tpu.memref_slice %arg3[%add3A_212] : memref<640000xi32, #tpu.memory_space<hbm>> -> memref<128xi32, #tpu.memory_space<hbm>>
        %dma_wait3A_233 = arith.constant 0 : i32
        %dma_wait3A_234 = tpu.memref_slice %arg6[%run_scoped3A_213, %run_scoped3A_214, %dma_wait3A_233] : memref<4x1x128xi32, #tpu.memory_space<vmem>> -> memref<1x1x128xi32, #tpu.memory_space<vmem>>
        %dma_wait3A_235 = tpu.memref_squeeze %dma_wait3A_234 : memref<1x1x128xi32, #tpu.memory_space<vmem>> -> memref<128xi32, #tpu.memory_space<vmem>>
        %dma_wait3A_236 = tpu.memref_slice %arg3[%add3A_212] : memref<640000xi32, #tpu.memory_space<hbm>> -> memref<128xi32, #tpu.memory_space<hbm>>
        tpu.wait_dma2 semaphore(%run_scoped3A_220 : memref<!tpu.dma_semaphore, #tpu.memory_space<semaphore_mem>>) src(%dma_wait3A_236 : memref<128xi32, #tpu.memory_space<hbm>>) dst(%dma_wait3A_235 : memref<128xi32, #tpu.memory_space<vmem>>)
        tpu.yield
      }) : () -> ()
      %run_scoped3A_215 = arith.constant 0 : i32
      %run_scoped3A_216 = arith.constant 0 : i32
      "tpu.region"() ({
        %run_scoped3A_220 = tpu.sem_alloc : memref<!tpu.dma_semaphore, #tpu.memory_space<semaphore_mem>>
        %dma_start3A_221 = arith.constant 0 : i32
        %dma_start3A_222 = arith.constant 0 : i32
        %dma_start3A_223 = tpu.memref_slice %arg7[%run_scoped3A_216, %dma_start3A_221, %dma_start3A_222] : memref<3x128x128xf32, #tpu.memory_space<vmem>> -> memref<1x128x128xf32, #tpu.memory_space<vmem>>
        %dma_start3A_224 = tpu.memref_squeeze %dma_start3A_223 : memref<1x128x128xf32, #tpu.memory_space<vmem>> -> memref<128x128xf32, #tpu.memory_space<vmem>>
        %dma_start3A_225 = arith.constant 0 : i32
        %dma_start3A_226 = tpu.memref_slice %arg5[%run_scoped3A_215, %dma_start3A_225] : memref<4x128xi32, #tpu.memory_space<vmem>> -> memref<1x128xi32, #tpu.memory_space<vmem>>
        %dma_start3A_227 = tpu.memref_squeeze %dma_start3A_226 : memref<1x128xi32, #tpu.memory_space<vmem>> -> memref<128xi32, #tpu.memory_space<vmem>>
        %dma_start3A_228 = arith.constant 0 : i32
        %dma_start3A_229 = arith.constant 0 : i32
        %dma_start3A_230 = tpu.memref_slice %arg2[%dma_start3A_228, %dma_start3A_229] : memref<10000x128xf32, #tpu.memory_space<hbm>> -> memref<10000x128xf32, #tpu.memory_space<hbm>>
        tpu.enqueue_indirect_dma source(%dma_start3A_230 : memref<10000x128xf32, #tpu.memory_space<hbm>>) target(%dma_start3A_224 : memref<128x128xf32, #tpu.memory_space<vmem>>) offsets(%dma_start3A_227 : memref<128xi32, #tpu.memory_space<vmem>>) semaphore(%run_scoped3A_220 : memref<!tpu.dma_semaphore, #tpu.memory_space<semaphore_mem>>)
        %dma_wait3A_231 = arith.constant 0 : i32
        %dma_wait3A_232 = arith.constant 0 : i32
        %dma_wait3A_233 = tpu.memref_slice %arg7[%run_scoped3A_216, %dma_wait3A_231, %dma_wait3A_232] : memref<3x128x128xf32, #tpu.memory_space<vmem>> -> memref<1x128x128xf32, #tpu.memory_space<vmem>>
        %dma_wait3A_234 = tpu.memref_squeeze %dma_wait3A_233 : memref<1x128x128xf32, #tpu.memory_space<vmem>> -> memref<128x128xf32, #tpu.memory_space<vmem>>
        %dma_wait3A_235 = arith.constant 0 : i32
        %dma_wait3A_236 = tpu.memref_slice %arg5[%run_scoped3A_215, %dma_wait3A_235] : memref<4x128xi32, #tpu.memory_space<vmem>> -> memref<1x128xi32, #tpu.memory_space<vmem>>
        %dma_wait3A_237 = tpu.memref_squeeze %dma_wait3A_236 : memref<1x128xi32, #tpu.memory_space<vmem>> -> memref<128xi32, #tpu.memory_space<vmem>>
        %dma_wait3A_238 = arith.constant 0 : i32
        %dma_wait3A_239 = arith.constant 0 : i32
        %dma_wait3A_240 = tpu.memref_slice %arg2[%dma_wait3A_238, %dma_wait3A_239] : memref<10000x128xf32, #tpu.memory_space<hbm>> -> memref<10000x128xf32, #tpu.memory_space<hbm>>
        tpu.wait_indirect_dma semaphore(%run_scoped3A_220 : memref<!tpu.dma_semaphore, #tpu.memory_space<semaphore_mem>>) src(%dma_wait3A_240 : memref<10000x128xf32, #tpu.memory_space<hbm>>) dst(%dma_wait3A_234 : memref<128x128xf32, #tpu.memory_space<vmem>>)
        tpu.yield
      }) : () -> ()
      %run_scoped3A_217 = arith.constant 0 : i32
      %run_scoped3A_218 = arith.constant 0 : i32
      %run_scoped3A_219 = arith.constant 0 : i32
      "tpu.region"() ({
        %run_scoped3A_220 = tpu.sem_alloc : memref<!tpu.dma_semaphore, #tpu.memory_space<semaphore_mem>>
        %dma_start3A_221 = arith.constant 0 : i32
        %dma_start3A_222 = arith.constant 0 : i32
        %dma_start3A_223 = tpu.memref_slice %arg7[%run_scoped3A_217, %dma_start3A_221, %dma_start3A_222] : memref<3x128x128xf32, #tpu.memory_space<vmem>> -> memref<1x128x128xf32, #tpu.memory_space<vmem>>
        %dma_start3A_224 = tpu.memref_squeeze %dma_start3A_223 : memref<1x128x128xf32, #tpu.memory_space<vmem>> -> memref<128x128xf32, #tpu.memory_space<vmem>>
        %dma_start3A_225 = arith.constant 0 : i32
        %dma_start3A_226 = tpu.memref_slice %arg6[%run_scoped3A_218, %run_scoped3A_219, %dma_start3A_225] : memref<4x1x128xi32, #tpu.memory_space<vmem>> -> memref<1x1x128xi32, #tpu.memory_space<vmem>>
        %dma_start3A_227 = tpu.memref_squeeze %dma_start3A_226 : memref<1x1x128xi32, #tpu.memory_space<vmem>> -> memref<128xi32, #tpu.memory_space<vmem>>
        %dma_start3A_228 = arith.constant 0 : i32
        %dma_start3A_229 = arith.constant 0 : i32
        %dma_start3A_230 = tpu.memref_slice %arg8[%dma_start3A_228, %dma_start3A_229] : memref<10000x128xf32, #tpu.memory_space<vmem_shared>> -> memref<10000x128xf32, #tpu.memory_space<vmem_shared>>
        tpu.enqueue_indirect_dma source(%dma_start3A_224 : memref<128x128xf32, #tpu.memory_space<vmem>>) target(%dma_start3A_230 : memref<10000x128xf32, #tpu.memory_space<vmem_shared>>) offsets(%dma_start3A_227 : memref<128xi32, #tpu.memory_space<vmem>>) semaphore(%run_scoped3A_220 : memref<!tpu.dma_semaphore, #tpu.memory_space<semaphore_mem>>) {add = true}
        %dma_wait3A_231 = arith.constant 0 : i32
        %dma_wait3A_232 = arith.constant 0 : i32
        %dma_wait3A_233 = tpu.memref_slice %arg7[%run_scoped3A_217, %dma_wait3A_231, %dma_wait3A_232] : memref<3x128x128xf32, #tpu.memory_space<vmem>> -> memref<1x128x128xf32, #tpu.memory_space<vmem>>
        %dma_wait3A_234 = tpu.memref_squeeze %dma_wait3A_233 : memref<1x128x128xf32, #tpu.memory_space<vmem>> -> memref<128x128xf32, #tpu.memory_space<vmem>>
        %dma_wait3A_235 = arith.constant 0 : i32
        %dma_wait3A_236 = tpu.memref_slice %arg6[%run_scoped3A_218, %run_scoped3A_219, %dma_wait3A_235] : memref<4x1x128xi32, #tpu.memory_space<vmem>> -> memref<1x1x128xi32, #tpu.memory_space<vmem>>
        %dma_wait3A_237 = tpu.memref_squeeze %dma_wait3A_236 : memref<1x1x128xi32, #tpu.memory_space<vmem>> -> memref<128xi32, #tpu.memory_space<vmem>>
        %dma_wait3A_238 = arith.constant 0 : i32
        %dma_wait3A_239 = arith.constant 0 : i32
        %dma_wait3A_240 = tpu.memref_slice %arg8[%dma_wait3A_238, %dma_wait3A_239] : memref<10000x128xf32, #tpu.memory_space<vmem_shared>> -> memref<10000x128xf32, #tpu.memory_space<vmem_shared>>
        tpu.wait_indirect_dma semaphore(%run_scoped3A_220 : memref<!tpu.dma_semaphore, #tpu.memory_space<semaphore_mem>>) src(%dma_wait3A_234 : memref<128x128xf32, #tpu.memory_space<vmem>>) dst(%dma_wait3A_240 : memref<10000x128xf32, #tpu.memory_space<vmem_shared>>)
        tpu.yield
      }) : () -> ()
    } else {
    }
    %barrier3A_196 = arith.constant 0 : index
    tpu.barrier barrier_id(%barrier3A_196)
    %lt3A_197 = arith.constant 15 : i32
    %lt3A_198 = arith.cmpi slt, %arg1, %lt3A_197 : i32
    %convert_element_type3A_199 = arith.extui %lt3A_198 : i1 to i32
    %cond3A_200 = arith.constant 0 : i32
    %cond3A_201 = arith.cmpi ne, %convert_element_type3A_199, %cond3A_200 : i32
    scf.if %cond3A_201 {
      %mul3A_207 = arith.constant 624 : i32
      %mul3A_208 = arith.muli %arg1, %mul3A_207 : i32
      %mul3A_209 = arith.constant 624 : i32
      %mul3A_210 = arith.muli %arg1, %mul3A_209 : i32
      "tpu.region"() ({
        %run_scoped3A = tpu.sem_alloc : memref<!tpu.dma_semaphore, #tpu.memory_space<semaphore_mem>>
        %dma_start3A_211 = arith.constant 0 : i32
        %dma_start3A_212 = tpu.memref_slice %arg4[%arg0, %mul3A_210, %dma_start3A_211] : memref<2x10000x128xf32, #tpu.memory_space<hbm>> -> memref<1x624x128xf32, #tpu.memory_space<hbm>>
        %dma_start3A_213 = tpu.memref_squeeze %dma_start3A_212 : memref<1x624x128xf32, #tpu.memory_space<hbm>> -> memref<624x128xf32, #tpu.memory_space<hbm>>
        %dma_start3A_214 = arith.constant 0 : i32
        %dma_start3A_215 = tpu.memref_slice %arg8[%mul3A_208, %dma_start3A_214] : memref<10000x128xf32, #tpu.memory_space<vmem_shared>> -> memref<624x128xf32, #tpu.memory_space<vmem_shared>>
        tpu.enqueue_dma source(%dma_start3A_215 : memref<624x128xf32, #tpu.memory_space<vmem_shared>>) target(%dma_start3A_213 : memref<624x128xf32, #tpu.memory_space<hbm>>) target_semaphore(%run_scoped3A : memref<!tpu.dma_semaphore, #tpu.memory_space<semaphore_mem>>)
        %dma_wait3A_216 = arith.constant 0 : i32
        %dma_wait3A_217 = tpu.memref_slice %arg4[%arg0, %mul3A_210, %dma_wait3A_216] : memref<2x10000x128xf32, #tpu.memory_space<hbm>> -> memref<1x624x128xf32, #tpu.memory_space<hbm>>
        %dma_wait3A_218 = tpu.memref_squeeze %dma_wait3A_217 : memref<1x624x128xf32, #tpu.memory_space<hbm>> -> memref<624x128xf32, #tpu.memory_space<hbm>>
        %dma_wait3A_219 = arith.constant 0 : i32
        %dma_wait3A_220 = tpu.memref_slice %arg8[%mul3A_208, %dma_wait3A_219] : memref<10000x128xf32, #tpu.memory_space<vmem_shared>> -> memref<624x128xf32, #tpu.memory_space<vmem_shared>>
        tpu.wait_dma2 semaphore(%run_scoped3A : memref<!tpu.dma_semaphore, #tpu.memory_space<semaphore_mem>>) src(%dma_wait3A_220 : memref<624x128xf32, #tpu.memory_space<vmem_shared>>) dst(%dma_wait3A_218 : memref<624x128xf32, #tpu.memory_space<hbm>>)
        tpu.yield
      }) : () -> ()
    } else {
    }
    %eq3A_202 = arith.constant 15 : i32
    %eq3A_203 = arith.cmpi eq, %arg1, %eq3A_202 : i32
    %convert_element_type3A_204 = arith.extui %eq3A_203 : i1 to i32
    %cond3A_205 = arith.constant 0 : i32
    %cond3A_206 = arith.cmpi ne, %convert_element_type3A_204, %cond3A_205 : i32
    scf.if %cond3A_206 {
      "tpu.region"() ({
        %run_scoped3A = tpu.sem_alloc : memref<!tpu.dma_semaphore, #tpu.memory_space<semaphore_mem>>
        %dma_start3A_207 = arith.constant 9360 : i32
        %dma_start3A_208 = arith.constant 0 : i32
        %dma_start3A_209 = tpu.memref_slice %arg4[%arg0, %dma_start3A_207, %dma_start3A_208] : memref<2x10000x128xf32, #tpu.memory_space<hbm>> -> memref<1x640x128xf32, #tpu.memory_space<hbm>>
        %dma_start3A_210 = tpu.memref_squeeze %dma_start3A_209 : memref<1x640x128xf32, #tpu.memory_space<hbm>> -> memref<640x128xf32, #tpu.memory_space<hbm>>
        %dma_start3A_211 = arith.constant 9360 : i32
        %dma_start3A_212 = arith.constant 0 : i32
        %dma_start3A_213 = tpu.memref_slice %arg8[%dma_start3A_211, %dma_start3A_212] : memref<10000x128xf32, #tpu.memory_space<vmem_shared>> -> memref<640x128xf32, #tpu.memory_space<vmem_shared>>
        tpu.enqueue_dma source(%dma_start3A_213 : memref<640x128xf32, #tpu.memory_space<vmem_shared>>) target(%dma_start3A_210 : memref<640x128xf32, #tpu.memory_space<hbm>>) target_semaphore(%run_scoped3A : memref<!tpu.dma_semaphore, #tpu.memory_space<semaphore_mem>>)
        %dma_wait3A_214 = arith.constant 9360 : i32
        %dma_wait3A_215 = arith.constant 0 : i32
        %dma_wait3A_216 = tpu.memref_slice %arg4[%arg0, %dma_wait3A_214, %dma_wait3A_215] : memref<2x10000x128xf32, #tpu.memory_space<hbm>> -> memref<1x640x128xf32, #tpu.memory_space<hbm>>
        %dma_wait3A_217 = tpu.memref_squeeze %dma_wait3A_216 : memref<1x640x128xf32, #tpu.memory_space<hbm>> -> memref<640x128xf32, #tpu.memory_space<hbm>>
        %dma_wait3A_218 = arith.constant 9360 : i32
        %dma_wait3A_219 = arith.constant 0 : i32
        %dma_wait3A_220 = tpu.memref_slice %arg8[%dma_wait3A_218, %dma_wait3A_219] : memref<10000x128xf32, #tpu.memory_space<vmem_shared>> -> memref<640x128xf32, #tpu.memory_space<vmem_shared>>
        tpu.wait_dma2 semaphore(%run_scoped3A : memref<!tpu.dma_semaphore, #tpu.memory_space<semaphore_mem>>) src(%dma_wait3A_220 : memref<640x128xf32, #tpu.memory_space<vmem_shared>>) dst(%dma_wait3A_217 : memref<640x128xf32, #tpu.memory_space<hbm>>)
        tpu.yield
      }) : () -> ()
    } else {
    }
    return
  }
}

module attributes {stable_mosaic.version = 14 : i64} {
  func.func @_tc1_body(%arg0: i32, %arg1: memref<2x400x1xf32, #tpu.memory_space<vmem>>, %arg2: memref<400x128xf32, #tpu.memory_space<vmem>>, %arg3: memref<128x128xf32, #tpu.memory_space<vmem>>, %arg4: memref<400x1xf32, #tpu.memory_space<vmem>>, %arg5: memref<400x128xf32, #tpu.memory_space<vmem>>) attributes {dimension_semantics = [#tpu.dimension_semantics<arbitrary>], iteration_bounds = array<i64: 25>, scalar_prefetch = 0 : i64, scratch_operands = 0 : i64, tpu.core_type = #tpu.core_type<tc>, window_params = [{transform_indices = @transform_0, window_bounds = array<i64: 2, 400, 1>}, {transform_indices = @transform_1, window_bounds = array<i64: 400, 128>}, {pipeline_mode = #tpu.pipeline_mode<synchronous>, transform_indices = @transform_2, window_bounds = array<i64: 128, 128>}, {transform_indices = @transform_3, window_bounds = array<i64: 400, 1>}, {transform_indices = @transform_4, window_bounds = array<i64: 400, 128>}]} {
    %get3A = arith.constant 0 : index
    %get3A_0 = arith.constant 0 : index
    %get3A_1 = arith.constant 0 : index
    %get3A_2 = vector.load %arg1[%get3A, %get3A_0, %get3A_1] : memref<2x400x1xf32, #tpu.memory_space<vmem>>, vector<1x400x1xf32>
    %get3A_3 = vector.shape_cast %get3A_2 : vector<1x400x1xf32> to vector<400x1xf32>
    %get3A_4 = arith.constant 1 : index
    %get3A_5 = arith.constant 0 : index
    %get3A_6 = arith.constant 0 : index
    %get3A_7 = vector.load %arg1[%get3A_4, %get3A_5, %get3A_6] : memref<2x400x1xf32, #tpu.memory_space<vmem>>, vector<1x400x1xf32>
    %get3A_8 = vector.shape_cast %get3A_7 : vector<1x400x1xf32> to vector<400x1xf32>
    %add3A = arith.addf %get3A_3, %get3A_8 : vector<400x1xf32>
    %add3A_9 = arith.constant 1.000000e+00 : f32
    %add3A_10 = vector.broadcast %add3A_9 : f32 to vector<400x1xf32>
    %add3A_11 = arith.addf %add3A, %add3A_10 : vector<400x1xf32>
    %rsqrt3A = math.rsqrt %add3A_11 : vector<400x1xf32>
    %swap3A = arith.constant 0 : index
    %swap3A_12 = arith.constant 0 : index
    %swap3A_13 = vector.load %arg4[%swap3A, %swap3A_12] : memref<400x1xf32, #tpu.memory_space<vmem>>, vector<400x1xf32>
    tpu.vector_store %arg4[%swap3A, %swap3A_12], %rsqrt3A {strides = array<i32>} : memref<400x1xf32, #tpu.memory_space<vmem>>, vector<400x1xf32>,
    %get3A_14 = arith.constant 0 : index
    %get3A_15 = arith.constant 0 : index
    %get3A_16 = vector.load %arg2[%get3A_14, %get3A_15] : memref<400x128xf32, #tpu.memory_space<vmem>>, vector<400x128xf32>
    %get3A_17 = arith.constant 0 : index
    %get3A_18 = arith.constant 0 : index
    %get3A_19 = vector.load %arg3[%get3A_17, %get3A_18] : memref<128x128xf32, #tpu.memory_space<vmem>>, vector<128x128xf32>
    %dot_general3A = arith.constant dense<0.000000e+00> : vector<400x128xf32>
    %dot_general3A_20 = tpu.matmul %get3A_16, %get3A_19, %dot_general3A {dimension_numbers = #tpu.dot_dimension_numbers<[1], [0], [0], [1], [0, 0, 1, 1], [], []>, transpose_lhs_hint = false} : vector<400x128xf32>, vector<128x128xf32>, vector<400x128xf32> -> vector<400x128xf32>
    %mul3A = vector.broadcast %rsqrt3A : vector<400x1xf32> to vector<400x128xf32>
    %mul3A_21 = arith.mulf %mul3A, %dot_general3A_20 : vector<400x128xf32>
    %swap3A_22 = arith.constant 0 : index
    %swap3A_23 = arith.constant 0 : index
    %swap3A_24 = vector.load %arg5[%swap3A_22, %swap3A_23] : memref<400x128xf32, #tpu.memory_space<vmem>>, vector<400x128xf32>
    tpu.vector_store %arg5[%swap3A_22, %swap3A_23], %mul3A_21 {strides = array<i32>} : memref<400x128xf32, #tpu.memory_space<vmem>>, vector<400x128xf32>,
    return
  }
  func.func @transform_0(%arg0: i32) -> (i32, i32, i32) {
    %c0_i32 = arith.constant 0 : i32
    %c0_i32_0 = arith.constant 0 : i32
    %c0_i32_1 = arith.constant 0 : i32
    return %c0_i32, %arg0, %c0_i32_0 : i32, i32, i32
  }
  func.func @transform_1(%arg0: i32) -> (i32, i32) {
    %c0_i32 = arith.constant 0 : i32
    %c0_i32_0 = arith.constant 0 : i32
    return %arg0, %c0_i32 : i32, i32
  }
  func.func @transform_2(%arg0: i32) -> (i32, i32) {
    %c0_i32 = arith.constant 0 : i32
    %c0_i32_0 = arith.constant 0 : i32
    %c0_i32_1 = arith.constant 0 : i32
    return %c0_i32, %c0_i32_0 : i32, i32
  }
  func.func @transform_3(%arg0: i32) -> (i32, i32) {
    %c0_i32 = arith.constant 0 : i32
    %c0_i32_0 = arith.constant 0 : i32
    return %arg0, %c0_i32 : i32, i32
  }
  func.func @transform_4(%arg0: i32) -> (i32, i32) {
    %c0_i32 = arith.constant 0 : i32
    %c0_i32_0 = arith.constant 0 : i32
    return %arg0, %c0_i32 : i32, i32
  }
}

module attributes {stable_mosaic.version = 14 : i64} {
  func.func @_tc2_body(%arg0: i32, %arg1: memref<2x400x128xf32, #tpu.memory_space<vmem>>, %arg2: memref<400x1xf32, #tpu.memory_space<vmem>>, %arg3: memref<128x128xf32, #tpu.memory_space<vmem>>, %arg4: memref<1x128xf32, #tpu.memory_space<vmem>>, %arg5: memref<1x128xf32, #tpu.memory_space<vmem>>, %arg6: memref<1x128xf32, #tpu.memory_space<vmem>>, %arg7: memref<400x128xf32, #tpu.memory_space<vmem>>) attributes {dimension_semantics = [#tpu.dimension_semantics<arbitrary>], iteration_bounds = array<i64: 25>, scalar_prefetch = 0 : i64, scratch_operands = 0 : i64, tpu.core_type = #tpu.core_type<tc>, window_params = [{transform_indices = @transform_0, window_bounds = array<i64: 2, 400, 128>}, {transform_indices = @transform_1, window_bounds = array<i64: 400, 1>}, {pipeline_mode = #tpu.pipeline_mode<synchronous>, transform_indices = @transform_2, window_bounds = array<i64: 128, 128>}, {pipeline_mode = #tpu.pipeline_mode<synchronous>, transform_indices = @transform_3, window_bounds = array<i64: 1, 128>}, {pipeline_mode = #tpu.pipeline_mode<synchronous>, transform_indices = @transform_4, window_bounds = array<i64: 1, 128>}, {pipeline_mode = #tpu.pipeline_mode<synchronous>, transform_indices = @transform_5, window_bounds = array<i64: 1, 128>}, {transform_indices = @transform_6, window_bounds = array<i64: 400, 128>}]} {
    %get3A = arith.constant 0 : index
    %get3A_0 = arith.constant 0 : index
    %get3A_1 = vector.load %arg2[%get3A, %get3A_0] : memref<400x1xf32, #tpu.memory_space<vmem>>, vector<400x1xf32>
    %get3A_2 = arith.constant 0 : index
    %get3A_3 = arith.constant 0 : index
    %get3A_4 = arith.constant 0 : index
    %get3A_5 = vector.load %arg1[%get3A_2, %get3A_3, %get3A_4] : memref<2x400x128xf32, #tpu.memory_space<vmem>>, vector<1x400x128xf32>
    %get3A_6 = vector.shape_cast %get3A_5 : vector<1x400x128xf32> to vector<400x128xf32>
    %get3A_7 = arith.constant 1 : index
    %get3A_8 = arith.constant 0 : index
    %get3A_9 = arith.constant 0 : index
    %get3A_10 = vector.load %arg1[%get3A_7, %get3A_8, %get3A_9] : memref<2x400x128xf32, #tpu.memory_space<vmem>>, vector<1x400x128xf32>
    %get3A_11 = vector.shape_cast %get3A_10 : vector<1x400x128xf32> to vector<400x128xf32>
    %add3A = arith.addf %get3A_6, %get3A_11 : vector<400x128xf32>
    %mul3A = vector.broadcast %get3A_1 : vector<400x1xf32> to vector<400x128xf32>
    %mul3A_12 = arith.mulf %mul3A, %add3A : vector<400x128xf32>
    %get3A_13 = arith.constant 0 : index
    %get3A_14 = arith.constant 0 : index
    %get3A_15 = vector.load %arg4[%get3A_13, %get3A_14] : memref<1x128xf32, #tpu.memory_space<vmem>>, vector<1x128xf32>
    %add3A_16 = vector.broadcast %get3A_15 : vector<1x128xf32> to vector<400x128xf32>
    %add3A_17 = arith.addf %mul3A_12, %add3A_16 : vector<400x128xf32>
    %get3A_18 = arith.constant 0 : index
    %get3A_19 = arith.constant 0 : index
    %get3A_20 = vector.load %arg5[%get3A_18, %get3A_19] : memref<1x128xf32, #tpu.memory_space<vmem>>, vector<1x128xf32>
    %mul3A_21 = arith.constant 0.999994993 : f32
    %mul3A_22 = vector.broadcast %mul3A_21 : f32 to vector<1x128xf32>
    %mul3A_23 = arith.mulf %get3A_20, %mul3A_22 : vector<1x128xf32>
    %mul3A_24 = vector.broadcast %mul3A_23 : vector<1x128xf32> to vector<400x128xf32>
    %mul3A_25 = arith.mulf %add3A_17, %mul3A_24 : vector<400x128xf32>
    %get3A_26 = arith.constant 0 : index
    %get3A_27 = arith.constant 0 : index
    %get3A_28 = vector.load %arg6[%get3A_26, %get3A_27] : memref<1x128xf32, #tpu.memory_space<vmem>>, vector<1x128xf32>
    %add3A_29 = vector.broadcast %get3A_28 : vector<1x128xf32> to vector<400x128xf32>
    %add3A_30 = arith.addf %mul3A_25, %add3A_29 : vector<400x128xf32>
    %max3A = arith.constant 0.000000e+00 : f32
    %max3A_31 = vector.broadcast %max3A : f32 to vector<400x128xf32>
    %max3A_32 = arith.maximumf %add3A_30, %max3A_31 : vector<400x128xf32>
    %get3A_33 = arith.constant 0 : index
    %get3A_34 = arith.constant 0 : index
    %get3A_35 = vector.load %arg3[%get3A_33, %get3A_34] : memref<128x128xf32, #tpu.memory_space<vmem>>, vector<128x128xf32>
    %dot_general3A = arith.constant dense<0.000000e+00> : vector<400x128xf32>
    %dot_general3A_36 = tpu.matmul %max3A_32, %get3A_35, %dot_general3A {dimension_numbers = #tpu.dot_dimension_numbers<[1], [0], [0], [1], [0, 0, 1, 1], [], []>, transpose_lhs_hint = false} : vector<400x128xf32>, vector<128x128xf32>, vector<400x128xf32> -> vector<400x128xf32>
    %mul3A_37 = vector.broadcast %get3A_1 : vector<400x1xf32> to vector<400x128xf32>
    %mul3A_38 = arith.mulf %mul3A_37, %dot_general3A_36 : vector<400x128xf32>
    %swap3A = arith.constant 0 : index
    %swap3A_39 = arith.constant 0 : index
    %swap3A_40 = vector.load %arg7[%swap3A, %swap3A_39] : memref<400x128xf32, #tpu.memory_space<vmem>>, vector<400x128xf32>
    tpu.vector_store %arg7[%swap3A, %swap3A_39], %mul3A_38 {strides = array<i32>} : memref<400x128xf32, #tpu.memory_space<vmem>>, vector<400x128xf32>,
    return
  }
  func.func @transform_0(%arg0: i32) -> (i32, i32, i32) {
    %c0_i32 = arith.constant 0 : i32
    %c0_i32_0 = arith.constant 0 : i32
    %c0_i32_1 = arith.constant 0 : i32
    return %c0_i32, %arg0, %c0_i32_0 : i32, i32, i32
  }
  func.func @transform_1(%arg0: i32) -> (i32, i32) {
    %c0_i32 = arith.constant 0 : i32
    %c0_i32_0 = arith.constant 0 : i32
    return %arg0, %c0_i32 : i32, i32
  }
  func.func @transform_2(%arg0: i32) -> (i32, i32) {
    %c0_i32 = arith.constant 0 : i32
    %c0_i32_0 = arith.constant 0 : i32
    %c0_i32_1 = arith.constant 0 : i32
    return %c0_i32, %c0_i32_0 : i32, i32
  }
  func.func @transform_3(%arg0: i32) -> (i32, i32) {
    %c0_i32 = arith.constant 0 : i32
    %c0_i32_0 = arith.constant 0 : i32
    %c0_i32_1 = arith.constant 0 : i32
    return %c0_i32, %c0_i32_0 : i32, i32
  }
  func.func @transform_4(%arg0: i32) -> (i32, i32) {
    %c0_i32 = arith.constant 0 : i32
    %c0_i32_0 = arith.constant 0 : i32
    %c0_i32_1 = arith.constant 0 : i32
    return %c0_i32, %c0_i32_0 : i32, i32
  }
  func.func @transform_5(%arg0: i32) -> (i32, i32) {
    %c0_i32 = arith.constant 0 : i32
    %c0_i32_0 = arith.constant 0 : i32
    %c0_i32_1 = arith.constant 0 : i32
    return %c0_i32, %c0_i32_0 : i32, i32
  }
  func.func @transform_6(%arg0: i32) -> (i32, i32) {
    %c0_i32 = arith.constant 0 : i32
    %c0_i32_0 = arith.constant 0 : i32
    return %arg0, %c0_i32 : i32, i32
  }
}

module attributes {stable_mosaic.version = 14 : i64} {
  func.func @_tc3_body(%arg0: i32, %arg1: memref<2x400x128xf32, #tpu.memory_space<vmem>>, %arg2: memref<400x1xf32, #tpu.memory_space<vmem>>, %arg3: memref<2x400x1xf32, #tpu.memory_space<vmem>>, %arg4: memref<1x128xf32, #tpu.memory_space<vmem>>, %arg5: memref<1x128xf32, #tpu.memory_space<vmem>>, %arg6: memref<1x128xf32, #tpu.memory_space<vmem>>, %arg7: memref<128x128xf32, #tpu.memory_space<vmem>>, %arg8: memref<1x128xf32, #tpu.memory_space<vmem>>, %arg9: memref<1x128xf32, #tpu.memory_space<vmem>>, %arg10: memref<1x128xf32, #tpu.memory_space<vmem>>, %arg11: memref<1x128xf32, #tpu.memory_space<vmem>>, %arg12: memref<1x128xf32, #tpu.memory_space<vmem>>) attributes {dimension_semantics = [#tpu.dimension_semantics<arbitrary>], iteration_bounds = array<i64: 25>, scalar_prefetch = 0 : i64, scratch_operands = 1 : i64, tpu.core_type = #tpu.core_type<tc>, window_params = [{transform_indices = @transform_0, window_bounds = array<i64: 2, 400, 128>}, {transform_indices = @transform_1, window_bounds = array<i64: 400, 1>}, {transform_indices = @transform_2, window_bounds = array<i64: 2, 400, 1>}, {pipeline_mode = #tpu.pipeline_mode<synchronous>, transform_indices = @transform_3, window_bounds = array<i64: 1, 128>}, {pipeline_mode = #tpu.pipeline_mode<synchronous>, transform_indices = @transform_4, window_bounds = array<i64: 1, 128>}, {pipeline_mode = #tpu.pipeline_mode<synchronous>, transform_indices = @transform_5, window_bounds = array<i64: 1, 128>}, {pipeline_mode = #tpu.pipeline_mode<synchronous>, transform_indices = @transform_6, window_bounds = array<i64: 128, 128>}, {pipeline_mode = #tpu.pipeline_mode<synchronous>, transform_indices = @transform_7, window_bounds = array<i64: 1, 128>}, {pipeline_mode = #tpu.pipeline_mode<synchronous>, transform_indices = @transform_8, window_bounds = array<i64: 1, 128>}, {pipeline_mode = #tpu.pipeline_mode<synchronous>, transform_indices = @transform_9, window_bounds = array<i64: 1, 128>}, {pipeline_mode = #tpu.pipeline_mode<synchronous>, transform_indices = @transform_10, window_bounds = array<i64: 1, 128>}]} {
    %get3A = arith.constant 0 : index
    %get3A_0 = arith.constant 0 : index
    %get3A_1 = vector.load %arg2[%get3A, %get3A_0] : memref<400x1xf32, #tpu.memory_space<vmem>>, vector<400x1xf32>
    %get3A_2 = arith.constant 0 : index
    %get3A_3 = arith.constant 0 : index
    %get3A_4 = arith.constant 0 : index
    %get3A_5 = vector.load %arg1[%get3A_2, %get3A_3, %get3A_4] : memref<2x400x128xf32, #tpu.memory_space<vmem>>, vector<1x400x128xf32>
    %get3A_6 = vector.shape_cast %get3A_5 : vector<1x400x128xf32> to vector<400x128xf32>
    %get3A_7 = arith.constant 1 : index
    %get3A_8 = arith.constant 0 : index
    %get3A_9 = arith.constant 0 : index
    %get3A_10 = vector.load %arg1[%get3A_7, %get3A_8, %get3A_9] : memref<2x400x128xf32, #tpu.memory_space<vmem>>, vector<1x400x128xf32>
    %get3A_11 = vector.shape_cast %get3A_10 : vector<1x400x128xf32> to vector<400x128xf32>
    %add3A = arith.addf %get3A_6, %get3A_11 : vector<400x128xf32>
    %mul3A = vector.broadcast %get3A_1 : vector<400x1xf32> to vector<400x128xf32>
    %mul3A_12 = arith.mulf %mul3A, %add3A : vector<400x128xf32>
    %get3A_13 = arith.constant 0 : index
    %get3A_14 = arith.constant 0 : index
    %get3A_15 = vector.load %arg4[%get3A_13, %get3A_14] : memref<1x128xf32, #tpu.memory_space<vmem>>, vector<1x128xf32>
    %add3A_16 = vector.broadcast %get3A_15 : vector<1x128xf32> to vector<400x128xf32>
    %add3A_17 = arith.addf %mul3A_12, %add3A_16 : vector<400x128xf32>
    %get3A_18 = arith.constant 0 : index
    %get3A_19 = arith.constant 0 : index
    %get3A_20 = vector.load %arg5[%get3A_18, %get3A_19] : memref<1x128xf32, #tpu.memory_space<vmem>>, vector<1x128xf32>
    %mul3A_21 = arith.constant 0.999994993 : f32
    %mul3A_22 = vector.broadcast %mul3A_21 : f32 to vector<1x128xf32>
    %mul3A_23 = arith.mulf %get3A_20, %mul3A_22 : vector<1x128xf32>
    %mul3A_24 = vector.broadcast %mul3A_23 : vector<1x128xf32> to vector<400x128xf32>
    %mul3A_25 = arith.mulf %add3A_17, %mul3A_24 : vector<400x128xf32>
    %get3A_26 = arith.constant 0 : index
    %get3A_27 = arith.constant 0 : index
    %get3A_28 = vector.load %arg6[%get3A_26, %get3A_27] : memref<1x128xf32, #tpu.memory_space<vmem>>, vector<1x128xf32>
    %add3A_29 = vector.broadcast %get3A_28 : vector<1x128xf32> to vector<400x128xf32>
    %add3A_30 = arith.addf %mul3A_25, %add3A_29 : vector<400x128xf32>
    %max3A = arith.constant 0.000000e+00 : f32
    %max3A_31 = vector.broadcast %max3A : f32 to vector<400x128xf32>
    %max3A_32 = arith.maximumf %add3A_30, %max3A_31 : vector<400x128xf32>
    %get3A_33 = arith.constant 0 : index
    %get3A_34 = arith.constant 0 : index
    %get3A_35 = arith.constant 0 : index
    %get3A_36 = vector.load %arg3[%get3A_33, %get3A_34, %get3A_35] : memref<2x400x1xf32, #tpu.memory_space<vmem>>, vector<1x400x1xf32>
    %get3A_37 = vector.shape_cast %get3A_36 : vector<1x400x1xf32> to vector<400x1xf32>
    %get3A_38 = arith.constant 1 : index
    %get3A_39 = arith.constant 0 : index
    %get3A_40 = arith.constant 0 : index
    %get3A_41 = vector.load %arg3[%get3A_38, %get3A_39, %get3A_40] : memref<2x400x1xf32, #tpu.memory_space<vmem>>, vector<1x400x1xf32>
    %get3A_42 = vector.shape_cast %get3A_41 : vector<1x400x1xf32> to vector<400x1xf32>
    %add3A_43 = arith.addf %get3A_37, %get3A_42 : vector<400x1xf32>
    %add3A_44 = arith.addf %add3A_43, %get3A_1 : vector<400x1xf32>
    %mul3A_45 = arith.mulf %get3A_1, %add3A_44 : vector<400x1xf32>
    %mul3A_46 = arith.constant 9.99999974E-5 : f32
    %mul3A_47 = vector.broadcast %mul3A_46 : f32 to vector<400x1xf32>
    %mul3A_48 = arith.mulf %mul3A_45, %mul3A_47 : vector<400x1xf32>
    %mul3A_49 = vector.broadcast %mul3A_48 : vector<400x1xf32> to vector<400x128xf32>
    %mul3A_50 = arith.mulf %mul3A_49, %max3A_32 : vector<400x128xf32>
    %reduce_sum3A = arith.constant dense<0.000000e+00> : vector<128xf32>
    %reduce_sum3A_51 = vector.multi_reduction <add>, %mul3A_50, %reduce_sum3A [0] : vector<400x128xf32> to vector<128xf32>
    %broadcast_in_dim3A = vector.shape_cast %reduce_sum3A_51 : vector<128xf32> to vector<1x128xf32>
    %eq3A = arith.constant 0 : i32
    %eq3A_52 = arith.cmpi eq, %arg0, %eq3A : i32
    %convert_element_type3A = arith.extui %eq3A_52 : i1 to i32
    %cond3A = arith.constant 0 : i32
    %cond3A_53 = arith.cmpi ne, %convert_element_type3A, %cond3A : i32
    scf.if %cond3A_53 {
      %broadcast_in_dim3A_65 = arith.constant 0.000000e+00 : f32
      %broadcast_in_dim3A_66 = vector.broadcast %broadcast_in_dim3A_65 : f32 to vector<1x128xf32>
      %swap3A_67 = arith.constant 0 : index
      %swap3A_68 = arith.constant 0 : index
      %swap3A_69 = vector.load %arg12[%swap3A_67, %swap3A_68] : memref<1x128xf32, #tpu.memory_space<vmem>>, vector<1x128xf32>
      tpu.vector_store %arg12[%swap3A_67, %swap3A_68], %broadcast_in_dim3A_66 {strides = array<i32>} : memref<1x128xf32, #tpu.memory_space<vmem>>, vector<1x128xf32>,
    } else {
    }
    %get3A_54 = arith.constant 0 : index
    %get3A_55 = arith.constant 0 : index
    %get3A_56 = vector.load %arg12[%get3A_54, %get3A_55] : memref<1x128xf32, #tpu.memory_space<vmem>>, vector<1x128xf32>
    %add3A_57 = arith.addf %get3A_56, %broadcast_in_dim3A : vector<1x128xf32>
    %swap3A = arith.constant 0 : index
    %swap3A_58 = arith.constant 0 : index
    %swap3A_59 = vector.load %arg12[%swap3A, %swap3A_58] : memref<1x128xf32, #tpu.memory_space<vmem>>, vector<1x128xf32>
    tpu.vector_store %arg12[%swap3A, %swap3A_58], %add3A_57 {strides = array<i32>} : memref<1x128xf32, #tpu.memory_space<vmem>>, vector<1x128xf32>,
    %eq3A_60 = arith.constant 24 : i32
    %eq3A_61 = arith.cmpi eq, %arg0, %eq3A_60 : i32
    %convert_element_type3A_62 = arith.extui %eq3A_61 : i1 to i32
    %cond3A_63 = arith.constant 0 : i32
    %cond3A_64 = arith.cmpi ne, %convert_element_type3A_62, %cond3A_63 : i32
    scf.if %cond3A_64 {
      %get3A_65 = arith.constant 0 : index
      %get3A_66 = arith.constant 0 : index
      %get3A_67 = vector.load %arg12[%get3A_65, %get3A_66] : memref<1x128xf32, #tpu.memory_space<vmem>>, vector<1x128xf32>
      %get3A_68 = arith.constant 0 : index
      %get3A_69 = arith.constant 0 : index
      %get3A_70 = vector.load %arg7[%get3A_68, %get3A_69] : memref<128x128xf32, #tpu.memory_space<vmem>>, vector<128x128xf32>
      %dot_general3A = arith.constant dense<0.000000e+00> : vector<1x128xf32>
      %dot_general3A_71 = tpu.matmul %get3A_67, %get3A_70, %dot_general3A {dimension_numbers = #tpu.dot_dimension_numbers<[1], [0], [0], [1], [0, 0, 1, 1], [], []>, transpose_lhs_hint = false} : vector<1x128xf32>, vector<128x128xf32>, vector<1x128xf32> -> vector<1x128xf32>
      %get3A_72 = arith.constant 0 : index
      %get3A_73 = arith.constant 0 : index
      %get3A_74 = vector.load %arg8[%get3A_72, %get3A_73] : memref<1x128xf32, #tpu.memory_space<vmem>>, vector<1x128xf32>
      %add3A_75 = arith.addf %dot_general3A_71, %get3A_74 : vector<1x128xf32>
      %get3A_76 = arith.constant 0 : index
      %get3A_77 = arith.constant 0 : index
      %get3A_78 = vector.load %arg9[%get3A_76, %get3A_77] : memref<1x128xf32, #tpu.memory_space<vmem>>, vector<1x128xf32>
      %mul3A_79 = arith.constant 0.999994993 : f32
      %mul3A_80 = vector.broadcast %mul3A_79 : f32 to vector<1x128xf32>
      %mul3A_81 = arith.mulf %get3A_78, %mul3A_80 : vector<1x128xf32>
      %mul3A_82 = arith.mulf %add3A_75, %mul3A_81 : vector<1x128xf32>
      %get3A_83 = arith.constant 0 : index
      %get3A_84 = arith.constant 0 : index
      %get3A_85 = vector.load %arg10[%get3A_83, %get3A_84] : memref<1x128xf32, #tpu.memory_space<vmem>>, vector<1x128xf32>
      %add3A_86 = arith.addf %mul3A_82, %get3A_85 : vector<1x128xf32>
      %swap3A_87 = arith.constant 0 : index
      %swap3A_88 = arith.constant 0 : index
      %swap3A_89 = vector.load %arg11[%swap3A_87, %swap3A_88] : memref<1x128xf32, #tpu.memory_space<vmem>>, vector<1x128xf32>
      tpu.vector_store %arg11[%swap3A_87, %swap3A_88], %add3A_86 {strides = array<i32>} : memref<1x128xf32, #tpu.memory_space<vmem>>, vector<1x128xf32>,
    } else {
    }
    return
  }
  func.func @transform_0(%arg0: i32) -> (i32, i32, i32) {
    %c0_i32 = arith.constant 0 : i32
    %c0_i32_0 = arith.constant 0 : i32
    %c0_i32_1 = arith.constant 0 : i32
    return %c0_i32, %arg0, %c0_i32_0 : i32, i32, i32
  }
  func.func @transform_1(%arg0: i32) -> (i32, i32) {
    %c0_i32 = arith.constant 0 : i32
    %c0_i32_0 = arith.constant 0 : i32
    return %arg0, %c0_i32 : i32, i32
  }
  func.func @transform_2(%arg0: i32) -> (i32, i32, i32) {
    %c0_i32 = arith.constant 0 : i32
    %c0_i32_0 = arith.constant 0 : i32
    %c0_i32_1 = arith.constant 0 : i32
    return %c0_i32, %arg0, %c0_i32_0 : i32, i32, i32
  }
  func.func @transform_3(%arg0: i32) -> (i32, i32) {
    %c0_i32 = arith.constant 0 : i32
    %c0_i32_0 = arith.constant 0 : i32
    %c0_i32_1 = arith.constant 0 : i32
    return %c0_i32, %c0_i32_0 : i32, i32
  }
  func.func @transform_4(%arg0: i32) -> (i32, i32) {
    %c0_i32 = arith.constant 0 : i32
    %c0_i32_0 = arith.constant 0 : i32
    %c0_i32_1 = arith.constant 0 : i32
    return %c0_i32, %c0_i32_0 : i32, i32
  }
  func.func @transform_5(%arg0: i32) -> (i32, i32) {
    %c0_i32 = arith.constant 0 : i32
    %c0_i32_0 = arith.constant 0 : i32
    %c0_i32_1 = arith.constant 0 : i32
    return %c0_i32, %c0_i32_0 : i32, i32
  }
  func.func @transform_6(%arg0: i32) -> (i32, i32) {
    %c0_i32 = arith.constant 0 : i32
    %c0_i32_0 = arith.constant 0 : i32
    %c0_i32_1 = arith.constant 0 : i32
    return %c0_i32, %c0_i32_0 : i32, i32
  }
  func.func @transform_7(%arg0: i32) -> (i32, i32) {
    %c0_i32 = arith.constant 0 : i32
    %c0_i32_0 = arith.constant 0 : i32
    %c0_i32_1 = arith.constant 0 : i32
    return %c0_i32, %c0_i32_0 : i32, i32
  }
  func.func @transform_8(%arg0: i32) -> (i32, i32) {
    %c0_i32 = arith.constant 0 : i32
    %c0_i32_0 = arith.constant 0 : i32
    %c0_i32_1 = arith.constant 0 : i32
    return %c0_i32, %c0_i32_0 : i32, i32
  }
  func.func @transform_9(%arg0: i32) -> (i32, i32) {
    %c0_i32 = arith.constant 0 : i32
    %c0_i32_0 = arith.constant 0 : i32
    %c0_i32_1 = arith.constant 0 : i32
    return %c0_i32, %c0_i32_0 : i32, i32
  }
  func.func @transform_10(%arg0: i32) -> (i32, i32) {
    %c0_i32 = arith.constant 0 : i32
    %c0_i32_0 = arith.constant 0 : i32
    %c0_i32_1 = arith.constant 0 : i32
    return %c0_i32, %c0_i32_0 : i32, i32
  }
}

</mosaic_0001>

<sc_bundles>
// kernel: kernel.12.cloned.1.call-start
scs
__scs_entry_jumppad:
0x0: {  	(pc) =	sbr.rel $0x88, $3  }
0x1: {  	(tag) =	ssettag $0x0;
	lr =	simm.s32 $0x1  }
0x2: {  	[smem:$0x3F93] =	sst lr;
	_ =	strace $0xD0000000  }
0x3: {  	_ = 	snop  }
0x4: {  	_ = 	snop  }
0x5: {  	_ = 	snop  }
0x6: {  	_ = 	snop  }
0x7: {  	_ = 	snop  }
__scs_overlays_trampoline_lowered:
0x8: {  	[smem:$0x3FA2] =	sst s0  }
0x9: {  	[smem:$0x3FA3] =	sst s1  }
0xa: {  	[smem:$0x3FA4] =	sst s2  }
0xb: {  	[smem:$0x3FA5] =	sst s3  }
0xc: {  	[smem:$0x3FA6] =	sst s4  }
0xd: {  	[smem:$0x3FA7] =	sst s5  }
0xe: {  	[smem:$0x3FA8] =	sst s6  }
0xf: {  	[smem:$0x3FA9] =	sst s7  }
0x10: {  	[smem:$0x3FAA] =	sst s8  }
0x11: {  	[smem:$0x3FAB] =	sst s9;
	s0 =	simm.s32 @!p0 $0x0  }
0x12: {  	s1 =	sld [smem:$0x3F91];
	s0 =	simm.s32 @p0 $0x1  }
0x13: {  	[smem:$0x3FAC] =	sst s0;
	s0 =	simm.s32 @!p1 $0x0  }
0x14: {  	s2 =	sld [smem:$0x3F90];
	s0 =	simm.s32 @p1 $0x1  }
0x15: {  	[smem:$0x3FAD] =	sst s0;
	s0 =	simm.s32 @!p2 $0x0  }
0x16: {  	s3 =	sld [smem:$0x3FDB];
	s0 =	simm.s32 @p2 $0x1  }
0x17: {  	s4 =	simm.s32 $0x1BF5;
	[smem:$0x3FAF] =	sst s0  }
0x18: {  	s0 =	sld [smem:$0x3F92];
	_ =	swait.ge [sflag:s4], $0x0  }
0x19: {  	s7 =	sld [smem:$0x3F93]  }
0x1a: {  	s8 =	sadd.s32 $0xFFFFE003, lr  }
0x1b: {  	s9 =	sadd.s32 $0xFFFFFEF7, lr;
	s5 =	simm.s32 $0xFFFFFFFF;
	p2 =	slt.u32 s8, $0xFFFFF086  }
0x1c: {  	p1 =	slt.u32 s9, $0xF7A;
	s5 =	simm.s32 @!p2 $0x0  }
0x1d: {  	s5 =	simm.s32 @p1 $0x1;
	p0 =	seq.s32 s7, s2  }
0x1e: {  	s7 =	smul.u32 @!p0 $0xF7A, s2;
	p2 =	seq.s32 @!p0 s5, $0x0  }
0x1f: {  	s9 =	smul.u32 $0xF7A, s1;
	s8 =	simm.s32 @!p0 $0x1BF5;
	p2 =	por !p2, p0  }
0x20: {  	[sflag:s8] =	ssyncset.s32 @!p0 $0xFFFFF086;
	s6 =	sadd.s32 @!p0 s3, s7;
	s7 =	simm.s32 @!p0 $0x108  }
0x21: {  	s3 =	sadd.s32 s3, s9;
	s6 =	sadd.s32 @!p0 $0x88, s6;
	s7 =	simm.s32 @p2 $0x1082  }
0x22: {  	[simem:s7], [sflag:s8] =	dma.local @!p0 [hbm:s6], $0xF7A  }
0x23: {  	s9 =	sor.u32 $0xD0000000, s2;
	s6 =	simm.s32 $0x108;
	_ =	swait.ge @!p0 [sflag:s8], $0x0  }
0x24: {  	s3 =	sadd.s32 $0x88, s3;
	s6 =	simm.s32 @!p1 $0x1082;
	[sflag:s4] =	ssyncset.s32 $0xFFFFF086  }
0x25: {  	[simem:s6], [sflag:s4] =	dma.local [hbm:s3], $0xF7A  }
0x26: {  	[smem:$0x3F93] =	sst s1;
	(tag) =	ssettag s2;
	_ =	strace s9  }
0x27: {  	s1 =	sld [smem:$0x3FA3]  }
0x28: {  	s2 =	sld [smem:$0x3FA4]  }
0x29: {  	s4 =	sld [smem:$0x3FA6]  }
0x2a: {  	p0 =	seq.s32 s5, $0x0;
	s5 =	sld [smem:$0x3FA7]  }
0x2b: {  	s6 =	sld [smem:$0x3FA8]  }
0x2c: {  	s7 =	sld [smem:$0x3FA9]  }
0x2d: {  	s3 =	simm.s32 $0x108;
	s8 =	sld [smem:$0x3FAA]  }
0x2e: {  	s3 =	simm.s32 @!p0 $0x1082;
	s9 =	sld [smem:$0x3FAB]  }
0x2f: {  	lr =	sadd.s32 s0, s3;
	s0 =	sld [smem:$0x3FA2]  }
0x30: {  	s3 =	sld [smem:$0x3FA5]  }
0x31: {  	[smem:$0x3FAE] =	sst s10  }
0x32: {  	s10 =	sld [smem:$0x3FAC];
	_ =	sdelay $0x3  }
0x33: {  	p0 =	seq.s32 s10, $0x1;
	s10 =	sld [smem:$0x3FAE];
	_ =	sdelay $0x3  }
0x34: {  	[smem:$0x3FAE] =	sst s10  }
0x35: {  	s10 =	sld [smem:$0x3FAD];
	_ =	sdelay $0x3  }
0x36: {  	p1 =	seq.s32 s10, $0x1;
	s10 =	sld [smem:$0x3FAE];
	_ =	sdelay $0x3  }
0x37: {  	[smem:$0x3FAE] =	sst s10  }
0x38: {  	s10 =	sld [smem:$0x3FAF]  }
0x39: {  	_ = 	snop;
	(pc) =	sbr.ind lr, $3  }
0x3a: {  	_ = 	snop  }
0x3b: {  	_ = 	snop  }
0x3c: {  	p2 =	seq.s32 s10, $0x1;
	s10 =	sld [smem:$0x3FAE]  }
0x3d: {  	_ =	shalt  }
0x3e: {  	_ =	shalt  }
0x3f: {  	_ =	shalt  }
0x40: {  	_ =	shalt  }
0x41: {  	_ =	shalt  }
0x42: {  	_ =	shalt  }
0x43: {  	_ =	shalt  }
0x44: {  	_ =	shalt  }
0x45: {  	_ =	shalt  }
0x46: {  	_ =	shalt  }
0x47: {  	_ =	shalt  }
0x48: {  	_ =	shalt  }
0x49: {  	_ =	shalt  }
0x4a: {  	_ =	shalt  }
0x4b: {  	_ =	shalt  }
0x4c: {  	_ =	shalt  }
0x4d: {  	_ =	shalt  }
0x4e: {  	_ =	shalt  }
0x4f: {  	_ =	shalt  }
0x50: {  	_ =	shalt  }
0x51: {  	_ =	shalt  }
0x52: {  	_ =	shalt  }
0x53: {  	_ =	shalt  }
0x54: {  	_ =	shalt  }
0x55: {  	_ =	shalt  }
0x56: {  	_ =	shalt  }
0x57: {  	_ =	shalt  }
0x58: {  	_ =	shalt  }
0x59: {  	_ =	shalt  }
0x5a: {  	_ =	shalt  }
0x5b: {  	_ =	shalt  }
0x5c: {  	_ =	shalt  }
0x5d: {  	_ =	shalt  }
0x5e: {  	_ =	shalt  }
0x5f: {  	_ =	shalt  }
0x60: {  	_ =	shalt  }
0x61: {  	_ =	shalt  }
0x62: {  	_ =	shalt  }
0x63: {  	_ =	shalt  }
0x64: {  	_ =	shalt  }
0x65: {  	_ =	shalt  }
0x66: {  	_ =	shalt  }
0x67: {  	_ =	shalt  }
0x68: {  	_ =	shalt  }
0x69: {  	_ =	shalt  }
0x6a: {  	_ =	shalt  }
0x6b: {  	_ =	shalt  }
0x6c: {  	_ =	shalt  }
0x6d: {  	_ =	shalt  }
0x6e: {  	_ =	shalt  }
0x6f: {  	_ =	shalt  }
0x70: {  	_ =	shalt  }
0x71: {  	_ =	shalt  }
0x72: {  	_ =	shalt  }
0x73: {  	_ =	shalt  }
0x74: {  	_ =	shalt  }
0x75: {  	_ =	shalt  }
0x76: {  	_ =	shalt  }
0x77: {  	_ =	shalt  }
0x78: {  	_ =	shalt  }
0x79: {  	_ =	shalt  }
0x7a: {  	_ =	shalt  }
0x7b: {  	_ =	shalt  }
0x7c: {  	_ =	shalt  }
0x7d: {  	_ =	shalt  }
0x7e: {  	_ =	shalt  }
0x7f: {  	_ =	shalt  }
0x80: {  	_ =	shalt  }
0x81: {  	_ =	shalt  }
0x82: {  	_ =	shalt  }
0x83: {  	_ =	shalt  }
0x84: {  	_ =	shalt  }
0x85: {  	_ =	shalt  }
0x86: {  	_ =	shalt  }
0x87: {  	_ =	shalt  }
.Lfunc_end0:
.L_simem_size_0:
called_computation.1_lowered:
.L_overlay_start_0:
0x88: {  	s2 =	sld [smem:$0x3FD9]  }
0x89: {  	s3 =	sld [smem:$0x3FFE];
	_ =	sdelay $0x1  }
0x8a: {  	s1 =	srdreg.scid  }
0x8b: {  	s0 =	sand.u32 $0x1, s1  }
0x8c: {  	s16 =	sshll.u32 s0, $0xA;
	s2 =	sadd.s32 s3, s2  }
0x8d: {  	s2 =	sadd.s32 s2, s16  }
0x8e: {  	[smem:$0x3FBA] =	sst s2  }
0x8f: {  	_ = 	snop  }
0x90: {  	(tm) =	ssettm $0x1  }
0x91: {  	s17 =	sld [smem:$0x3FFB];
	_ =	sdelay $0x3  }
0x92: {  	_ =	strace s17  }
0x93: {  	s2 =	sld [smem:$0x3FFC];
	_ =	sdelay $0x3  }
0x94: {  	_ =	strace s2  }
0x95: {  	s2 =	sld [smem:$0x3FFD];
	_ =	sdelay $0x3  }
0x96: {  	_ =	strace s2  }
0x97: {  	_ =	strace $0x8FFFFFFF  }
0x98: {  	s18 =	sld [smem:$0x3FDB];
	_ =	sdelay $0x1  }
0x99: {  	s19 =	simm.s32 $_scs_section_size  }
0x9a: {  	s4 =	simm.s32 $_size__tile_overlayer_lowered;
	s5 =	simm.s32 $_tile_overlayer_lowered  }
0x9b: {  	s22 =	simm.s32 $0x1BFF;
	s21 =	sshll.u32 s5, $0x1;
	s2 =	sadd.s32 s19, s18  }
0x9c: {  	s6 =	simm.s32 $0x0;
	s20 =	sshll.u32 s4, $0x1;
	s4 =	sadd.s32 s21, s2  }
0x9d: {  	[timem:s6], [sflag:s22] =	dma.local [hbm:s4], s20  }
0x9e: {  	_ =	swait.ge [sflag:s22], s20  }
0x9f: {  	s3 =	ssub.s32 $0x0, s20;
	[sflag:s22] =	ssyncset.done $0x0  }
0xa0: {  	[sflag:s22] =	ssyncadd.s32 s3;
	_ =	sdelay $0x1  }
0xa1: {  	s23 =	simm.s32 $0x1B8B  }
0xa2: {  	_ =	swait.ge [sflag:s23], $0x1  }
0xa3: {  	[sflag:s23] =	ssyncset.done $0x0  }
0xa4: {  	s25 =	simm.s32 $0x1B8E;
	s24 =	sld [smem:$0x3FFE];
	[sflag:s23] =	ssyncadd.s32 $0xFFFFFFFF  }
0xa5: {  	s26 =	simm.s32 $execute0_lowered;
	[smem:$0x3FD2] =	sst s25  }
0xa6: {  	s4 =	sshll.u32 s26, $0x1;
	_ =	strace $0x80000049;
	[dreg:$0x1] =	wrdreg $0xFFFFFFFF  }
0xa7: {  	s28 =	simm.s32 $_size_execute0_lowered;
	s2 =	sadd.s32 s2, s4;
	[dreg:$0x0] =	wrdreg $0x0  }
0xa8: {  	s4 =	sshll.u32 s28, $0x1;
	[dreg:$0x2] =	wrdreg s2  }
0xa9: {  	[dreg:$0x3] =	wrdreg s4  }
0xaa: {  	[dreg:$0x4] =	wrdreg $0xC0  }
0xab: {  	_ =	task [dreg:s6], $0x5FFFF  }
0xac: {  	[dreg:$0x1] =	wrdreg $0xFFFFFFFF  }
0xad: {  	[dreg:$0x0] =	wrdreg $0x60  }
0xae: {  	[dreg:$0x2] =	wrdreg s24  }
0xaf: {  	[dreg:$0x3] =	wrdreg $0xC4000  }
0xb0: {  	[dreg:$0x4] =	wrdreg $0xA  }
0xb1: {  	_ =	task.clear_ibuf [dreg:s6], $0x5FFFF;
	_ =	strace $0x90000049  }
0xb2: {  	s29 =	simm.s32 $0xA;
	_ =	strace $0x8000004B  }
0xb3: {  	_ =	swait.ge [sflag:s29], $0x1  }
0xb4: {  	[sflag:s29] =	ssyncadd.s32 $0xFFFFFFFF  }
0xb5: {  	_ =	strace $0x9000004B  }
0xb6: {  	_ =	sfence  }
0xb7: {  	s30 =	sld [smem:$0x0];
	_ =	sdelay $0x2  }
0xb8: {  	s31 =	sshll.u32 s1, $0xD;
	s1 =	sshrl.u32 s1, $0x2  }
0xb9: {  	s3 =	sand.u32 $0x4000, s31;
	s1 =	sadd.s32 s1, s30  }
0xba: {  	s0 =	sor.u32 s3, s0;
	s1 =	sshll.u32 s1, $0x11  }
0xbb: {  	s0 =	sor.u32 s1, s0  }
0xbc: {  	s0 =	sadd.s32 $0x8F2B, s0  }
0xbd: {  	[sflag:s0] =	ssyncadd.remote.s32 $0x1  }
0xbe: {  	_ =	sfence.sel $0xFFFF  }
0xbf: {  	[dreg:$0x0] =	wrdreg $0xFFFFFFFF;
	(pc) =	sbr.abs _section_cstart, $3  }
0xc0: {  	[dreg:$0x1] =	wrdreg $0xFFFFFFFF  }
0xc1: {  	_ =	task.clear_ibuf [dreg:s6], $0x2FFFF;
	_ =	strace $0x9FFFFFFF  }
0xc2: {  	(tm) =	ssettm $0x7FFFFFFF  }
0xc3: {  	_ =	shalt  }
tec
execute0_lowered:
.L_overlay_start_1:
0x0: {  	(tag) =	ssettag $0x1  }
0x1: {  	s0 =	rddreg [dreg:$0x0]  }
0x2: {  	s1 =	rddreg [dreg:$0x1];
	s2 =	simm.s32 $0x0;
	s3 =	srdreg.scid  }
0x3: {  	s20 =	stileid.u32;
	s28 =	simm.s32 $0x200;
	s29 =	simm.s32 $0x80  }
0x4: {  	s30 =	simm.s32 $0x280;
	s31 =	simm.s32 $0x6;
	[smem:$0x7FF] =	sst s2  }
0x5: {  	s4 =	sadd.s32 $0x17000, s0;
	s6 =	sadd.s32 $0x3600, s0;
	s3 =	sand.u32 $0x1, s3  }
0x6: {  	s8 =	sadd.s32 $0x3E200, s0;
	s10 =	smul.u32 $0x4E000, s20;
	s22 =	sadd.s32 $0x124800, s1  }
0x7: {  	s16 =	smul.u32 $0x2700, s20;
	s0 =	sadd.s32 $0x3B900, s0;
	s25 =	sadd.s32 $0x134800, s1  }
0x8: {  	s17 =	sshll.u32 s20, $0x4;
	s18 =	smul.u32 $0x13800, s20;
	p1 =	seq.s32 s20, $0xF  }
0x9: {  	_ =	strace $0x8000004A;
	s5 =	ssub.s32 $0x2, s3;
	[dreg:$0x4] =	wrdreg s22  }
0xa: {  	s9 =	sshll.u32 s3, $0x4;
	p0 =	seq.s32 s3, $0x1;
	[dreg:$0x5] =	wrdreg s0  }
0xb: {  	[dreg:$0x7] =	wrdreg s25;
	s26 =	smul.u32 $0x138800, s3;
	s17 =	sadd.s32 s17, s6  }
0xc: {  	s3 =	smul.u32 $0x27000, s3;
	s7 =	sshrl.u32 s5, $0x1;
	s9 =	sor.u32 s20, s9  }
0xd: {  	s19 =	sshrl.u32 s10, $0x2;
	s21 =	sadd.s32 s4, s16;
	s15 =	ssub.s32 s5, s7  }
0xe: {  	s11 =	smul.u32 $0x2700, s9;
	s5 =	sadd.s32 s19, s1;
	[dreg:$0x3] =	wrdreg s21  }
0xf: {  	s7 =	sshrl.u32 s26, $0x3;
	s19 =	sadd.s32 $0x9C00, s17;
	s0 =	sadd.s32 s18, s26  }
0x10: {  	s21 =	sadd.s32 $0x13840, s17;
	s3 =	sadd.s32 s16, s3;
	p2 =	sgt.u32 s9, $0x3  }
0x11: {  	s9 =	simm.s32 $0x9;
	s16 =	simm.s32 $0x0;
	[dreg:$0x9] =	wrdreg s19  }
0x12: {  	s23 =	sadd.s32 $0x10000, s5;
	s10 =	sadd.s32 s8, s7;
	[dreg:$0xa] =	wrdreg s21  }
0x13: {  	s0 =	sshrl.u32 s0, $0x3;
	s19 =	smax.u32 s15, $0x1;
	s22 =	sadd.s32 $0x100, s3  }
0x14: {  	s3 =	sadd.s32 $0x4E300, s3;
	s26 =	sadd.s32 $0xC000, s5;
	s15 =	simm.s32 $0x7  }
0x15: {  	[dreg:$0x6] =	wrdreg s23;
	s24 =	sshrl.u32 s11, $0x3;
	s10 =	sadd.s32 $0x24900, s10  }
0x16: {  	s0 =	sadd.s32 s8, s0;
	s23 =	sadd.s32 $0x4000, s5;
	[dreg:$0xe] =	wrdreg s26  }
0x17: {  	s25 =	sshrl.u32 s3, $0x3;
	s26 =	simm.s32 $0xB;
	[dreg:$0x8] =	wrdreg s10  }
.Ltmp0:
0x18: {  	s8 =	simm.s32 $0x8;
	[dreg:$0xb] =	wrdreg s0;
	(pc) =	sbr.rel .LBB2_1-.Ltmp0, $4  }
0x19: {  	s11 =	sadd.s32 s6, s24;
	[dreg:$0xc] =	wrdreg s23;
	s0 =	sshrl.u32 s22, $0x3  }
0x1a: {  	s24 =	sadd.s32 $0x8000, s5;
	s21 =	sadd.s32 s25, s6;
	s25 =	simm.s32 $0x400  }
0x1b: {  	s10 =	simm.s32 $0xA;
	s12 =	sadd.s32 $0x9C40, s11;
	s13 =	sadd.s32 $0x10, s11  }
0x1c: {  	v0 =	vimm.f32 $0.0e+00;
	s14 =	sadd.s32 $0x9C50, s11;
	[dreg:$0xd] =	wrdreg s24;
	s24 =	sadd.s32 s0, s6  }
.LBB2_17:
0x1d: {  	s0 =	rddreg [dreg:$0x4]  }
0x1e: {  	s3 =	rddreg [dreg:$0x8];
	s6 =	simm.s32 $0x1FCB;
	s0 =	sshrl.u32 s0, $0x3  }
0x1f: {  	[hbm:s3], [sflag:s6] =	dma.local [spmem:s0], $0x2800  }
0x20: {  	_ =	swait.ge [sflag:s26], $0x2800  }
0x21: {  	[sflag:s26] =	ssyncset.done $0x0  }
0x22: {  	[sflag:s26] =	ssyncadd.s32 $0xFFFFD800  }
.LBB2_18:
0x23: {  	s16 =	sadd.s32 $0x1, s16  }
0x24: {  	p3 =	sne.s32 s16, s19  }
.Ltmp1:
0x25: {  	_ = 	snop;
	(pc) =	sbr.rel @!p3 .LBB2_19-.Ltmp1, $1  }
0x26: {  	_ =	sdelay $0x3  }
.LBB2_1:
.Ltmp2:
0x27: {  	(pc) =	sbr.rel @!p0 .LBB2_2-.Ltmp2, $1  }
0x28: {  	_ =	sdelay $0x3  }
0x29: {  	s0 =	sshra.s32 s2, $0x2;
	s17 =	sadd.s32 $0x200, s2  }
.LBB2_4:
0x2a: {  	p3 =	seq.s32 s17, $0xFE00;
	[tilespmem:s0+$0x470] =	vst v0  }
0x2b: {  	[tilespmem:s0+$0x400] =	vst v0  }
0x2c: {  	[tilespmem:s0+$0x410] =	vst v0  }
.Ltmp3:
0x2d: {  	[tilespmem:s0+$0x420] =	vst v0;
	(pc) =	sbr.rel @!p3 .LBB2_4-.Ltmp3, $4  }
0x2e: {  	[tilespmem:s0+$0x430] =	vst v0  }
0x2f: {  	[tilespmem:s0+$0x440] =	vst v0  }
0x30: {  	[tilespmem:s0+$0x450] =	vst v0  }
0x31: {  	[tilespmem:s0+$0x460] =	vst v0;
	s0 =	sshra.s32 s17, $0x2;
	s17 =	sadd.s32 $0x200, s17  }
0x32: {  	[tilespmem:s0+$0x470] =	vst v0  }
0x33: {  	[tilespmem:s0+$0x400] =	vst v0  }
0x34: {  	[tilespmem:s0+$0x410] =	vst v0  }
0x35: {  	[tilespmem:s0+$0x420] =	vst v0  }
0x36: {  	[tilespmem:s0+$0x430] =	vst v0  }
0x37: {  	[tilespmem:s0+$0x440] =	vst v0  }
0x38: {  	[tilespmem:s0+$0x450] =	vst v0  }
0x39: {  	[tilespmem:s0+$0x460] =	vst v0  }
0x3a: {  	[spmem:s5] =	stream.linear.scatter [tilespmem:s25], [sflag:$0xB], $0x4000, $0x38;
	[tilespmem:$0x1FC80] =	vst v63  }
0x3b: {  	_ =	swait.ge [sflag:s26], $0x4000  }
0x3c: {  	[sflag:s26] =	ssyncset.done $0x0  }
0x3d: {  	s20 =	rddreg [dreg:$0xc];
	[sflag:s26] =	ssyncadd.s32 $0xFFFFC000  }
0x3e: {  	[spmem:s20] =	stream.linear.scatter [tilespmem:s25], [sflag:$0xB], $0x4000, $0x38;
	[tilespmem:$0x1FC80] =	vst v63  }
0x3f: {  	_ =	swait.ge [sflag:s26], $0x4000  }
0x40: {  	[sflag:s26] =	ssyncset.done $0x0  }
0x41: {  	s22 =	rddreg [dreg:$0xd];
	[sflag:s26] =	ssyncadd.s32 $0xFFFFC000  }
0x42: {  	[spmem:s22] =	stream.linear.scatter [tilespmem:s25], [sflag:$0xB], $0x4000, $0x38;
	[tilespmem:$0x1FC80] =	vst v63  }
0x43: {  	_ =	swait.ge [sflag:s26], $0x4000  }
0x44: {  	[sflag:s26] =	ssyncset.done $0x0  }
0x45: {  	s23 =	rddreg [dreg:$0xe];
	[sflag:s26] =	ssyncadd.s32 $0xFFFFC000  }
0x46: {  	[spmem:s23] =	stream.linear.scatter [tilespmem:s25], [sflag:$0xB], $0x4000, $0x38;
	[tilespmem:$0x1FC80] =	vst v63  }
0x47: {  	_ =	swait.ge [sflag:s26], $0x4000  }
0x48: {  	[sflag:s26] =	ssyncset.done $0x0  }
0x49: {  	s0 =	simm.s32 @p1 $0x400;
	s3 =	rddreg [dreg:$0x7];
	[sflag:s26] =	ssyncadd.s32 $0xFFFFC000  }
0x4a: {  	[spmem:s3] =	stream.linear.scatter @p1 [tilespmem:s0], [sflag:$0xB], $0x4000, $0x38;
	[tilespmem:$0x1FC80] =	vst v63  }
0x4b: {  	s0 =	simm.s32 @p1 $0xB  }
0x4c: {  	_ =	swait.ge @p1 [sflag:s0], $0x4000  }
0x4d: {  	[sflag:s0] =	ssyncset.done @p1 $0x0  }
0x4e: {  	s3 =	rddreg [dreg:$0x6];
	[sflag:s0] =	ssyncadd.s32 @p1 $0xFFFFC000;
	s0 =	simm.s32 @!p1 $0x400  }
0x4f: {  	[spmem:s3] =	stream.linear.scatter @!p1 [tilespmem:s0], [sflag:$0xB], $0x3800, $0x38;
	[tilespmem:$0x1FC80] =	vst v63  }
.Ltmp4:
0x50: {  	_ = 	snop;
	(pc) =	sbr.rel .LBB2_6-.Ltmp4, $4  }
0x51: {  	s0 =	simm.s32 @!p1 $0xB  }
0x52: {  	_ =	swait.ge @!p1 [sflag:s0], $0x3800  }
0x53: {  	[sflag:s0] =	ssyncset.done @!p1 $0x0  }
0x54: {  	[sflag:s0] =	ssyncadd.s32 @!p1 $0xFFFFC800  }
.LBB2_2:
0x55: {  	s0 =	rddreg [dreg:$0x4]  }
0x56: {  	s3 =	simm.s32 @p1 $0x1FCB;
	s6 =	rddreg [dreg:$0x5];
	s0 =	sshrl.u32 @p1 s0, $0x3  }
0x57: {  	[spmem:s0], [sflag:s3] =	dma.local @p1 [hbm:s6], $0x2800  }
0x58: {  	s0 =	simm.s32 @p1 $0xB  }
0x59: {  	s3 =	stileid.u32;
	_ =	swait.ge @p1 [sflag:s0], $0x2800  }
0x5a: {  	s3 =	sshll.u32 @!p1 s3, $0x6;
	[sflag:s0] =	ssyncset.done @p1 $0x0;
	s6 =	rddreg [dreg:$0x3]  }
0x5b: {  	[sflag:s0] =	ssyncadd.s32 @p1 $0xFFFFD800;
	s0 =	sor.u32 @!p1 $0x1C0B, s3;
	s3 =	sshrl.u32 @!p1 s5, $0x3  }
0x5c: {  	[spmem:s3], [sflag:s0] =	dma.local @!p1 [hbm:s6], $0x2700  }
0x5d: {  	s0 =	simm.s32 @!p1 $0xB  }
0x5e: {  	_ =	swait.ge @!p1 [sflag:s0], $0x2700  }
0x5f: {  	[sflag:s0] =	ssyncset.done @!p1 $0x0  }
0x60: {  	[sflag:s0] =	ssyncadd.s32 @!p1 $0xFFFFD900  }
.LBB2_6:
0x61: {  	[bflag:$0x0] =	sbarrier.arrive $0xFFFF;
	s17 =	simm.s32 $0x0  }
0x62: {  	[tilespmem:s17], [sflag:$0x1] =	stream.linear.gather [hbm4b:s11+s17], $0x80, $0x38;
	[tilespmem:$0x1FC80] =	vst v63  }
0x63: {  	_ = 	snop  }
0x64: {  	[tilespmem:s28], [sflag:$0x1] =	stream.linear.gather [hbm4b:s12+s17], $0x80, $0x38;
	[tilespmem:$0x1FC80] =	vst v63  }
.Ltmp5:
0x65: {  	_ = 	snop;
	(pc) =	sbr.rel .LBB2_7-.Ltmp5, $4  }
0x66: {  	_ = 	snop  }
0x67: {  	[tilespmem:s29], [sflag:$0x2] =	stream.linear.gather [hbm4b:s13+s17], $0x80, $0x38;
	[tilespmem:$0x1FC80] =	vst v63  }
0x68: {  	s20 =	simm.s32 $0x2;
	s23 =	smov.u32 s21;
	s22 =	smov.u32 s24  }
0x69: {  	[tilespmem:s30], [sflag:$0x2] =	stream.linear.gather [hbm4b:s14+s17], $0x80, $0x38;
	[tilespmem:$0x1FC80] =	vst v63  }
.LBB2_11:
0x6a: {  	s0 =	sand.u32 $0x3, s20  }
0x6b: {  	s3 =	sadd.s32 $0x1, s0;
	s0 =	sshll.u32 s0, $0x7  }
0x6c: {  	[tilespmem:s0], [sflag:s3] =	stream.linear.gather [hbm4b:s22+s2], $0x80, $0x38;
	[tilespmem:$0x1FC80] =	vst v63  }
0x6d: {  	s0 =	sor.u32 $0x200, s0  }
0x6e: {  	[tilespmem:s0], [sflag:s3] =	stream.linear.gather [hbm4b:s23+s2], $0x80, $0x38;
	[tilespmem:$0x1FC80] =	vst v63  }
.LBB2_12:
0x6f: {  	s20 =	sadd.s32 $0x1, s20  }
0x70: {  	p3 =	sne.s32 s20, $0x50  }
.Ltmp6:
0x71: {  	_ = 	snop;
	(pc) =	sbr.rel @!p3 .LBB2_13-.Ltmp6, $2  }
0x72: {  	_ =	sdelay $0x2  }
0x73: {  	s22 =	sadd.s32 $0x10, s22;
	s23 =	sadd.s32 $0x10, s23;
	s17 =	sadd.s32 $0x200, s17  }
.LBB2_7:
0x74: {  	s0 =	sadd.s32 $0xFFFFFFFE, s20  }
0x75: {  	s6 =	sand.u32 $0x3, s0;
	s3 =	smul.u32 $0xAB, s0  }
0x76: {  	s7 =	sadd.s32 $0x1, s6  }
0x77: {  	p3 =	slt.u32 s0, $0x3;
	s3 =	sshrl.u32 s3, $0x9;
	_ =	swait.ge [sflag:s7], $0x80  }
.Ltmp7:
0x78: {  	s3 =	sand.u32 $0x7F, s3;
	[sflag:s7] =	ssyncset.done $0x0;
	(pc) =	sbr.rel @p3 .LBB2_9-.Ltmp7, $4  }
0x79: {  	s3 =	smul.u32 $0x3, s3;
	[sflag:s7] =	ssyncadd.s32 $0xFFFFFF80  }
0x7a: {  	_ =	swait.ge [sflag:s7], $0x80  }
0x7b: {  	s3 =	ssub.s32 s0, s3;
	[sflag:s7] =	ssyncset.done $0x0  }
0x7c: {  	s6 =	sshll.u32 s6, $0x7;
	s3 =	sand.u32 $0xFF, s3;
	[sflag:s7] =	ssyncadd.s32 $0xFFFFFF80  }
.Ltmp8:
0x7d: {  	s7 =	sadd.s32 $0x8, s3;
	(pc) =	sbr.rel .LBB2_10-.Ltmp8, $4  }
0x7e: {  	_ =	swait.ge [sflag:s7], $0x4000  }
0x7f: {  	s18 =	sshll.u32 s3, $0xE;
	[sflag:s7] =	ssyncset.done $0x0  }
0x80: {  	[sflag:s7] =	ssyncadd.s32 $0xFFFFC000;
	s7 =	sor.u32 $0x400, s18;
	s18 =	sadd.s32 $0x5, s3  }
0x81: {  	[tilespmem:s7], [sflag:s18] =	stream.indirect.gather [hbm4b:s4+s29], $0x80, s6, s29, $0xb8;
	[tilespmem:$0x1FC80] =	vst v63  }
.LBB2_9:
0x82: {  	p3 =	sne.s32 s20, $0x4  }
.Ltmp9:
0x83: {  	_ = 	snop;
	(pc) =	sbr.rel @p3 .LBB2_11-.Ltmp9, $4  }
0x84: {  	_ = 	snop  }
0x85: {  	s7 =	sshll.u32 s3, $0xE  }
0x86: {  	s18 =	sadd.s32 $0x5, s3;
	s7 =	sor.u32 $0x400, s7  }
0x87: {  	[tilespmem:s7], [sflag:s18] =	stream.indirect.gather [hbm4b:s4+s29], $0x80, s6, s29, $0xb8;
	[tilespmem:$0x1FC80] =	vst v63  }
.LBB2_10:
0x88: {  	s3 =	sadd.s32 $0x1, s0  }
0x89: {  	s6 =	sand.u32 $0xFF, s3  }
0x8a: {  	s6 =	smul.u32 $0xAB, s6;
	_ =	sdelay $0x1  }
0x8b: {  	s6 =	sshrl.u32 s6, $0x9  }
0x8c: {  	s6 =	smul.u32 $0x3, s6;
	_ =	sdelay $0x1  }
0x8d: {  	s3 =	ssub.s32 s3, s6  }
0x8e: {  	s3 =	sand.u32 $0xFF, s3  }
0x8f: {  	p3 =	sgt.u32 s0, $0x4B;
	s18 =	sadd.s32 $0x5, s3  }
.Ltmp10:
0x90: {  	s7 =	sand.u32 $0x600, s17;
	_ =	swait.ge [sflag:s18], $0x4000;
	(pc) =	sbr.rel @p3 .LBB2_12-.Ltmp10, $4  }
.Ltmp11:
0x91: {  	s7 =	sxor.u32 $0x400, s7;
	[sflag:s18] =	ssyncset.done $0x0;
	(pc) =	sbr.rel @!p3 .LBB2_11-.Ltmp11, $4  }
0x92: {  	s7 =	sshrl.u32 s7, $0x2;
	[sflag:s18] =	ssyncadd.s32 $0xFFFFC000;
	s18 =	sshll.u32 s3, $0xE  }
0x93: {  	s7 =	sor.u32 $0x200, s7;
	s3 =	sor.u32 $0x8, s3;
	s6 =	sor.u32 $0x400, s18  }
0x94: {  	[spmem:s1] =	stream.indirect.scatter.add.f32 [tilespmem:s6], [sflag:s3], $0x80, s7, s29, $0xb8;
	[tilespmem:$0x1FC80] =	vst v63  }
0x95: {  	_ = 	snop  }
.LBB2_13:
0x96: {  	_ =	swait.ge [sflag:s31], $0x4000  }
0x97: {  	[sflag:s31] =	ssyncset.done $0x0  }
0x98: {  	s0 =	simm.s32 $0x4400;
	[sflag:s31] =	ssyncadd.s32 $0xFFFFC000  }
0x99: {  	[spmem:s1] =	stream.indirect.scatter.add.f32 [tilespmem:s0], [sflag:$0x9], $0x80, s28, s29, $0xb8;
	[tilespmem:$0x1FC80] =	vst v63  }
0x9a: {  	_ =	swait.ge [sflag:s15], $0x4000  }
0x9b: {  	[sflag:s15] =	ssyncset.done $0x0  }
0x9c: {  	s23 =	simm.s32 $0x8400;
	[sflag:s15] =	ssyncadd.s32 $0xFFFFC000  }
0x9d: {  	[spmem:s1] =	stream.indirect.scatter.add.f32 [tilespmem:s23], [sflag:$0xA], $0x80, s30, s29, $0xb8;
	[tilespmem:$0x1FC80] =	vst v63  }
0x9e: {  	_ =	swait.ge [sflag:s8], $0x4000  }
0x9f: {  	[sflag:s8] =	ssyncset.done $0x0  }
0xa0: {  	[sflag:s8] =	ssyncadd.s32 $0xFFFFC000  }
0xa1: {  	_ =	swait.ge [sflag:s9], $0x4000  }
.Ltmp12:
0xa2: {  	[sflag:s9] =	ssyncset.done $0x0;
	(pc) =	sbr.rel @p2 .LBB2_15-.Ltmp12, $4  }
0xa3: {  	[sflag:s9] =	ssyncadd.s32 $0xFFFFC000  }
0xa4: {  	_ =	swait.ge [sflag:s10], $0x4000  }
0xa5: {  	[sflag:s10] =	ssyncset.done $0x0  }
0xa6: {  	[sflag:s10] =	ssyncadd.s32 $0xFFFFC000  }
0xa7: {  	s0 =	rddreg [dreg:$0x9]  }
0xa8: {  	[tilespmem:s2], [sflag:$0xB] =	stream.linear.gather [hbm4b:s0+s2], $0x80, $0x38;
	[tilespmem:$0x1FC80] =	vst v63  }
0xa9: {  	_ =	swait.ge [sflag:s26], $0x80  }
0xaa: {  	[sflag:s26] =	ssyncset.done $0x0  }
0xab: {  	s23 =	rddreg [dreg:$0xa];
	[sflag:s26] =	ssyncadd.s32 $0xFFFFFF80  }
0xac: {  	[tilespmem:s28], [sflag:$0xB] =	stream.linear.gather [hbm4b:s23+s2], $0x80, $0x38;
	[tilespmem:$0x1FC80] =	vst v63  }
0xad: {  	_ =	swait.ge [sflag:s26], $0x80  }
0xae: {  	[sflag:s26] =	ssyncset.done $0x0  }
0xaf: {  	[sflag:s26] =	ssyncadd.s32 $0xFFFFFF80  }
0xb0: {  	[tilespmem:s25], [sflag:$0xB] =	stream.indirect.gather [hbm4b:s4+s29], $0x80, s2, s29, $0xb8;
	[tilespmem:$0x1FC80] =	vst v63  }
0xb1: {  	_ =	swait.ge [sflag:s26], $0x4000  }
0xb2: {  	[sflag:s26] =	ssyncset.done $0x0  }
0xb3: {  	[sflag:s26] =	ssyncadd.s32 $0xFFFFC000  }
0xb4: {  	[spmem:s1] =	stream.indirect.scatter.add.f32 [tilespmem:s25], [sflag:$0xB], $0x80, s28, s29, $0xb8;
	[tilespmem:$0x1FC80] =	vst v63  }
.Ltmp13:
0xb5: {  	_ =	swait.ge [sflag:s26], $0x4000;
	(pc) =	sbr.rel .LBB2_16-.Ltmp13, $3  }
0xb6: {  	[sflag:s26] =	ssyncset.done $0x0  }
0xb7: {  	[sflag:s26] =	ssyncadd.s32 $0xFFFFC000  }
0xb8: {  	[bflag:$0x0] =	sbarrier.arrive $0xFFFF;
	_ =	sdelay $0x1  }
.LBB2_15:
.Ltmp14:
0xb9: {  	(pc) =	sbr.rel @p1 .LBB2_17-.Ltmp14, $2  }
0xba: {  	_ =	sdelay $0x1  }
0xbb: {  	[bflag:$0x0] =	sbarrier.arrive $0xFFFF;
	_ =	sdelay $0x1  }
.LBB2_16:
0xbc: {  	s0 =	stileid.u32  }
0xbd: {  	s3 =	sshrl.u32 s5, $0x3;
	s0 =	sshll.u32 s0, $0x6  }
.Ltmp15:
0xbe: {  	s6 =	rddreg [dreg:$0xb];
	s0 =	sor.u32 $0x1C0B, s0;
	(pc) =	sbr.rel .LBB2_18-.Ltmp15, $4  }
0xbf: {  	[hbm:s6], [sflag:s0] =	dma.local [spmem:s3], $0x2700  }
0xc0: {  	_ =	swait.ge [sflag:s26], $0x2700  }
0xc1: {  	[sflag:s26] =	ssyncset.done $0x0  }
0xc2: {  	[sflag:s26] =	ssyncadd.s32 $0xFFFFD900  }
.LBB2_19:
0xc3: {  	_ =	sfence.sel $0x180000  }
0xc4: {  	[bflag:$0x0] =	sbarrier.arrive $0xFFFF  }
0xc5: {  	_ =	strace $0x9000004A  }
0xc6: {  	s0 =	stileid.u32;
	[bflag:$0x2] =	sbarrier.arrive $0xFFFF  }
0xc7: {  	p0 =	sne.s32 s0, $0x0;
	s0 =	rddreg [dreg:$0x2]  }
0xc8: {  	s0 =	sadd.s32 @!p0 $0x100000, s0  }
0xc9: {  	[sflag:s0] =	ssyncadd.tile.s32 @!p0 $0x1;
	_ =	shalt  }
.Lfunc_end2:
_tile_overlayer_lowered:
.L_overlay_start_2:
0xca: {  	(tag) =	ssettag $0x2  }
0xcb: {  	s0 =	rddreg [dreg:$0x0];
	s2 =	stileid.u32  }
0xcc: {  	s1 =	rddreg [dreg:$0x1];
	p0 =	sne.s32 s2, $0x0  }
0xcd: {  	s3 =	rddreg [dreg:$0x2];
	[bflag:$0x3] =	sbarrier.arrive $0xFFFF;
	s2 =	simm.s32 @!p0 $0x1C0B  }
0xce: {  	[timem:s3], [sflag:s2] =	dma.local @!p0 [hbm:s0], s1  }
0xcf: {  	s0 =	simm.s32 @!p0 $0xB  }
0xd0: {  	_ =	swait.ge @!p0 [sflag:s0], s1  }
0xd1: {  	s1 =	ssub.s32 @!p0 $0x0, s1;
	[sflag:s0] =	ssyncset.done @!p0 $0x0  }
0xd2: {  	[sflag:s0] =	ssyncadd.s32 @!p0 s1  }
0xd3: {  	[bflag:$0x3] =	sbarrier.arrive $0xFFFF  }
0xd4: {  	_ =	shalt  }

// kernel: kernel.15.cloned.1.call-start
scs
__scs_entry_jumppad:
0x0: {  	(pc) =	sbr.rel $0x88, $3  }
0x1: {  	(tag) =	ssettag $0x0;
	lr =	simm.s32 $0x1  }
0x2: {  	[smem:$0x3F93] =	sst lr;
	_ =	strace $0xD0000000  }
0x3: {  	_ = 	snop  }
0x4: {  	_ = 	snop  }
0x5: {  	_ = 	snop  }
0x6: {  	_ = 	snop  }
0x7: {  	_ = 	snop  }
__scs_overlays_trampoline_lowered:
0x8: {  	[smem:$0x3FA2] =	sst s0  }
0x9: {  	[smem:$0x3FA3] =	sst s1  }
0xa: {  	[smem:$0x3FA4] =	sst s2  }
0xb: {  	[smem:$0x3FA5] =	sst s3  }
0xc: {  	[smem:$0x3FA6] =	sst s4  }
0xd: {  	[smem:$0x3FA7] =	sst s5  }
0xe: {  	[smem:$0x3FA8] =	sst s6  }
0xf: {  	[smem:$0x3FA9] =	sst s7  }
0x10: {  	[smem:$0x3FAA] =	sst s8  }
0x11: {  	[smem:$0x3FAB] =	sst s9;
	s0 =	simm.s32 @!p0 $0x0  }
0x12: {  	s1 =	sld [smem:$0x3F91];
	s0 =	simm.s32 @p0 $0x1  }
0x13: {  	[smem:$0x3FAC] =	sst s0;
	s0 =	simm.s32 @!p1 $0x0  }
0x14: {  	s2 =	sld [smem:$0x3F90];
	s0 =	simm.s32 @p1 $0x1  }
0x15: {  	[smem:$0x3FAD] =	sst s0;
	s0 =	simm.s32 @!p2 $0x0  }
0x16: {  	s3 =	sld [smem:$0x3FDB];
	s0 =	simm.s32 @p2 $0x1  }
0x17: {  	s4 =	simm.s32 $0x1BF5;
	[smem:$0x3FAF] =	sst s0  }
0x18: {  	s0 =	sld [smem:$0x3F92];
	_ =	swait.ge [sflag:s4], $0x0  }
0x19: {  	s7 =	sld [smem:$0x3F93]  }
0x1a: {  	s8 =	sadd.s32 $0xFFFFE003, lr  }
0x1b: {  	s9 =	sadd.s32 $0xFFFFFEF7, lr;
	s5 =	simm.s32 $0xFFFFFFFF;
	p2 =	slt.u32 s8, $0xFFFFF086  }
0x1c: {  	p1 =	slt.u32 s9, $0xF7A;
	s5 =	simm.s32 @!p2 $0x0  }
0x1d: {  	s5 =	simm.s32 @p1 $0x1;
	p0 =	seq.s32 s7, s2  }
0x1e: {  	s7 =	smul.u32 @!p0 $0xF7A, s2;
	p2 =	seq.s32 @!p0 s5, $0x0  }
0x1f: {  	s9 =	smul.u32 $0xF7A, s1;
	s8 =	simm.s32 @!p0 $0x1BF5;
	p2 =	por !p2, p0  }
0x20: {  	[sflag:s8] =	ssyncset.s32 @!p0 $0xFFFFF086;
	s6 =	sadd.s32 @!p0 s3, s7;
	s7 =	simm.s32 @!p0 $0x108  }
0x21: {  	s3 =	sadd.s32 s3, s9;
	s6 =	sadd.s32 @!p0 $0x88, s6;
	s7 =	simm.s32 @p2 $0x1082  }
0x22: {  	[simem:s7], [sflag:s8] =	dma.local @!p0 [hbm:s6], $0xF7A  }
0x23: {  	s9 =	sor.u32 $0xD0000000, s2;
	s6 =	simm.s32 $0x108;
	_ =	swait.ge @!p0 [sflag:s8], $0x0  }
0x24: {  	s3 =	sadd.s32 $0x88, s3;
	s6 =	simm.s32 @!p1 $0x1082;
	[sflag:s4] =	ssyncset.s32 $0xFFFFF086  }
0x25: {  	[simem:s6], [sflag:s4] =	dma.local [hbm:s3], $0xF7A  }
0x26: {  	[smem:$0x3F93] =	sst s1;
	(tag) =	ssettag s2;
	_ =	strace s9  }
0x27: {  	s1 =	sld [smem:$0x3FA3]  }
0x28: {  	s2 =	sld [smem:$0x3FA4]  }
0x29: {  	s4 =	sld [smem:$0x3FA6]  }
0x2a: {  	p0 =	seq.s32 s5, $0x0;
	s5 =	sld [smem:$0x3FA7]  }
0x2b: {  	s6 =	sld [smem:$0x3FA8]  }
0x2c: {  	s7 =	sld [smem:$0x3FA9]  }
0x2d: {  	s3 =	simm.s32 $0x108;
	s8 =	sld [smem:$0x3FAA]  }
0x2e: {  	s3 =	simm.s32 @!p0 $0x1082;
	s9 =	sld [smem:$0x3FAB]  }
0x2f: {  	lr =	sadd.s32 s0, s3;
	s0 =	sld [smem:$0x3FA2]  }
0x30: {  	s3 =	sld [smem:$0x3FA5]  }
0x31: {  	[smem:$0x3FAE] =	sst s10  }
0x32: {  	s10 =	sld [smem:$0x3FAC];
	_ =	sdelay $0x3  }
0x33: {  	p0 =	seq.s32 s10, $0x1;
	s10 =	sld [smem:$0x3FAE];
	_ =	sdelay $0x3  }
0x34: {  	[smem:$0x3FAE] =	sst s10  }
0x35: {  	s10 =	sld [smem:$0x3FAD];
	_ =	sdelay $0x3  }
0x36: {  	p1 =	seq.s32 s10, $0x1;
	s10 =	sld [smem:$0x3FAE];
	_ =	sdelay $0x3  }
0x37: {  	[smem:$0x3FAE] =	sst s10  }
0x38: {  	s10 =	sld [smem:$0x3FAF]  }
0x39: {  	_ = 	snop;
	(pc) =	sbr.ind lr, $3  }
0x3a: {  	_ = 	snop  }
0x3b: {  	_ = 	snop  }
0x3c: {  	p2 =	seq.s32 s10, $0x1;
	s10 =	sld [smem:$0x3FAE]  }
0x3d: {  	_ =	shalt  }
0x3e: {  	_ =	shalt  }
0x3f: {  	_ =	shalt  }
0x40: {  	_ =	shalt  }
0x41: {  	_ =	shalt  }
0x42: {  	_ =	shalt  }
0x43: {  	_ =	shalt  }
0x44: {  	_ =	shalt  }
0x45: {  	_ =	shalt  }
0x46: {  	_ =	shalt  }
0x47: {  	_ =	shalt  }
0x48: {  	_ =	shalt  }
0x49: {  	_ =	shalt  }
0x4a: {  	_ =	shalt  }
0x4b: {  	_ =	shalt  }
0x4c: {  	_ =	shalt  }
0x4d: {  	_ =	shalt  }
0x4e: {  	_ =	shalt  }
0x4f: {  	_ =	shalt  }
0x50: {  	_ =	shalt  }
0x51: {  	_ =	shalt  }
0x52: {  	_ =	shalt  }
0x53: {  	_ =	shalt  }
0x54: {  	_ =	shalt  }
0x55: {  	_ =	shalt  }
0x56: {  	_ =	shalt  }
0x57: {  	_ =	shalt  }
0x58: {  	_ =	shalt  }
0x59: {  	_ =	shalt  }
0x5a: {  	_ =	shalt  }
0x5b: {  	_ =	shalt  }
0x5c: {  	_ =	shalt  }
0x5d: {  	_ =	shalt  }
0x5e: {  	_ =	shalt  }
0x5f: {  	_ =	shalt  }
0x60: {  	_ =	shalt  }
0x61: {  	_ =	shalt  }
0x62: {  	_ =	shalt  }
0x63: {  	_ =	shalt  }
0x64: {  	_ =	shalt  }
0x65: {  	_ =	shalt  }
0x66: {  	_ =	shalt  }
0x67: {  	_ =	shalt  }
0x68: {  	_ =	shalt  }
0x69: {  	_ =	shalt  }
0x6a: {  	_ =	shalt  }
0x6b: {  	_ =	shalt  }
0x6c: {  	_ =	shalt  }
0x6d: {  	_ =	shalt  }
0x6e: {  	_ =	shalt  }
0x6f: {  	_ =	shalt  }
0x70: {  	_ =	shalt  }
0x71: {  	_ =	shalt  }
0x72: {  	_ =	shalt  }
0x73: {  	_ =	shalt  }
0x74: {  	_ =	shalt  }
0x75: {  	_ =	shalt  }
0x76: {  	_ =	shalt  }
0x77: {  	_ =	shalt  }
0x78: {  	_ =	shalt  }
0x79: {  	_ =	shalt  }
0x7a: {  	_ =	shalt  }
0x7b: {  	_ =	shalt  }
0x7c: {  	_ =	shalt  }
0x7d: {  	_ =	shalt  }
0x7e: {  	_ =	shalt  }
0x7f: {  	_ =	shalt  }
0x80: {  	_ =	shalt  }
0x81: {  	_ =	shalt  }
0x82: {  	_ =	shalt  }
0x83: {  	_ =	shalt  }
0x84: {  	_ =	shalt  }
0x85: {  	_ =	shalt  }
0x86: {  	_ =	shalt  }
0x87: {  	_ =	shalt  }
.Lfunc_end0:
.L_simem_size_0:
called_computation.2_lowered:
.L_overlay_start_0:
0x88: {  	s2 =	sld [smem:$0x3FD9]  }
0x89: {  	s3 =	sld [smem:$0x3FFE];
	_ =	sdelay $0x1  }
0x8a: {  	s1 =	srdreg.scid  }
0x8b: {  	s0 =	sand.u32 $0x1, s1  }
0x8c: {  	s17 =	sshll.u32 s0, $0xA;
	s2 =	sadd.s32 s3, s2  }
0x8d: {  	s2 =	sadd.s32 s2, s17  }
0x8e: {  	[smem:$0x3FBA] =	sst s2  }
0x8f: {  	_ = 	snop  }
0x90: {  	(tm) =	ssettm $0x1  }
0x91: {  	s18 =	sld [smem:$0x3FFB];
	_ =	sdelay $0x3  }
0x92: {  	_ =	strace s18  }
0x93: {  	s2 =	sld [smem:$0x3FFC];
	_ =	sdelay $0x3  }
0x94: {  	_ =	strace s2  }
0x95: {  	s2 =	sld [smem:$0x3FFD];
	_ =	sdelay $0x3  }
0x96: {  	_ =	strace s2  }
0x97: {  	_ =	strace $0x8FFFFFFF  }
0x98: {  	s19 =	sld [smem:$0x3FDB];
	_ =	sdelay $0x1  }
0x99: {  	s20 =	simm.s32 $_scs_section_size  }
0x9a: {  	s4 =	simm.s32 $_size__tile_overlayer_lowered;
	s5 =	simm.s32 $_tile_overlayer_lowered  }
0x9b: {  	s6 =	simm.s32 $0x1BFF;
	s21 =	sshll.u32 s5, $0x1;
	s3 =	sadd.s32 s20, s19  }
0x9c: {  	s22 =	simm.s32 $0x0;
	s4 =	sshll.u32 s4, $0x1;
	s5 =	sadd.s32 s21, s3  }
0x9d: {  	[timem:s22], [sflag:s6] =	dma.local [hbm:s5], s4  }
0x9e: {  	_ =	swait.ge [sflag:s6], s4  }
0x9f: {  	s4 =	ssub.s32 $0x0, s4;
	[sflag:s6] =	ssyncset.done $0x0  }
0xa0: {  	[sflag:s6] =	ssyncadd.s32 s4;
	_ =	sdelay $0x1  }
0xa1: {  	s23 =	simm.s32 $0x1B8B  }
0xa2: {  	_ =	swait.ge [sflag:s23], $0x1  }
0xa3: {  	[sflag:s23] =	ssyncset.done $0x0  }
0xa4: {  	[sflag:s23] =	ssyncadd.s32 $0xFFFFFFFF  }
0xa5: {  	s4 =	sld [smem:$0x0]  }
0xa6: {  	s5 =	sand.u32 $0xFFFFFFFE, s1  }
0xa7: {  	p0 =	sne.s32 s1, s5  }
0xa8: {  	s5 =	sshll.u32 @p0 s5, $0xE  }
0xa9: {  	s5 =	sadd.s32 @p0 $0x11B8D, s5;
	s6 =	sshll.u32 @p0 s4, $0x11  }
0xaa: {  	s5 =	sor.u32 @p0 s6, s5  }
0xab: {  	[sflag:s5] =	ssyncadd.remote.s32 @p0 $0x1;
	_ =	sdelay $0x1  }
0xac: {  	s5 =	simm.s32 @p0 $0x1B8D  }
0xad: {  	_ =	swait.eq @p0 [sflag:s5], $0x1  }
0xae: {  	[sflag:s5] =	ssyncadd.s32 @p0 $0xFFFFFFFF  }
0xaf: {  	s6 =	sshll.u32 @!p0 s1, $0xE  }
0xb0: {  	s6 =	sor.u32 @!p0 $0x4000, s6;
	s5 =	simm.s32 @!p0 $0x1B8D  }
0xb1: {  	s4 =	sshll.u32 @!p0 s4, $0x11;
	s6 =	sadd.s32 @!p0 $0x11B8D, s6;
	_ =	swait.eq @!p0 [sflag:s5], $0x1  }
0xb2: {  	s4 =	sor.u32 @!p0 s4, s6;
	[sflag:s5] =	ssyncadd.s32 @!p0 $0xFFFFFFFF  }
0xb3: {  	s25 =	simm.s32 $0x1B8E;
	s24 =	sld [smem:$0x3FFE];
	[sflag:s4] =	ssyncadd.remote.s32 @!p0 $0x1  }
0xb4: {  	s26 =	simm.s32 $execute0_lowered;
	[smem:$0x3FD2] =	sst s25  }
0xb5: {  	s5 =	sshll.u32 s26, $0x1;
	_ =	strace $0x8000004C;
	[dreg:$0x1] =	wrdreg $0xFFFFFFFF  }
0xb6: {  	s28 =	simm.s32 $_size_execute0_lowered;
	s3 =	sadd.s32 s3, s5;
	[dreg:$0x0] =	wrdreg $0x0  }
0xb7: {  	s5 =	sshll.u32 s28, $0x1;
	[dreg:$0x2] =	wrdreg s3  }
0xb8: {  	[dreg:$0x3] =	wrdreg s5  }
0xb9: {  	[dreg:$0x4] =	wrdreg $0xC0  }
0xba: {  	_ =	task [dreg:s22], $0x5FFFF  }
0xbb: {  	[dreg:$0x1] =	wrdreg $0xFFFFFFFF  }
0xbc: {  	[dreg:$0x0] =	wrdreg $0x60  }
0xbd: {  	[dreg:$0x2] =	wrdreg s24  }
0xbe: {  	[dreg:$0x3] =	wrdreg $0x28000  }
0xbf: {  	[dreg:$0x4] =	wrdreg $0x9  }
0xc0: {  	_ =	task.clear_ibuf [dreg:s22], $0x5FFFF;
	_ =	strace $0x9000004C  }
0xc1: {  	s29 =	simm.s32 $0x9;
	_ =	strace $0x8000004E  }
0xc2: {  	_ =	swait.ge [sflag:s29], $0x1  }
0xc3: {  	[sflag:s29] =	ssyncadd.s32 $0xFFFFFFFF  }
0xc4: {  	_ =	strace $0x9000004E  }
0xc5: {  	_ =	sfence  }
0xc6: {  	s30 =	sld [smem:$0x0];
	_ =	sdelay $0x2  }
0xc7: {  	s31 =	sshll.u32 s1, $0xD;
	s1 =	sshrl.u32 s1, $0x2  }
0xc8: {  	s4 =	sand.u32 $0x4000, s31;
	s1 =	sadd.s32 s1, s30  }
0xc9: {  	s0 =	sor.u32 s4, s0;
	s1 =	sshll.u32 s1, $0x11  }
0xca: {  	s0 =	sor.u32 s1, s0  }
0xcb: {  	s0 =	sadd.s32 $0x8F2B, s0  }
0xcc: {  	[sflag:s0] =	ssyncadd.remote.s32 $0x1  }
0xcd: {  	_ =	sfence.sel $0xFFFF  }
0xce: {  	[dreg:$0x0] =	wrdreg $0xFFFFFFFF;
	(pc) =	sbr.abs _section_cstart, $3  }
0xcf: {  	[dreg:$0x1] =	wrdreg $0xFFFFFFFF  }
0xd0: {  	_ =	task.clear_ibuf [dreg:s22], $0x2FFFF;
	_ =	strace $0x9FFFFFFF  }
0xd1: {  	(tm) =	ssettm $0x7FFFFFFF  }
tec
execute0_lowered:
.L_overlay_start_1:
0x0: {  	(tag) =	ssettag $0x1  }
0x1: {  	s6 =	rddreg [dreg:$0x0]  }
0x2: {  	s1 =	rddreg [dreg:$0x1]  }
0x3: {  	s0 =	rddreg [dreg:$0x2];
	s2 =	simm.s32 $0x0  }
0x4: {  	s3 =	srdreg.scid;
	s9 =	stileid.u32;
	s11 =	simm.s32 $0x2B00  }
0x5: {  	s12 =	simm.s32 $0x3300;
	s13 =	simm.s32 $0x50;
	s14 =	simm.s32 $0x2A80  }
0x6: {  	s16 =	simm.s32 $0x0;
	[smem:$0x7FF] =	sst s2;
	s3 =	sand.u32 $0x1, s3  }
0x7: {  	s5 =	sadd.s32 $0x8C400, s6;
	p0 =	sne.s32 s9, $0x0;
	_ =	strace $0x8000004D  }
0x8: {  	s4 =	sshll.u32 s3, $0x4;
	s7 =	smul.u32 $0x500, s3;
	s8 =	ssub.s32 $0x2, s3  }
0x9: {  	s3 =	sadd.s32 $0x3600, s6;
	s15 =	sshrl.u32 @!p0 s1, $0x3;
	s4 =	sor.u32 s9, s4  }
0xa: {  	v0 =	vlaneseq.u32;
	s10 =	sshrl.u32 s8, $0x1;
	s9 =	simm.s32 $0x3B00;
	s4 =	smul.u32 $0x2710, s4  }
0xb: {  	v1 =	vimm.f32 $0.0e+00;
	v2 =	vor.u32 $0x10, v0;
	s7 =	sadd.s32 s7, s6;
	s8 =	ssub.s32 s8, s10;
	s10 =	simm.s32 $0x1  }
0xc: {  	v3 =	vor.u32 $0x20, v0;
	v4 =	vor.u32 $0x30, v0;
	v5 =	vor.u32 $0x40, v0;
	s7 =	sadd.s32 $0x8CA00, s7;
	s8 =	smax.u32 s8, $0x1;
	s6 =	sadd.s32 $0x4E200, s4  }
.LBB2_1:
0xd: {  	s17 =	simm.s32 $0x70;
	s18 =	simm.s32 $0x3C0  }
.LBB2_2:
0xe: {  	p1 =	sne.s32 s18, $0x9FC0;
	[tilespmem:s17+$0x0] =	vst v1  }
0xf: {  	[tilespmem:s17+$0xFFFFFF90] =	vst v1  }
0x10: {  	[tilespmem:s17+$0xFFFFFFA0] =	vst v1  }
.Ltmp0:
0x11: {  	[tilespmem:s17+$0xFFFFFFB0] =	vst v1;
	(pc) =	sbr.rel @p1 .LBB2_2-.Ltmp0, $4  }
0x12: {  	[tilespmem:s17+$0xFFFFFFC0] =	vst v1  }
0x13: {  	[tilespmem:s17+$0xFFFFFFD0] =	vst v1  }
0x14: {  	[tilespmem:s17+$0xFFFFFFE0] =	vst v1  }
0x15: {  	[tilespmem:s17+$0xFFFFFFF0] =	vst v1;
	s17 =	sshra.s32 s18, $0x2;
	s18 =	sadd.s32 $0x200, s18  }
0x16: {  	[tilespmem:s17+$0x0] =	vst v1  }
0x17: {  	[tilespmem:s17+$0xFFFFFF90] =	vst v1  }
0x18: {  	[tilespmem:s17+$0xFFFFFFA0] =	vst v1  }
0x19: {  	[tilespmem:s17+$0xFFFFFFB0] =	vst v1  }
0x1a: {  	[tilespmem:s17+$0xFFFFFFC0] =	vst v1  }
0x1b: {  	[tilespmem:s17+$0xFFFFFFD0] =	vst v1  }
0x1c: {  	[tilespmem:s17+$0xFFFFFFE0] =	vst v1  }
0x1d: {  	[tilespmem:s17+$0xFFFFFFF0] =	vst v1  }
0x1e: {  	[tilespmem:$0x2A80] =	vst v0  }
0x1f: {  	[tilespmem:$0x2A90] =	vst v2  }
0x20: {  	[tilespmem:$0x2AA0] =	vst v3  }
0x21: {  	[tilespmem:$0x2AB0] =	vst v4  }
0x22: {  	s17 =	simm.s32 @!p0 $0x0;
	[tilespmem:$0x2AC0] =	vst v5  }
0x23: {  	[spmem:s1] =	stream.linear.scatter @!p0 [tilespmem:s17], [sflag:$0x1], $0x2800, $0x38;
	[tilespmem:$0x6280] =	vst v63  }
0x24: {  	s17 =	simm.s32 @!p0 $0x1  }
0x25: {  	_ =	swait.ge @!p0 [sflag:s17], $0x2800  }
0x26: {  	[sflag:s17] =	ssyncset.done @!p0 $0x0  }
0x27: {  	[sflag:s17] =	ssyncadd.s32 @!p0 $0xFFFFD800;
	s17 =	simm.s32 $0x0  }
0x28: {  	[tilespmem:s9], [sflag:$0x1] =	stream.linear.gather [hbm4b:s5+s17], $0x2780, $0x38;
	[tilespmem:$0x6280] =	vst v63  }
0x29: {  	_ =	swait.ge [sflag:s10], $0x2780  }
0x2a: {  	[sflag:s10] =	ssyncset.done $0x0  }
0x2b: {  	[sflag:s10] =	ssyncadd.s32 $0xFFFFD880  }
0x2c: {  	s18 =	simm.s32 $0x0;
	[bflag:$0x0] =	sbarrier.arrive $0xFFFF  }
.LBB2_4:
0x2d: {  	s19 =	smul.u32 $0x7D0, s18;
	_ =	sdelay $0x1  }
0x2e: {  	s20 =	sadd.s32 s4, s19  }
0x2f: {  	s20 =	sshrl.u32 s20, $0x3  }
0x30: {  	s20 =	sadd.s32 s3, s20  }
0x31: {  	[tilespmem:s11], [sflag:$0x1] =	stream.linear.gather [hbm4b:s20+s17], $0x7D0, $0x38;
	[tilespmem:$0x6280] =	vst v63  }
0x32: {  	s19 =	sadd.s32 s19, s6;
	_ =	swait.ge [sflag:s10], $0x7D0  }
0x33: {  	s19 =	sshrl.u32 s19, $0x3;
	[sflag:s10] =	ssyncset.done $0x0  }
0x34: {  	s19 =	sadd.s32 s3, s19;
	[sflag:s10] =	ssyncadd.s32 $0xFFFFF830  }
0x35: {  	[tilespmem:s12], [sflag:$0x1] =	stream.linear.gather [hbm4b:s19+s17], $0x7D0, $0x38;
	[tilespmem:$0x6280] =	vst v63  }
0x36: {  	_ =	swait.ge [sflag:s10], $0x7D0  }
0x37: {  	[sflag:s10] =	ssyncset.done $0x0  }
0x38: {  	s20 =	simm.s32 $0x0;
	s19 =	simm.s32 $0x40;
	[sflag:s10] =	ssyncadd.s32 $0xFFFFF830  }
.LBB2_5:
0x39: {  	p1 =	sne.s32 s19, $0x1F00;
	v6 =	vld [tilespmem:s20+$0x3300];
	_ =	sdelay $0x5  }
0x3a: {  	v7 =	vld [tilespmem:s20+$0x2B00];
	_ =	sdelay $0x1  }
0x3b: {  	v6 =	vld.idx.msk [tilespmem:v6+s9+$0x0], $0xffff;
	_ =	sdelay $0x1  }
.Ltmp1:
0x3c: {  	(pc) =	sbr.rel @p1 .LBB2_5-.Ltmp1, $2  }
0x3d: {  	_ =	sdelay $0x2  }
0x3e: {  	s20 =	sshra.s32 s19, $0x2;
	s19 =	sadd.s32 $0x40, s19;
	[tilespmem:v7+s2+$0x0] =	vst.idx.add.f32.msk $0xffff, v6  }
0x3f: {  	v6 =	vld [tilespmem:s20+$0x3300];
	_ =	sdelay $0x4  }
0x40: {  	v7 =	vld [tilespmem:s20+$0x2B00];
	_ =	sdelay $0x1  }
0x41: {  	s18 =	sadd.s32 $0x1, s18  }
0x42: {  	p1 =	sne.s32 s18, $0x5;
	v6 =	vld.idx.msk [tilespmem:v6+s9+$0x0], $0xffff  }
.Ltmp2:
0x43: {  	_ = 	snop;
	(pc) =	sbr.rel @p1 .LBB2_4-.Ltmp2, $2  }
0x44: {  	_ =	sdelay $0x2  }
0x45: {  	[tilespmem:v7+s2+$0x0] =	vst.idx.add.f32.msk $0xffff, v6  }
0x46: {  	[spmem:s1] =	stream.indirect.scatter.add.f32 [tilespmem:s2], [sflag:$0x1], $0x80, s14, s13, $0xb8;
	[tilespmem:$0x6280] =	vst v63  }
0x47: {  	_ =	swait.ge [sflag:s10], $0x2800  }
0x48: {  	[sflag:s10] =	ssyncset.done $0x0  }
0x49: {  	s16 =	sadd.s32 $0x1, s16;
	[sflag:s10] =	ssyncadd.s32 $0xFFFFD800  }
0x4a: {  	s17 =	simm.s32 @!p0 $0x1C01;
	p1 =	sne.s32 s16, s8;
	[bflag:$0x0] =	sbarrier.arrive $0xFFFF  }
0x4b: {  	[hbm:s7], [sflag:s17] =	dma.local @!p0 [spmem:s15], $0x500  }
.Ltmp3:
0x4c: {  	_ = 	snop;
	(pc) =	sbr.rel @p1 .LBB2_1-.Ltmp3, $4  }
0x4d: {  	s17 =	simm.s32 @!p0 $0x1  }
0x4e: {  	_ =	swait.ge @!p0 [sflag:s17], $0x500  }
0x4f: {  	[sflag:s17] =	ssyncset.done @!p0 $0x0  }
0x50: {  	[sflag:s17] =	ssyncadd.s32 @!p0 $0xFFFFFB00  }
0x51: {  	_ =	sfence.sel $0x180000  }
0x52: {  	[bflag:$0x0] =	sbarrier.arrive $0xFFFF  }
0x53: {  	_ =	strace $0x9000004D  }
0x54: {  	s0 =	sadd.s32 @!p0 $0x100000, s0;
	[bflag:$0x2] =	sbarrier.arrive $0xFFFF  }
0x55: {  	[sflag:s0] =	ssyncadd.tile.s32 @!p0 $0x1;
	_ =	shalt  }
.Lfunc_end2:
_tile_overlayer_lowered:
.L_overlay_start_2:
0x56: {  	(tag) =	ssettag $0x2  }
0x57: {  	s0 =	rddreg [dreg:$0x0];
	s2 =	stileid.u32  }
0x58: {  	s1 =	rddreg [dreg:$0x1];
	p0 =	sne.s32 s2, $0x0  }
0x59: {  	s3 =	rddreg [dreg:$0x2];
	[bflag:$0x3] =	sbarrier.arrive $0xFFFF;
	s2 =	simm.s32 @!p0 $0x1C01  }
0x5a: {  	[timem:s3], [sflag:s2] =	dma.local @!p0 [hbm:s0], s1  }
0x5b: {  	s0 =	simm.s32 @!p0 $0x1  }
0x5c: {  	_ =	swait.ge @!p0 [sflag:s0], s1  }
0x5d: {  	s1 =	ssub.s32 @!p0 $0x0, s1;
	[sflag:s0] =	ssyncset.done @!p0 $0x0  }
0x5e: {  	[sflag:s0] =	ssyncadd.s32 @!p0 s1  }
0x5f: {  	[bflag:$0x3] =	sbarrier.arrive $0xFFFF  }
0x60: {  	_ =	shalt  }

// kernel: kernel.18.cloned.1.call-start
scs
__scs_entry_jumppad:
0x0: {  	(pc) =	sbr.rel $0x88, $3  }
0x1: {  	(tag) =	ssettag $0x0;
	lr =	simm.s32 $0x1  }
0x2: {  	[smem:$0x3F93] =	sst lr;
	_ =	strace $0xD0000000  }
0x3: {  	_ = 	snop  }
0x4: {  	_ = 	snop  }
0x5: {  	_ = 	snop  }
0x6: {  	_ = 	snop  }
0x7: {  	_ = 	snop  }
__scs_overlays_trampoline_lowered:
0x8: {  	[smem:$0x3FA2] =	sst s0  }
0x9: {  	[smem:$0x3FA3] =	sst s1  }
0xa: {  	[smem:$0x3FA4] =	sst s2  }
0xb: {  	[smem:$0x3FA5] =	sst s3  }
0xc: {  	[smem:$0x3FA6] =	sst s4  }
0xd: {  	[smem:$0x3FA7] =	sst s5  }
0xe: {  	[smem:$0x3FA8] =	sst s6  }
0xf: {  	[smem:$0x3FA9] =	sst s7  }
0x10: {  	[smem:$0x3FAA] =	sst s8  }
0x11: {  	[smem:$0x3FAB] =	sst s9;
	s0 =	simm.s32 @!p0 $0x0  }
0x12: {  	s1 =	sld [smem:$0x3F91];
	s0 =	simm.s32 @p0 $0x1  }
0x13: {  	[smem:$0x3FAC] =	sst s0;
	s0 =	simm.s32 @!p1 $0x0  }
0x14: {  	s2 =	sld [smem:$0x3F90];
	s0 =	simm.s32 @p1 $0x1  }
0x15: {  	[smem:$0x3FAD] =	sst s0;
	s0 =	simm.s32 @!p2 $0x0  }
0x16: {  	s3 =	sld [smem:$0x3FDB];
	s0 =	simm.s32 @p2 $0x1  }
0x17: {  	s4 =	simm.s32 $0x1BF5;
	[smem:$0x3FAF] =	sst s0  }
0x18: {  	s0 =	sld [smem:$0x3F92];
	_ =	swait.ge [sflag:s4], $0x0  }
0x19: {  	s7 =	sld [smem:$0x3F93]  }
0x1a: {  	s8 =	sadd.s32 $0xFFFFE003, lr  }
0x1b: {  	s9 =	sadd.s32 $0xFFFFFEF7, lr;
	s5 =	simm.s32 $0xFFFFFFFF;
	p2 =	slt.u32 s8, $0xFFFFF086  }
0x1c: {  	p1 =	slt.u32 s9, $0xF7A;
	s5 =	simm.s32 @!p2 $0x0  }
0x1d: {  	s5 =	simm.s32 @p1 $0x1;
	p0 =	seq.s32 s7, s2  }
0x1e: {  	s7 =	smul.u32 @!p0 $0xF7A, s2;
	p2 =	seq.s32 @!p0 s5, $0x0  }
0x1f: {  	s9 =	smul.u32 $0xF7A, s1;
	s8 =	simm.s32 @!p0 $0x1BF5;
	p2 =	por !p2, p0  }
0x20: {  	[sflag:s8] =	ssyncset.s32 @!p0 $0xFFFFF086;
	s6 =	sadd.s32 @!p0 s3, s7;
	s7 =	simm.s32 @!p0 $0x108  }
0x21: {  	s3 =	sadd.s32 s3, s9;
	s6 =	sadd.s32 @!p0 $0x88, s6;
	s7 =	simm.s32 @p2 $0x1082  }
0x22: {  	[simem:s7], [sflag:s8] =	dma.local @!p0 [hbm:s6], $0xF7A  }
0x23: {  	s9 =	sor.u32 $0xD0000000, s2;
	s6 =	simm.s32 $0x108;
	_ =	swait.ge @!p0 [sflag:s8], $0x0  }
0x24: {  	s3 =	sadd.s32 $0x88, s3;
	s6 =	simm.s32 @!p1 $0x1082;
	[sflag:s4] =	ssyncset.s32 $0xFFFFF086  }
0x25: {  	[simem:s6], [sflag:s4] =	dma.local [hbm:s3], $0xF7A  }
0x26: {  	[smem:$0x3F93] =	sst s1;
	(tag) =	ssettag s2;
	_ =	strace s9  }
0x27: {  	s1 =	sld [smem:$0x3FA3]  }
0x28: {  	s2 =	sld [smem:$0x3FA4]  }
0x29: {  	s4 =	sld [smem:$0x3FA6]  }
0x2a: {  	p0 =	seq.s32 s5, $0x0;
	s5 =	sld [smem:$0x3FA7]  }
0x2b: {  	s6 =	sld [smem:$0x3FA8]  }
0x2c: {  	s7 =	sld [smem:$0x3FA9]  }
0x2d: {  	s3 =	simm.s32 $0x108;
	s8 =	sld [smem:$0x3FAA]  }
0x2e: {  	s3 =	simm.s32 @!p0 $0x1082;
	s9 =	sld [smem:$0x3FAB]  }
0x2f: {  	lr =	sadd.s32 s0, s3;
	s0 =	sld [smem:$0x3FA2]  }
0x30: {  	s3 =	sld [smem:$0x3FA5]  }
0x31: {  	[smem:$0x3FAE] =	sst s10  }
0x32: {  	s10 =	sld [smem:$0x3FAC];
	_ =	sdelay $0x3  }
0x33: {  	p0 =	seq.s32 s10, $0x1;
	s10 =	sld [smem:$0x3FAE];
	_ =	sdelay $0x3  }
0x34: {  	[smem:$0x3FAE] =	sst s10  }
0x35: {  	s10 =	sld [smem:$0x3FAD];
	_ =	sdelay $0x3  }
0x36: {  	p1 =	seq.s32 s10, $0x1;
	s10 =	sld [smem:$0x3FAE];
	_ =	sdelay $0x3  }
0x37: {  	[smem:$0x3FAE] =	sst s10  }
0x38: {  	s10 =	sld [smem:$0x3FAF]  }
0x39: {  	_ = 	snop;
	(pc) =	sbr.ind lr, $3  }
0x3a: {  	_ = 	snop  }
0x3b: {  	_ = 	snop  }
0x3c: {  	p2 =	seq.s32 s10, $0x1;
	s10 =	sld [smem:$0x3FAE]  }
0x3d: {  	_ =	shalt  }
0x3e: {  	_ =	shalt  }
0x3f: {  	_ =	shalt  }
0x40: {  	_ =	shalt  }
0x41: {  	_ =	shalt  }
0x42: {  	_ =	shalt  }
0x43: {  	_ =	shalt  }
0x44: {  	_ =	shalt  }
0x45: {  	_ =	shalt  }
0x46: {  	_ =	shalt  }
0x47: {  	_ =	shalt  }
0x48: {  	_ =	shalt  }
0x49: {  	_ =	shalt  }
0x4a: {  	_ =	shalt  }
0x4b: {  	_ =	shalt  }
0x4c: {  	_ =	shalt  }
0x4d: {  	_ =	shalt  }
0x4e: {  	_ =	shalt  }
0x4f: {  	_ =	shalt  }
0x50: {  	_ =	shalt  }
0x51: {  	_ =	shalt  }
0x52: {  	_ =	shalt  }
0x53: {  	_ =	shalt  }
0x54: {  	_ =	shalt  }
0x55: {  	_ =	shalt  }
0x56: {  	_ =	shalt  }
0x57: {  	_ =	shalt  }
0x58: {  	_ =	shalt  }
0x59: {  	_ =	shalt  }
0x5a: {  	_ =	shalt  }
0x5b: {  	_ =	shalt  }
0x5c: {  	_ =	shalt  }
0x5d: {  	_ =	shalt  }
0x5e: {  	_ =	shalt  }
0x5f: {  	_ =	shalt  }
0x60: {  	_ =	shalt  }
0x61: {  	_ =	shalt  }
0x62: {  	_ =	shalt  }
0x63: {  	_ =	shalt  }
0x64: {  	_ =	shalt  }
0x65: {  	_ =	shalt  }
0x66: {  	_ =	shalt  }
0x67: {  	_ =	shalt  }
0x68: {  	_ =	shalt  }
0x69: {  	_ =	shalt  }
0x6a: {  	_ =	shalt  }
0x6b: {  	_ =	shalt  }
0x6c: {  	_ =	shalt  }
0x6d: {  	_ =	shalt  }
0x6e: {  	_ =	shalt  }
0x6f: {  	_ =	shalt  }
0x70: {  	_ =	shalt  }
0x71: {  	_ =	shalt  }
0x72: {  	_ =	shalt  }
0x73: {  	_ =	shalt  }
0x74: {  	_ =	shalt  }
0x75: {  	_ =	shalt  }
0x76: {  	_ =	shalt  }
0x77: {  	_ =	shalt  }
0x78: {  	_ =	shalt  }
0x79: {  	_ =	shalt  }
0x7a: {  	_ =	shalt  }
0x7b: {  	_ =	shalt  }
0x7c: {  	_ =	shalt  }
0x7d: {  	_ =	shalt  }
0x7e: {  	_ =	shalt  }
0x7f: {  	_ =	shalt  }
0x80: {  	_ =	shalt  }
0x81: {  	_ =	shalt  }
0x82: {  	_ =	shalt  }
0x83: {  	_ =	shalt  }
0x84: {  	_ =	shalt  }
0x85: {  	_ =	shalt  }
0x86: {  	_ =	shalt  }
0x87: {  	_ =	shalt  }
.Lfunc_end0:
.L_simem_size_0:
called_computation.3_lowered:
.L_overlay_start_0:
0x88: {  	s2 =	sld [smem:$0x3FD9]  }
0x89: {  	s3 =	sld [smem:$0x3FFE];
	_ =	sdelay $0x1  }
0x8a: {  	s1 =	srdreg.scid  }
0x8b: {  	s0 =	sand.u32 $0x1, s1  }
0x8c: {  	s17 =	sshll.u32 s0, $0xA;
	s2 =	sadd.s32 s3, s2  }
0x8d: {  	s2 =	sadd.s32 s2, s17  }
0x8e: {  	[smem:$0x3FBA] =	sst s2  }
0x8f: {  	_ = 	snop  }
0x90: {  	(tm) =	ssettm $0x1  }
0x91: {  	s18 =	sld [smem:$0x3FFB];
	_ =	sdelay $0x3  }
0x92: {  	_ =	strace s18  }
0x93: {  	s2 =	sld [smem:$0x3FFC];
	_ =	sdelay $0x3  }
0x94: {  	_ =	strace s2  }
0x95: {  	s2 =	sld [smem:$0x3FFD];
	_ =	sdelay $0x3  }
0x96: {  	_ =	strace s2  }
0x97: {  	_ =	strace $0x8FFFFFFF  }
0x98: {  	s19 =	sld [smem:$0x3FDB];
	_ =	sdelay $0x1  }
0x99: {  	s20 =	simm.s32 $_scs_section_size  }
0x9a: {  	s4 =	simm.s32 $_size__tile_overlayer_lowered;
	s5 =	simm.s32 $_tile_overlayer_lowered  }
0x9b: {  	s6 =	simm.s32 $0x1BFF;
	s21 =	sshll.u32 s5, $0x1;
	s3 =	sadd.s32 s20, s19  }
0x9c: {  	s22 =	simm.s32 $0x0;
	s4 =	sshll.u32 s4, $0x1;
	s5 =	sadd.s32 s21, s3  }
0x9d: {  	[timem:s22], [sflag:s6] =	dma.local [hbm:s5], s4  }
0x9e: {  	_ =	swait.ge [sflag:s6], s4  }
0x9f: {  	s4 =	ssub.s32 $0x0, s4;
	[sflag:s6] =	ssyncset.done $0x0  }
0xa0: {  	[sflag:s6] =	ssyncadd.s32 s4;
	_ =	sdelay $0x1  }
0xa1: {  	s23 =	simm.s32 $0x1B8B  }
0xa2: {  	_ =	swait.ge [sflag:s23], $0x1  }
0xa3: {  	[sflag:s23] =	ssyncset.done $0x0  }
0xa4: {  	[sflag:s23] =	ssyncadd.s32 $0xFFFFFFFF  }
0xa5: {  	s4 =	sld [smem:$0x0]  }
0xa6: {  	s5 =	sand.u32 $0xFFFFFFFE, s1  }
0xa7: {  	p0 =	sne.s32 s1, s5  }
0xa8: {  	s5 =	sshll.u32 @p0 s5, $0xE  }
0xa9: {  	s5 =	sadd.s32 @p0 $0x11B8D, s5;
	s6 =	sshll.u32 @p0 s4, $0x11  }
0xaa: {  	s5 =	sor.u32 @p0 s6, s5  }
0xab: {  	[sflag:s5] =	ssyncadd.remote.s32 @p0 $0x1;
	_ =	sdelay $0x1  }
0xac: {  	s5 =	simm.s32 @p0 $0x1B8D  }
0xad: {  	_ =	swait.eq @p0 [sflag:s5], $0x1  }
0xae: {  	[sflag:s5] =	ssyncadd.s32 @p0 $0xFFFFFFFF  }
0xaf: {  	s6 =	sshll.u32 @!p0 s1, $0xE  }
0xb0: {  	s6 =	sor.u32 @!p0 $0x4000, s6;
	s5 =	simm.s32 @!p0 $0x1B8D  }
0xb1: {  	s4 =	sshll.u32 @!p0 s4, $0x11;
	s6 =	sadd.s32 @!p0 $0x11B8D, s6;
	_ =	swait.eq @!p0 [sflag:s5], $0x1  }
0xb2: {  	s4 =	sor.u32 @!p0 s4, s6;
	[sflag:s5] =	ssyncadd.s32 @!p0 $0xFFFFFFFF  }
0xb3: {  	s25 =	simm.s32 $0x1B8E;
	s24 =	sld [smem:$0x3FFE];
	[sflag:s4] =	ssyncadd.remote.s32 @!p0 $0x1  }
0xb4: {  	s26 =	simm.s32 $execute0_lowered;
	[smem:$0x3FD2] =	sst s25  }
0xb5: {  	s5 =	sshll.u32 s26, $0x1;
	_ =	strace $0x8000004F;
	[dreg:$0x1] =	wrdreg $0xFFFFFFFF  }
0xb6: {  	s28 =	simm.s32 $_size_execute0_lowered;
	s3 =	sadd.s32 s3, s5;
	[dreg:$0x0] =	wrdreg $0x0  }
0xb7: {  	s5 =	sshll.u32 s28, $0x1;
	[dreg:$0x2] =	wrdreg s3  }
0xb8: {  	[dreg:$0x3] =	wrdreg s5  }
0xb9: {  	[dreg:$0x4] =	wrdreg $0xC0  }
0xba: {  	_ =	task [dreg:s22], $0x5FFFF  }
0xbb: {  	[dreg:$0x1] =	wrdreg $0xFFFFFFFF  }
0xbc: {  	[dreg:$0x0] =	wrdreg $0x60  }
0xbd: {  	[dreg:$0x2] =	wrdreg s24  }
0xbe: {  	[dreg:$0x3] =	wrdreg $0xC4000  }
0xbf: {  	[dreg:$0x4] =	wrdreg $0xA  }
0xc0: {  	_ =	task.clear_ibuf [dreg:s22], $0x5FFFF;
	_ =	strace $0x9000004F  }
0xc1: {  	s29 =	simm.s32 $0xA;
	_ =	strace $0x80000051  }
0xc2: {  	_ =	swait.ge [sflag:s29], $0x1  }
0xc3: {  	[sflag:s29] =	ssyncadd.s32 $0xFFFFFFFF  }
0xc4: {  	_ =	strace $0x90000051  }
0xc5: {  	_ =	sfence  }
0xc6: {  	s30 =	sld [smem:$0x0];
	_ =	sdelay $0x2  }
0xc7: {  	s31 =	sshll.u32 s1, $0xD;
	s1 =	sshrl.u32 s1, $0x2  }
0xc8: {  	s4 =	sand.u32 $0x4000, s31;
	s1 =	sadd.s32 s1, s30  }
0xc9: {  	s0 =	sor.u32 s4, s0;
	s1 =	sshll.u32 s1, $0x11  }
0xca: {  	s0 =	sor.u32 s1, s0  }
0xcb: {  	s0 =	sadd.s32 $0x8F2B, s0  }
0xcc: {  	[sflag:s0] =	ssyncadd.remote.s32 $0x1  }
0xcd: {  	_ =	sfence.sel $0xFFFF  }
0xce: {  	[dreg:$0x0] =	wrdreg $0xFFFFFFFF;
	(pc) =	sbr.abs _section_cstart, $3  }
0xcf: {  	[dreg:$0x1] =	wrdreg $0xFFFFFFFF  }
0xd0: {  	_ =	task.clear_ibuf [dreg:s22], $0x2FFFF;
	_ =	strace $0x9FFFFFFF  }
0xd1: {  	(tm) =	ssettm $0x7FFFFFFF  }
tec
execute0_lowered:
.L_overlay_start_1:
0x0: {  	(tag) =	ssettag $0x1  }
0x1: {  	s0 =	rddreg [dreg:$0x0]  }
0x2: {  	s1 =	rddreg [dreg:$0x1];
	s2 =	simm.s32 $0x0;
	s3 =	srdreg.scid  }
0x3: {  	s20 =	stileid.u32;
	s28 =	simm.s32 $0x200;
	s29 =	simm.s32 $0x80  }
0x4: {  	s30 =	simm.s32 $0x280;
	s31 =	simm.s32 $0x6;
	[smem:$0x7FF] =	sst s2  }
0x5: {  	s4 =	sadd.s32 $0x17000, s0;
	s6 =	sadd.s32 $0x3600, s0;
	s3 =	sand.u32 $0x1, s3  }
0x6: {  	s8 =	sadd.s32 $0x3E200, s0;
	s10 =	smul.u32 $0x4E000, s20;
	s22 =	sadd.s32 $0x124800, s1  }
0x7: {  	s16 =	smul.u32 $0x2700, s20;
	s0 =	sadd.s32 $0x3B900, s0;
	s25 =	sadd.s32 $0x134800, s1  }
0x8: {  	s17 =	sshll.u32 s20, $0x4;
	s18 =	smul.u32 $0x13800, s20;
	p1 =	seq.s32 s20, $0xF  }
0x9: {  	_ =	strace $0x80000050;
	s5 =	ssub.s32 $0x2, s3;
	[dreg:$0x4] =	wrdreg s22  }
0xa: {  	s9 =	sshll.u32 s3, $0x4;
	p0 =	seq.s32 s3, $0x1;
	[dreg:$0x5] =	wrdreg s0  }
0xb: {  	[dreg:$0x7] =	wrdreg s25;
	s26 =	smul.u32 $0x138800, s3;
	s17 =	sadd.s32 s17, s6  }
0xc: {  	s3 =	smul.u32 $0x27000, s3;
	s7 =	sshrl.u32 s5, $0x1;
	s9 =	sor.u32 s20, s9  }
0xd: {  	s19 =	sshrl.u32 s10, $0x2;
	s21 =	sadd.s32 s4, s16;
	s15 =	ssub.s32 s5, s7  }
0xe: {  	s11 =	smul.u32 $0x2700, s9;
	s5 =	sadd.s32 s19, s1;
	[dreg:$0x3] =	wrdreg s21  }
0xf: {  	s7 =	sshrl.u32 s26, $0x3;
	s19 =	sadd.s32 $0x9C00, s17;
	s0 =	sadd.s32 s18, s26  }
0x10: {  	s21 =	sadd.s32 $0x13840, s17;
	s3 =	sadd.s32 s16, s3;
	p2 =	sgt.u32 s9, $0x3  }
0x11: {  	s9 =	simm.s32 $0x9;
	s16 =	simm.s32 $0x0;
	[dreg:$0x9] =	wrdreg s19  }
0x12: {  	s23 =	sadd.s32 $0x10000, s5;
	s10 =	sadd.s32 s8, s7;
	[dreg:$0xa] =	wrdreg s21  }
0x13: {  	s0 =	sshrl.u32 s0, $0x3;
	s19 =	smax.u32 s15, $0x1;
	s22 =	sadd.s32 $0x100, s3  }
0x14: {  	s3 =	sadd.s32 $0x4E300, s3;
	s26 =	sadd.s32 $0xC000, s5;
	s15 =	simm.s32 $0x7  }
0x15: {  	[dreg:$0x6] =	wrdreg s23;
	s24 =	sshrl.u32 s11, $0x3;
	s10 =	sadd.s32 $0x24900, s10  }
0x16: {  	s0 =	sadd.s32 s8, s0;
	s23 =	sadd.s32 $0x4000, s5;
	[dreg:$0xe] =	wrdreg s26  }
0x17: {  	s25 =	sshrl.u32 s3, $0x3;
	s26 =	simm.s32 $0xB;
	[dreg:$0x8] =	wrdreg s10  }
.Ltmp0:
0x18: {  	s8 =	simm.s32 $0x8;
	[dreg:$0xb] =	wrdreg s0;
	(pc) =	sbr.rel .LBB2_1-.Ltmp0, $4  }
0x19: {  	s11 =	sadd.s32 s6, s24;
	[dreg:$0xc] =	wrdreg s23;
	s0 =	sshrl.u32 s22, $0x3  }
0x1a: {  	s24 =	sadd.s32 $0x8000, s5;
	s21 =	sadd.s32 s25, s6;
	s25 =	simm.s32 $0x400  }
0x1b: {  	s10 =	simm.s32 $0xA;
	s12 =	sadd.s32 $0x9C40, s11;
	s13 =	sadd.s32 $0x10, s11  }
0x1c: {  	v0 =	vimm.f32 $0.0e+00;
	s14 =	sadd.s32 $0x9C50, s11;
	[dreg:$0xd] =	wrdreg s24;
	s24 =	sadd.s32 s0, s6  }
.LBB2_17:
0x1d: {  	s0 =	rddreg [dreg:$0x4]  }
0x1e: {  	s3 =	rddreg [dreg:$0x8];
	s6 =	simm.s32 $0x1FCB;
	s0 =	sshrl.u32 s0, $0x3  }
0x1f: {  	[hbm:s3], [sflag:s6] =	dma.local [spmem:s0], $0x2800  }
0x20: {  	_ =	swait.ge [sflag:s26], $0x2800  }
0x21: {  	[sflag:s26] =	ssyncset.done $0x0  }
0x22: {  	[sflag:s26] =	ssyncadd.s32 $0xFFFFD800  }
.LBB2_18:
0x23: {  	s16 =	sadd.s32 $0x1, s16  }
0x24: {  	p3 =	sne.s32 s16, s19  }
.Ltmp1:
0x25: {  	_ = 	snop;
	(pc) =	sbr.rel @!p3 .LBB2_19-.Ltmp1, $1  }
0x26: {  	_ =	sdelay $0x3  }
.LBB2_1:
.Ltmp2:
0x27: {  	(pc) =	sbr.rel @!p0 .LBB2_2-.Ltmp2, $1  }
0x28: {  	_ =	sdelay $0x3  }
0x29: {  	s0 =	sshra.s32 s2, $0x2;
	s17 =	sadd.s32 $0x200, s2  }
.LBB2_4:
0x2a: {  	p3 =	seq.s32 s17, $0xFE00;
	[tilespmem:s0+$0x470] =	vst v0  }
0x2b: {  	[tilespmem:s0+$0x400] =	vst v0  }
0x2c: {  	[tilespmem:s0+$0x410] =	vst v0  }
.Ltmp3:
0x2d: {  	[tilespmem:s0+$0x420] =	vst v0;
	(pc) =	sbr.rel @!p3 .LBB2_4-.Ltmp3, $4  }
0x2e: {  	[tilespmem:s0+$0x430] =	vst v0  }
0x2f: {  	[tilespmem:s0+$0x440] =	vst v0  }
0x30: {  	[tilespmem:s0+$0x450] =	vst v0  }
0x31: {  	[tilespmem:s0+$0x460] =	vst v0;
	s0 =	sshra.s32 s17, $0x2;
	s17 =	sadd.s32 $0x200, s17  }
0x32: {  	[tilespmem:s0+$0x470] =	vst v0  }
0x33: {  	[tilespmem:s0+$0x400] =	vst v0  }
0x34: {  	[tilespmem:s0+$0x410] =	vst v0  }
0x35: {  	[tilespmem:s0+$0x420] =	vst v0  }
0x36: {  	[tilespmem:s0+$0x430] =	vst v0  }
0x37: {  	[tilespmem:s0+$0x440] =	vst v0  }
0x38: {  	[tilespmem:s0+$0x450] =	vst v0  }
0x39: {  	[tilespmem:s0+$0x460] =	vst v0  }
0x3a: {  	[spmem:s5] =	stream.linear.scatter [tilespmem:s25], [sflag:$0xB], $0x4000, $0x38;
	[tilespmem:$0x1FC80] =	vst v63  }
0x3b: {  	_ =	swait.ge [sflag:s26], $0x4000  }
0x3c: {  	[sflag:s26] =	ssyncset.done $0x0  }
0x3d: {  	s20 =	rddreg [dreg:$0xc];
	[sflag:s26] =	ssyncadd.s32 $0xFFFFC000  }
0x3e: {  	[spmem:s20] =	stream.linear.scatter [tilespmem:s25], [sflag:$0xB], $0x4000, $0x38;
	[tilespmem:$0x1FC80] =	vst v63  }
0x3f: {  	_ =	swait.ge [sflag:s26], $0x4000  }
0x40: {  	[sflag:s26] =	ssyncset.done $0x0  }
0x41: {  	s22 =	rddreg [dreg:$0xd];
	[sflag:s26] =	ssyncadd.s32 $0xFFFFC000  }
0x42: {  	[spmem:s22] =	stream.linear.scatter [tilespmem:s25], [sflag:$0xB], $0x4000, $0x38;
	[tilespmem:$0x1FC80] =	vst v63  }
0x43: {  	_ =	swait.ge [sflag:s26], $0x4000  }
0x44: {  	[sflag:s26] =	ssyncset.done $0x0  }
0x45: {  	s23 =	rddreg [dreg:$0xe];
	[sflag:s26] =	ssyncadd.s32 $0xFFFFC000  }
0x46: {  	[spmem:s23] =	stream.linear.scatter [tilespmem:s25], [sflag:$0xB], $0x4000, $0x38;
	[tilespmem:$0x1FC80] =	vst v63  }
0x47: {  	_ =	swait.ge [sflag:s26], $0x4000  }
0x48: {  	[sflag:s26] =	ssyncset.done $0x0  }
0x49: {  	s0 =	simm.s32 @p1 $0x400;
	s3 =	rddreg [dreg:$0x7];
	[sflag:s26] =	ssyncadd.s32 $0xFFFFC000  }
0x4a: {  	[spmem:s3] =	stream.linear.scatter @p1 [tilespmem:s0], [sflag:$0xB], $0x4000, $0x38;
	[tilespmem:$0x1FC80] =	vst v63  }
0x4b: {  	s0 =	simm.s32 @p1 $0xB  }
0x4c: {  	_ =	swait.ge @p1 [sflag:s0], $0x4000  }
0x4d: {  	[sflag:s0] =	ssyncset.done @p1 $0x0  }
0x4e: {  	s3 =	rddreg [dreg:$0x6];
	[sflag:s0] =	ssyncadd.s32 @p1 $0xFFFFC000;
	s0 =	simm.s32 @!p1 $0x400  }
0x4f: {  	[spmem:s3] =	stream.linear.scatter @!p1 [tilespmem:s0], [sflag:$0xB], $0x3800, $0x38;
	[tilespmem:$0x1FC80] =	vst v63  }
.Ltmp4:
0x50: {  	_ = 	snop;
	(pc) =	sbr.rel .LBB2_6-.Ltmp4, $4  }
0x51: {  	s0 =	simm.s32 @!p1 $0xB  }
0x52: {  	_ =	swait.ge @!p1 [sflag:s0], $0x3800  }
0x53: {  	[sflag:s0] =	ssyncset.done @!p1 $0x0  }
0x54: {  	[sflag:s0] =	ssyncadd.s32 @!p1 $0xFFFFC800  }
.LBB2_2:
0x55: {  	s0 =	rddreg [dreg:$0x4]  }
0x56: {  	s3 =	simm.s32 @p1 $0x1FCB;
	s6 =	rddreg [dreg:$0x5];
	s0 =	sshrl.u32 @p1 s0, $0x3  }
0x57: {  	[spmem:s0], [sflag:s3] =	dma.local @p1 [hbm:s6], $0x2800  }
0x58: {  	s0 =	simm.s32 @p1 $0xB  }
0x59: {  	s3 =	stileid.u32;
	_ =	swait.ge @p1 [sflag:s0], $0x2800  }
0x5a: {  	s3 =	sshll.u32 @!p1 s3, $0x6;
	[sflag:s0] =	ssyncset.done @p1 $0x0;
	s6 =	rddreg [dreg:$0x3]  }
0x5b: {  	[sflag:s0] =	ssyncadd.s32 @p1 $0xFFFFD800;
	s0 =	sor.u32 @!p1 $0x1C0B, s3;
	s3 =	sshrl.u32 @!p1 s5, $0x3  }
0x5c: {  	[spmem:s3], [sflag:s0] =	dma.local @!p1 [hbm:s6], $0x2700  }
0x5d: {  	s0 =	simm.s32 @!p1 $0xB  }
0x5e: {  	_ =	swait.ge @!p1 [sflag:s0], $0x2700  }
0x5f: {  	[sflag:s0] =	ssyncset.done @!p1 $0x0  }
0x60: {  	[sflag:s0] =	ssyncadd.s32 @!p1 $0xFFFFD900  }
.LBB2_6:
0x61: {  	[bflag:$0x0] =	sbarrier.arrive $0xFFFF;
	s17 =	simm.s32 $0x0  }
0x62: {  	[tilespmem:s17], [sflag:$0x1] =	stream.linear.gather [hbm4b:s11+s17], $0x80, $0x38;
	[tilespmem:$0x1FC80] =	vst v63  }
0x63: {  	_ = 	snop  }
0x64: {  	[tilespmem:s28], [sflag:$0x1] =	stream.linear.gather [hbm4b:s12+s17], $0x80, $0x38;
	[tilespmem:$0x1FC80] =	vst v63  }
.Ltmp5:
0x65: {  	_ = 	snop;
	(pc) =	sbr.rel .LBB2_7-.Ltmp5, $4  }
0x66: {  	_ = 	snop  }
0x67: {  	[tilespmem:s29], [sflag:$0x2] =	stream.linear.gather [hbm4b:s13+s17], $0x80, $0x38;
	[tilespmem:$0x1FC80] =	vst v63  }
0x68: {  	s20 =	simm.s32 $0x2;
	s23 =	smov.u32 s21;
	s22 =	smov.u32 s24  }
0x69: {  	[tilespmem:s30], [sflag:$0x2] =	stream.linear.gather [hbm4b:s14+s17], $0x80, $0x38;
	[tilespmem:$0x1FC80] =	vst v63  }
.LBB2_11:
0x6a: {  	s0 =	sand.u32 $0x3, s20  }
0x6b: {  	s3 =	sadd.s32 $0x1, s0;
	s0 =	sshll.u32 s0, $0x7  }
0x6c: {  	[tilespmem:s0], [sflag:s3] =	stream.linear.gather [hbm4b:s22+s2], $0x80, $0x38;
	[tilespmem:$0x1FC80] =	vst v63  }
0x6d: {  	s0 =	sor.u32 $0x200, s0  }
0x6e: {  	[tilespmem:s0], [sflag:s3] =	stream.linear.gather [hbm4b:s23+s2], $0x80, $0x38;
	[tilespmem:$0x1FC80] =	vst v63  }
.LBB2_12:
0x6f: {  	s20 =	sadd.s32 $0x1, s20  }
0x70: {  	p3 =	sne.s32 s20, $0x50  }
.Ltmp6:
0x71: {  	_ = 	snop;
	(pc) =	sbr.rel @!p3 .LBB2_13-.Ltmp6, $2  }
0x72: {  	_ =	sdelay $0x2  }
0x73: {  	s22 =	sadd.s32 $0x10, s22;
	s23 =	sadd.s32 $0x10, s23;
	s17 =	sadd.s32 $0x200, s17  }
.LBB2_7:
0x74: {  	s0 =	sadd.s32 $0xFFFFFFFE, s20  }
0x75: {  	s6 =	sand.u32 $0x3, s0;
	s3 =	smul.u32 $0xAB, s0  }
0x76: {  	s7 =	sadd.s32 $0x1, s6  }
0x77: {  	p3 =	slt.u32 s0, $0x3;
	s3 =	sshrl.u32 s3, $0x9;
	_ =	swait.ge [sflag:s7], $0x80  }
.Ltmp7:
0x78: {  	s3 =	sand.u32 $0x7F, s3;
	[sflag:s7] =	ssyncset.done $0x0;
	(pc) =	sbr.rel @p3 .LBB2_9-.Ltmp7, $4  }
0x79: {  	s3 =	smul.u32 $0x3, s3;
	[sflag:s7] =	ssyncadd.s32 $0xFFFFFF80  }
0x7a: {  	_ =	swait.ge [sflag:s7], $0x80  }
0x7b: {  	s3 =	ssub.s32 s0, s3;
	[sflag:s7] =	ssyncset.done $0x0  }
0x7c: {  	s6 =	sshll.u32 s6, $0x7;
	s3 =	sand.u32 $0xFF, s3;
	[sflag:s7] =	ssyncadd.s32 $0xFFFFFF80  }
.Ltmp8:
0x7d: {  	s7 =	sadd.s32 $0x8, s3;
	(pc) =	sbr.rel .LBB2_10-.Ltmp8, $4  }
0x7e: {  	_ =	swait.ge [sflag:s7], $0x4000  }
0x7f: {  	s18 =	sshll.u32 s3, $0xE;
	[sflag:s7] =	ssyncset.done $0x0  }
0x80: {  	[sflag:s7] =	ssyncadd.s32 $0xFFFFC000;
	s7 =	sor.u32 $0x400, s18;
	s18 =	sadd.s32 $0x5, s3  }
0x81: {  	[tilespmem:s7], [sflag:s18] =	stream.indirect.gather [hbm4b:s4+s29], $0x80, s6, s29, $0xb8;
	[tilespmem:$0x1FC80] =	vst v63  }
.LBB2_9:
0x82: {  	p3 =	sne.s32 s20, $0x4  }
.Ltmp9:
0x83: {  	_ = 	snop;
	(pc) =	sbr.rel @p3 .LBB2_11-.Ltmp9, $4  }
0x84: {  	_ = 	snop  }
0x85: {  	s7 =	sshll.u32 s3, $0xE  }
0x86: {  	s18 =	sadd.s32 $0x5, s3;
	s7 =	sor.u32 $0x400, s7  }
0x87: {  	[tilespmem:s7], [sflag:s18] =	stream.indirect.gather [hbm4b:s4+s29], $0x80, s6, s29, $0xb8;
	[tilespmem:$0x1FC80] =	vst v63  }
.LBB2_10:
0x88: {  	s3 =	sadd.s32 $0x1, s0  }
0x89: {  	s6 =	sand.u32 $0xFF, s3  }
0x8a: {  	s6 =	smul.u32 $0xAB, s6;
	_ =	sdelay $0x1  }
0x8b: {  	s6 =	sshrl.u32 s6, $0x9  }
0x8c: {  	s6 =	smul.u32 $0x3, s6;
	_ =	sdelay $0x1  }
0x8d: {  	s3 =	ssub.s32 s3, s6  }
0x8e: {  	s3 =	sand.u32 $0xFF, s3  }
0x8f: {  	p3 =	sgt.u32 s0, $0x4B;
	s18 =	sadd.s32 $0x5, s3  }
.Ltmp10:
0x90: {  	s7 =	sand.u32 $0x600, s17;
	_ =	swait.ge [sflag:s18], $0x4000;
	(pc) =	sbr.rel @p3 .LBB2_12-.Ltmp10, $4  }
.Ltmp11:
0x91: {  	s7 =	sxor.u32 $0x400, s7;
	[sflag:s18] =	ssyncset.done $0x0;
	(pc) =	sbr.rel @!p3 .LBB2_11-.Ltmp11, $4  }
0x92: {  	s7 =	sshrl.u32 s7, $0x2;
	[sflag:s18] =	ssyncadd.s32 $0xFFFFC000;
	s18 =	sshll.u32 s3, $0xE  }
0x93: {  	s7 =	sor.u32 $0x200, s7;
	s3 =	sor.u32 $0x8, s3;
	s6 =	sor.u32 $0x400, s18  }
0x94: {  	[spmem:s1] =	stream.indirect.scatter.add.f32 [tilespmem:s6], [sflag:s3], $0x80, s7, s29, $0xb8;
	[tilespmem:$0x1FC80] =	vst v63  }
0x95: {  	_ = 	snop  }
.LBB2_13:
0x96: {  	_ =	swait.ge [sflag:s31], $0x4000  }
0x97: {  	[sflag:s31] =	ssyncset.done $0x0  }
0x98: {  	s0 =	simm.s32 $0x4400;
	[sflag:s31] =	ssyncadd.s32 $0xFFFFC000  }
0x99: {  	[spmem:s1] =	stream.indirect.scatter.add.f32 [tilespmem:s0], [sflag:$0x9], $0x80, s28, s29, $0xb8;
	[tilespmem:$0x1FC80] =	vst v63  }
0x9a: {  	_ =	swait.ge [sflag:s15], $0x4000  }
0x9b: {  	[sflag:s15] =	ssyncset.done $0x0  }
0x9c: {  	s23 =	simm.s32 $0x8400;
	[sflag:s15] =	ssyncadd.s32 $0xFFFFC000  }
0x9d: {  	[spmem:s1] =	stream.indirect.scatter.add.f32 [tilespmem:s23], [sflag:$0xA], $0x80, s30, s29, $0xb8;
	[tilespmem:$0x1FC80] =	vst v63  }
0x9e: {  	_ =	swait.ge [sflag:s8], $0x4000  }
0x9f: {  	[sflag:s8] =	ssyncset.done $0x0  }
0xa0: {  	[sflag:s8] =	ssyncadd.s32 $0xFFFFC000  }
0xa1: {  	_ =	swait.ge [sflag:s9], $0x4000  }
.Ltmp12:
0xa2: {  	[sflag:s9] =	ssyncset.done $0x0;
	(pc) =	sbr.rel @p2 .LBB2_15-.Ltmp12, $4  }
0xa3: {  	[sflag:s9] =	ssyncadd.s32 $0xFFFFC000  }
0xa4: {  	_ =	swait.ge [sflag:s10], $0x4000  }
0xa5: {  	[sflag:s10] =	ssyncset.done $0x0  }
0xa6: {  	[sflag:s10] =	ssyncadd.s32 $0xFFFFC000  }
0xa7: {  	s0 =	rddreg [dreg:$0x9]  }
0xa8: {  	[tilespmem:s2], [sflag:$0xB] =	stream.linear.gather [hbm4b:s0+s2], $0x80, $0x38;
	[tilespmem:$0x1FC80] =	vst v63  }
0xa9: {  	_ =	swait.ge [sflag:s26], $0x80  }
0xaa: {  	[sflag:s26] =	ssyncset.done $0x0  }
0xab: {  	s23 =	rddreg [dreg:$0xa];
	[sflag:s26] =	ssyncadd.s32 $0xFFFFFF80  }
0xac: {  	[tilespmem:s28], [sflag:$0xB] =	stream.linear.gather [hbm4b:s23+s2], $0x80, $0x38;
	[tilespmem:$0x1FC80] =	vst v63  }
0xad: {  	_ =	swait.ge [sflag:s26], $0x80  }
0xae: {  	[sflag:s26] =	ssyncset.done $0x0  }
0xaf: {  	[sflag:s26] =	ssyncadd.s32 $0xFFFFFF80  }
0xb0: {  	[tilespmem:s25], [sflag:$0xB] =	stream.indirect.gather [hbm4b:s4+s29], $0x80, s2, s29, $0xb8;
	[tilespmem:$0x1FC80] =	vst v63  }
0xb1: {  	_ =	swait.ge [sflag:s26], $0x4000  }
0xb2: {  	[sflag:s26] =	ssyncset.done $0x0  }
0xb3: {  	[sflag:s26] =	ssyncadd.s32 $0xFFFFC000  }
0xb4: {  	[spmem:s1] =	stream.indirect.scatter.add.f32 [tilespmem:s25], [sflag:$0xB], $0x80, s28, s29, $0xb8;
	[tilespmem:$0x1FC80] =	vst v63  }
.Ltmp13:
0xb5: {  	_ =	swait.ge [sflag:s26], $0x4000;
	(pc) =	sbr.rel .LBB2_16-.Ltmp13, $3  }
0xb6: {  	[sflag:s26] =	ssyncset.done $0x0  }
0xb7: {  	[sflag:s26] =	ssyncadd.s32 $0xFFFFC000  }
0xb8: {  	[bflag:$0x0] =	sbarrier.arrive $0xFFFF;
	_ =	sdelay $0x1  }
.LBB2_15:
.Ltmp14:
0xb9: {  	(pc) =	sbr.rel @p1 .LBB2_17-.Ltmp14, $2  }
0xba: {  	_ =	sdelay $0x1  }
0xbb: {  	[bflag:$0x0] =	sbarrier.arrive $0xFFFF;
	_ =	sdelay $0x1  }
.LBB2_16:
0xbc: {  	s0 =	stileid.u32  }
0xbd: {  	s3 =	sshrl.u32 s5, $0x3;
	s0 =	sshll.u32 s0, $0x6  }
.Ltmp15:
0xbe: {  	s6 =	rddreg [dreg:$0xb];
	s0 =	sor.u32 $0x1C0B, s0;
	(pc) =	sbr.rel .LBB2_18-.Ltmp15, $4  }
0xbf: {  	[hbm:s6], [sflag:s0] =	dma.local [spmem:s3], $0x2700  }
0xc0: {  	_ =	swait.ge [sflag:s26], $0x2700  }
0xc1: {  	[sflag:s26] =	ssyncset.done $0x0  }
0xc2: {  	[sflag:s26] =	ssyncadd.s32 $0xFFFFD900  }
.LBB2_19:
0xc3: {  	_ =	sfence.sel $0x180000  }
0xc4: {  	[bflag:$0x0] =	sbarrier.arrive $0xFFFF  }
0xc5: {  	_ =	strace $0x90000050  }
0xc6: {  	s0 =	stileid.u32;
	[bflag:$0x2] =	sbarrier.arrive $0xFFFF  }
0xc7: {  	p0 =	sne.s32 s0, $0x0;
	s0 =	rddreg [dreg:$0x2]  }
0xc8: {  	s0 =	sadd.s32 @!p0 $0x100000, s0  }
0xc9: {  	[sflag:s0] =	ssyncadd.tile.s32 @!p0 $0x1;
	_ =	shalt  }
.Lfunc_end2:
_tile_overlayer_lowered:
.L_overlay_start_2:
0xca: {  	(tag) =	ssettag $0x2  }
0xcb: {  	s0 =	rddreg [dreg:$0x0];
	s2 =	stileid.u32  }
0xcc: {  	s1 =	rddreg [dreg:$0x1];
	p0 =	sne.s32 s2, $0x0  }
0xcd: {  	s3 =	rddreg [dreg:$0x2];
	[bflag:$0x3] =	sbarrier.arrive $0xFFFF;
	s2 =	simm.s32 @!p0 $0x1C0B  }
0xce: {  	[timem:s3], [sflag:s2] =	dma.local @!p0 [hbm:s0], s1  }
0xcf: {  	s0 =	simm.s32 @!p0 $0xB  }
0xd0: {  	_ =	swait.ge @!p0 [sflag:s0], s1  }
0xd1: {  	s1 =	ssub.s32 @!p0 $0x0, s1;
	[sflag:s0] =	ssyncset.done @!p0 $0x0  }
0xd2: {  	[sflag:s0] =	ssyncadd.s32 @!p0 s1  }
0xd3: {  	[bflag:$0x3] =	sbarrier.arrive $0xFFFF  }
0xd4: {  	_ =	shalt  }

// kernel: kernel.9.cloned.1.call-start
scs
__scs_entry_jumppad:
0x0: {  	(pc) =	sbr.rel $0x88, $3  }
0x1: {  	(tag) =	ssettag $0x0;
	lr =	simm.s32 $0x1  }
0x2: {  	[smem:$0x3F93] =	sst lr;
	_ =	strace $0xD0000000  }
0x3: {  	_ = 	snop  }
0x4: {  	_ = 	snop  }
0x5: {  	_ = 	snop  }
0x6: {  	_ = 	snop  }
0x7: {  	_ = 	snop  }
__scs_overlays_trampoline_lowered:
0x8: {  	[smem:$0x3FA2] =	sst s0  }
0x9: {  	[smem:$0x3FA3] =	sst s1  }
0xa: {  	[smem:$0x3FA4] =	sst s2  }
0xb: {  	[smem:$0x3FA5] =	sst s3  }
0xc: {  	[smem:$0x3FA6] =	sst s4  }
0xd: {  	[smem:$0x3FA7] =	sst s5  }
0xe: {  	[smem:$0x3FA8] =	sst s6  }
0xf: {  	[smem:$0x3FA9] =	sst s7  }
0x10: {  	[smem:$0x3FAA] =	sst s8  }
0x11: {  	[smem:$0x3FAB] =	sst s9;
	s0 =	simm.s32 @!p0 $0x0  }
0x12: {  	s1 =	sld [smem:$0x3F91];
	s0 =	simm.s32 @p0 $0x1  }
0x13: {  	[smem:$0x3FAC] =	sst s0;
	s0 =	simm.s32 @!p1 $0x0  }
0x14: {  	s2 =	sld [smem:$0x3F90];
	s0 =	simm.s32 @p1 $0x1  }
0x15: {  	[smem:$0x3FAD] =	sst s0;
	s0 =	simm.s32 @!p2 $0x0  }
0x16: {  	s3 =	sld [smem:$0x3FDB];
	s0 =	simm.s32 @p2 $0x1  }
0x17: {  	s4 =	simm.s32 $0x1BF5;
	[smem:$0x3FAF] =	sst s0  }
0x18: {  	s0 =	sld [smem:$0x3F92];
	_ =	swait.ge [sflag:s4], $0x0  }
0x19: {  	s7 =	sld [smem:$0x3F93]  }
0x1a: {  	s8 =	sadd.s32 $0xFFFFE003, lr  }
0x1b: {  	s9 =	sadd.s32 $0xFFFFFEF7, lr;
	s5 =	simm.s32 $0xFFFFFFFF;
	p2 =	slt.u32 s8, $0xFFFFF086  }
0x1c: {  	p1 =	slt.u32 s9, $0xF7A;
	s5 =	simm.s32 @!p2 $0x0  }
0x1d: {  	s5 =	simm.s32 @p1 $0x1;
	p0 =	seq.s32 s7, s2  }
0x1e: {  	s7 =	smul.u32 @!p0 $0xF7A, s2;
	p2 =	seq.s32 @!p0 s5, $0x0  }
0x1f: {  	s9 =	smul.u32 $0xF7A, s1;
	s8 =	simm.s32 @!p0 $0x1BF5;
	p2 =	por !p2, p0  }
0x20: {  	[sflag:s8] =	ssyncset.s32 @!p0 $0xFFFFF086;
	s6 =	sadd.s32 @!p0 s3, s7;
	s7 =	simm.s32 @!p0 $0x108  }
0x21: {  	s3 =	sadd.s32 s3, s9;
	s6 =	sadd.s32 @!p0 $0x88, s6;
	s7 =	simm.s32 @p2 $0x1082  }
0x22: {  	[simem:s7], [sflag:s8] =	dma.local @!p0 [hbm:s6], $0xF7A  }
0x23: {  	s9 =	sor.u32 $0xD0000000, s2;
	s6 =	simm.s32 $0x108;
	_ =	swait.ge @!p0 [sflag:s8], $0x0  }
0x24: {  	s3 =	sadd.s32 $0x88, s3;
	s6 =	simm.s32 @!p1 $0x1082;
	[sflag:s4] =	ssyncset.s32 $0xFFFFF086  }
0x25: {  	[simem:s6], [sflag:s4] =	dma.local [hbm:s3], $0xF7A  }
0x26: {  	[smem:$0x3F93] =	sst s1;
	(tag) =	ssettag s2;
	_ =	strace s9  }
0x27: {  	s1 =	sld [smem:$0x3FA3]  }
0x28: {  	s2 =	sld [smem:$0x3FA4]  }
0x29: {  	s4 =	sld [smem:$0x3FA6]  }
0x2a: {  	p0 =	seq.s32 s5, $0x0;
	s5 =	sld [smem:$0x3FA7]  }
0x2b: {  	s6 =	sld [smem:$0x3FA8]  }
0x2c: {  	s7 =	sld [smem:$0x3FA9]  }
0x2d: {  	s3 =	simm.s32 $0x108;
	s8 =	sld [smem:$0x3FAA]  }
0x2e: {  	s3 =	simm.s32 @!p0 $0x1082;
	s9 =	sld [smem:$0x3FAB]  }
0x2f: {  	lr =	sadd.s32 s0, s3;
	s0 =	sld [smem:$0x3FA2]  }
0x30: {  	s3 =	sld [smem:$0x3FA5]  }
0x31: {  	[smem:$0x3FAE] =	sst s10  }
0x32: {  	s10 =	sld [smem:$0x3FAC];
	_ =	sdelay $0x3  }
0x33: {  	p0 =	seq.s32 s10, $0x1;
	s10 =	sld [smem:$0x3FAE];
	_ =	sdelay $0x3  }
0x34: {  	[smem:$0x3FAE] =	sst s10  }
0x35: {  	s10 =	sld [smem:$0x3FAD];
	_ =	sdelay $0x3  }
0x36: {  	p1 =	seq.s32 s10, $0x1;
	s10 =	sld [smem:$0x3FAE];
	_ =	sdelay $0x3  }
0x37: {  	[smem:$0x3FAE] =	sst s10  }
0x38: {  	s10 =	sld [smem:$0x3FAF]  }
0x39: {  	_ = 	snop;
	(pc) =	sbr.ind lr, $3  }
0x3a: {  	_ = 	snop  }
0x3b: {  	_ = 	snop  }
0x3c: {  	p2 =	seq.s32 s10, $0x1;
	s10 =	sld [smem:$0x3FAE]  }
0x3d: {  	_ =	shalt  }
0x3e: {  	_ =	shalt  }
0x3f: {  	_ =	shalt  }
0x40: {  	_ =	shalt  }
0x41: {  	_ =	shalt  }
0x42: {  	_ =	shalt  }
0x43: {  	_ =	shalt  }
0x44: {  	_ =	shalt  }
0x45: {  	_ =	shalt  }
0x46: {  	_ =	shalt  }
0x47: {  	_ =	shalt  }
0x48: {  	_ =	shalt  }
0x49: {  	_ =	shalt  }
0x4a: {  	_ =	shalt  }
0x4b: {  	_ =	shalt  }
0x4c: {  	_ =	shalt  }
0x4d: {  	_ =	shalt  }
0x4e: {  	_ =	shalt  }
0x4f: {  	_ =	shalt  }
0x50: {  	_ =	shalt  }
0x51: {  	_ =	shalt  }
0x52: {  	_ =	shalt  }
0x53: {  	_ =	shalt  }
0x54: {  	_ =	shalt  }
0x55: {  	_ =	shalt  }
0x56: {  	_ =	shalt  }
0x57: {  	_ =	shalt  }
0x58: {  	_ =	shalt  }
0x59: {  	_ =	shalt  }
0x5a: {  	_ =	shalt  }
0x5b: {  	_ =	shalt  }
0x5c: {  	_ =	shalt  }
0x5d: {  	_ =	shalt  }
0x5e: {  	_ =	shalt  }
0x5f: {  	_ =	shalt  }
0x60: {  	_ =	shalt  }
0x61: {  	_ =	shalt  }
0x62: {  	_ =	shalt  }
0x63: {  	_ =	shalt  }
0x64: {  	_ =	shalt  }
0x65: {  	_ =	shalt  }
0x66: {  	_ =	shalt  }
0x67: {  	_ =	shalt  }
0x68: {  	_ =	shalt  }
0x69: {  	_ =	shalt  }
0x6a: {  	_ =	shalt  }
0x6b: {  	_ =	shalt  }
0x6c: {  	_ =	shalt  }
0x6d: {  	_ =	shalt  }
0x6e: {  	_ =	shalt  }
0x6f: {  	_ =	shalt  }
0x70: {  	_ =	shalt  }
0x71: {  	_ =	shalt  }
0x72: {  	_ =	shalt  }
0x73: {  	_ =	shalt  }
0x74: {  	_ =	shalt  }
0x75: {  	_ =	shalt  }
0x76: {  	_ =	shalt  }
0x77: {  	_ =	shalt  }
0x78: {  	_ =	shalt  }
0x79: {  	_ =	shalt  }
0x7a: {  	_ =	shalt  }
0x7b: {  	_ =	shalt  }
0x7c: {  	_ =	shalt  }
0x7d: {  	_ =	shalt  }
0x7e: {  	_ =	shalt  }
0x7f: {  	_ =	shalt  }
0x80: {  	_ =	shalt  }
0x81: {  	_ =	shalt  }
0x82: {  	_ =	shalt  }
0x83: {  	_ =	shalt  }
0x84: {  	_ =	shalt  }
0x85: {  	_ =	shalt  }
0x86: {  	_ =	shalt  }
0x87: {  	_ =	shalt  }
.Lfunc_end0:
.L_simem_size_0:
called_computation_lowered:
.L_overlay_start_0:
0x88: {  	s2 =	sld [smem:$0x3FD9]  }
0x89: {  	s3 =	sld [smem:$0x3FFE];
	_ =	sdelay $0x1  }
0x8a: {  	s1 =	srdreg.scid  }
0x8b: {  	s0 =	sand.u32 $0x1, s1  }
0x8c: {  	s16 =	sshll.u32 s0, $0xA;
	s2 =	sadd.s32 s3, s2  }
0x8d: {  	s2 =	sadd.s32 s2, s16  }
0x8e: {  	[smem:$0x3FBA] =	sst s2  }
0x8f: {  	_ = 	snop  }
0x90: {  	(tm) =	ssettm $0x1  }
0x91: {  	s17 =	sld [smem:$0x3FFB];
	_ =	sdelay $0x3  }
0x92: {  	_ =	strace s17  }
0x93: {  	s2 =	sld [smem:$0x3FFC];
	_ =	sdelay $0x3  }
0x94: {  	_ =	strace s2  }
0x95: {  	s2 =	sld [smem:$0x3FFD];
	_ =	sdelay $0x3  }
0x96: {  	_ =	strace s2  }
0x97: {  	_ =	strace $0x8FFFFFFF  }
0x98: {  	s18 =	sld [smem:$0x3FDB];
	_ =	sdelay $0x1  }
0x99: {  	s19 =	simm.s32 $_scs_section_size  }
0x9a: {  	s4 =	simm.s32 $_size__tile_overlayer_lowered;
	s5 =	simm.s32 $_tile_overlayer_lowered  }
0x9b: {  	s22 =	simm.s32 $0x1BFF;
	s21 =	sshll.u32 s5, $0x1;
	s2 =	sadd.s32 s19, s18  }
0x9c: {  	s6 =	simm.s32 $0x0;
	s20 =	sshll.u32 s4, $0x1;
	s4 =	sadd.s32 s21, s2  }
0x9d: {  	[timem:s6], [sflag:s22] =	dma.local [hbm:s4], s20  }
0x9e: {  	_ =	swait.ge [sflag:s22], s20  }
0x9f: {  	s3 =	ssub.s32 $0x0, s20;
	[sflag:s22] =	ssyncset.done $0x0  }
0xa0: {  	[sflag:s22] =	ssyncadd.s32 s3;
	_ =	sdelay $0x1  }
0xa1: {  	s23 =	simm.s32 $0x1B8B  }
0xa2: {  	_ =	swait.ge [sflag:s23], $0x1  }
0xa3: {  	[sflag:s23] =	ssyncset.done $0x0  }
0xa4: {  	s25 =	simm.s32 $0x1B8E;
	s24 =	sld [smem:$0x3FFE];
	[sflag:s23] =	ssyncadd.s32 $0xFFFFFFFF  }
0xa5: {  	s26 =	simm.s32 $execute0_lowered;
	[smem:$0x3FD2] =	sst s25  }
0xa6: {  	s4 =	sshll.u32 s26, $0x1;
	_ =	strace $0x80000046;
	[dreg:$0x1] =	wrdreg $0xFFFFFFFF  }
0xa7: {  	s28 =	simm.s32 $_size_execute0_lowered;
	s2 =	sadd.s32 s2, s4;
	[dreg:$0x0] =	wrdreg $0x0  }
0xa8: {  	s4 =	sshll.u32 s28, $0x1;
	[dreg:$0x2] =	wrdreg s2  }
0xa9: {  	[dreg:$0x3] =	wrdreg s4  }
0xaa: {  	[dreg:$0x4] =	wrdreg $0xC0  }
0xab: {  	_ =	task [dreg:s6], $0x5FFFF  }
0xac: {  	[dreg:$0x1] =	wrdreg $0xFFFFFFFF  }
0xad: {  	[dreg:$0x0] =	wrdreg $0x60  }
0xae: {  	[dreg:$0x2] =	wrdreg s24  }
0xaf: {  	[dreg:$0x3] =	wrdreg $0x28000  }
0xb0: {  	[dreg:$0x4] =	wrdreg $0x9  }
0xb1: {  	_ =	task.clear_ibuf [dreg:s6], $0x5FFFF;
	_ =	strace $0x90000046  }
0xb2: {  	s29 =	simm.s32 $0x9;
	_ =	strace $0x80000048  }
0xb3: {  	_ =	swait.ge [sflag:s29], $0x1  }
0xb4: {  	[sflag:s29] =	ssyncadd.s32 $0xFFFFFFFF  }
0xb5: {  	_ =	strace $0x90000048  }
0xb6: {  	_ =	sfence  }
0xb7: {  	s30 =	sld [smem:$0x0];
	_ =	sdelay $0x2  }
0xb8: {  	s31 =	sshll.u32 s1, $0xD;
	s1 =	sshrl.u32 s1, $0x2  }
0xb9: {  	s3 =	sand.u32 $0x4000, s31;
	s1 =	sadd.s32 s1, s30  }
0xba: {  	s0 =	sor.u32 s3, s0;
	s1 =	sshll.u32 s1, $0x11  }
0xbb: {  	s0 =	sor.u32 s1, s0  }
0xbc: {  	s0 =	sadd.s32 $0x8F2B, s0  }
0xbd: {  	[sflag:s0] =	ssyncadd.remote.s32 $0x1  }
0xbe: {  	_ =	sfence.sel $0xFFFF  }
0xbf: {  	[dreg:$0x0] =	wrdreg $0xFFFFFFFF;
	(pc) =	sbr.abs _section_cstart, $3  }
0xc0: {  	[dreg:$0x1] =	wrdreg $0xFFFFFFFF  }
0xc1: {  	_ =	task.clear_ibuf [dreg:s6], $0x2FFFF;
	_ =	strace $0x9FFFFFFF  }
0xc2: {  	(tm) =	ssettm $0x7FFFFFFF  }
0xc3: {  	_ =	shalt  }
tec
execute0_lowered:
.L_overlay_start_1:
0x0: {  	(tag) =	ssettag $0x1  }
0x1: {  	s0 =	srdreg.scid;
	s4 =	rddreg [dreg:$0x0]  }
0x2: {  	s10 =	stileid.u32;
	s1 =	rddreg [dreg:$0x1];
	s2 =	simm.s32 $0x0  }
0x3: {  	s11 =	simm.s32 $0x1;
	s12 =	simm.s32 $0x50;
	s3 =	sand.u32 $0x1, s0  }
0x4: {  	s13 =	simm.s32 $0x2A80;
	s14 =	simm.s32 $0x0;
	s0 =	sshll.u32 s3, $0x4  }
0x5: {  	[smem:$0x7FF] =	sst s2;
	s6 =	smul.u32 $0x500, s3;
	s5 =	sor.u32 s10, s0  }
0x6: {  	p0 =	sne.s32 s10, $0x0;
	s3 =	ssub.s32 $0x2, s3;
	s5 =	smul.u32 $0x2710, s5  }
0x7: {  	s0 =	rddreg [dreg:$0x2];
	_ =	strace $0x80000047;
	s7 =	sshrl.u32 s3, $0x1  }
0x8: {  	s10 =	simm.s32 $0x2B00;
	s6 =	sadd.s32 s6, s4;
	s5 =	sshrl.u32 s5, $0x3  }
0x9: {  	v0 =	vlaneseq.u32;
	s31 =	ssub.s32 s3, s7;
	s3 =	sadd.s32 $0x17000, s6;
	s9 =	sadd.s32 s5, s4  }
0xa: {  	v1 =	vimm.f32 $0.0e+00;
	v6 =	vimm.f32 $1.000000000e+00;
	v2 =	vor.u32 $0x10, v0;
	s4 =	smax.u32 s31, $0x1;
	s5 =	sadd.s32 $0xD240, s9;
	s6 =	sadd.s32 $0xD33A, s9  }
0xb: {  	v3 =	vor.u32 $0x20, v0;
	v4 =	vor.u32 $0x30, v0;
	v5 =	vor.u32 $0x40, v0;
	s7 =	sadd.s32 $0xD434, s9;
	s8 =	sadd.s32 $0xD52E, s9;
	s9 =	sadd.s32 $0xD628, s9  }
.LBB2_1:
0xc: {  	s15 =	simm.s32 $0x70;
	s16 =	simm.s32 $0x3C0  }
.LBB2_2:
0xd: {  	p1 =	sne.s32 s16, $0x9FC0;
	[tilespmem:s15+$0x0] =	vst v1  }
0xe: {  	[tilespmem:s15+$0xFFFFFF90] =	vst v1  }
0xf: {  	[tilespmem:s15+$0xFFFFFFA0] =	vst v1  }
.Ltmp0:
0x10: {  	[tilespmem:s15+$0xFFFFFFB0] =	vst v1;
	(pc) =	sbr.rel @p1 .LBB2_2-.Ltmp0, $4  }
0x11: {  	[tilespmem:s15+$0xFFFFFFC0] =	vst v1  }
0x12: {  	[tilespmem:s15+$0xFFFFFFD0] =	vst v1  }
0x13: {  	[tilespmem:s15+$0xFFFFFFE0] =	vst v1  }
0x14: {  	[tilespmem:s15+$0xFFFFFFF0] =	vst v1;
	s15 =	sshra.s32 s16, $0x2;
	s16 =	sadd.s32 $0x200, s16  }
0x15: {  	[tilespmem:s15+$0x0] =	vst v1  }
0x16: {  	[tilespmem:s15+$0xFFFFFF90] =	vst v1  }
0x17: {  	[tilespmem:s15+$0xFFFFFFA0] =	vst v1  }
0x18: {  	[tilespmem:s15+$0xFFFFFFB0] =	vst v1  }
0x19: {  	[tilespmem:s15+$0xFFFFFFC0] =	vst v1  }
0x1a: {  	[tilespmem:s15+$0xFFFFFFD0] =	vst v1  }
0x1b: {  	[tilespmem:s15+$0xFFFFFFE0] =	vst v1  }
0x1c: {  	[tilespmem:s15+$0xFFFFFFF0] =	vst v1  }
0x1d: {  	[tilespmem:$0x2A80] =	vst v0  }
0x1e: {  	[tilespmem:$0x2A90] =	vst v2  }
0x1f: {  	[tilespmem:$0x2AA0] =	vst v3  }
0x20: {  	[tilespmem:$0x2AB0] =	vst v4  }
0x21: {  	s15 =	simm.s32 @!p0 $0x0;
	[tilespmem:$0x2AC0] =	vst v5  }
0x22: {  	[spmem:s1] =	stream.linear.scatter @!p0 [tilespmem:s15], [sflag:$0x1], $0x2800, $0x38;
	[tilespmem:$0x3300] =	vst v63  }
0x23: {  	s15 =	simm.s32 @!p0 $0x1  }
0x24: {  	_ =	swait.ge @!p0 [sflag:s15], $0x2800  }
0x25: {  	[sflag:s15] =	ssyncset.done @!p0 $0x0  }
0x26: {  	[sflag:s15] =	ssyncadd.s32 @!p0 $0xFFFFD800  }
0x27: {  	s31 =	simm.s32 $0x0;
	[bflag:$0x0] =	sbarrier.arrive $0xFFFF  }
0x28: {  	[tilespmem:s10], [sflag:$0x1] =	stream.linear.gather [hbm4b:s5+s31], $0x7D0, $0x38;
	[tilespmem:$0x3300] =	vst v63  }
0x29: {  	_ =	swait.ge [sflag:s11], $0x7D0  }
0x2a: {  	[sflag:s11] =	ssyncset.done $0x0  }
0x2b: {  	s16 =	simm.s32 $0x0;
	s15 =	simm.s32 $0x40;
	[sflag:s11] =	ssyncadd.s32 $0xFFFFF830  }
.LBB2_4:
0x2c: {  	p1 =	sne.s32 s15, $0x1F00;
	v7 =	vld [tilespmem:s16+$0x2B00];
	_ =	sdelay $0x3  }
.Ltmp1:
0x2d: {  	(pc) =	sbr.rel @p1 .LBB2_4-.Ltmp1, $2  }
0x2e: {  	_ =	sdelay $0x2  }
0x2f: {  	s16 =	sshra.s32 s15, $0x2;
	s15 =	sadd.s32 $0x40, s15;
	[tilespmem:v7+s2+$0x0] =	vst.idx.add.f32.msk $0xffff, v6  }
0x30: {  	v7 =	vld [tilespmem:s16+$0x2B00];
	_ =	sdelay $0x7  }
0x31: {  	s15 =	simm.s32 $0x0;
	[tilespmem:v7+s2+$0x0] =	vst.idx.add.f32.msk $0xffff, v6  }
0x32: {  	[tilespmem:s10], [sflag:$0x1] =	stream.linear.gather [hbm4b:s6+s15], $0x7D0, $0x38;
	[tilespmem:$0x3300] =	vst v63  }
0x33: {  	_ =	swait.ge [sflag:s11], $0x7D0  }
0x34: {  	[sflag:s11] =	ssyncset.done $0x0  }
0x35: {  	s16 =	simm.s32 $0x0;
	s15 =	simm.s32 $0x40;
	[sflag:s11] =	ssyncadd.s32 $0xFFFFF830  }
.LBB2_6:
0x36: {  	p1 =	sne.s32 s15, $0x1F00;
	v7 =	vld [tilespmem:s16+$0x2B00];
	_ =	sdelay $0x3  }
.Ltmp2:
0x37: {  	(pc) =	sbr.rel @p1 .LBB2_6-.Ltmp2, $2  }
0x38: {  	_ =	sdelay $0x2  }
0x39: {  	s16 =	sshra.s32 s15, $0x2;
	s15 =	sadd.s32 $0x40, s15;
	[tilespmem:v7+s2+$0x0] =	vst.idx.add.f32.msk $0xffff, v6  }
0x3a: {  	v7 =	vld [tilespmem:s16+$0x2B00];
	_ =	sdelay $0x7  }
0x3b: {  	s15 =	simm.s32 $0x0;
	[tilespmem:v7+s2+$0x0] =	vst.idx.add.f32.msk $0xffff, v6  }
0x3c: {  	[tilespmem:s10], [sflag:$0x1] =	stream.linear.gather [hbm4b:s7+s15], $0x7D0, $0x38;
	[tilespmem:$0x3300] =	vst v63  }
0x3d: {  	_ =	swait.ge [sflag:s11], $0x7D0  }
0x3e: {  	[sflag:s11] =	ssyncset.done $0x0  }
0x3f: {  	s16 =	simm.s32 $0x0;
	s15 =	simm.s32 $0x40;
	[sflag:s11] =	ssyncadd.s32 $0xFFFFF830  }
.LBB2_8:
0x40: {  	p1 =	sne.s32 s15, $0x1F00;
	v7 =	vld [tilespmem:s16+$0x2B00];
	_ =	sdelay $0x3  }
.Ltmp3:
0x41: {  	(pc) =	sbr.rel @p1 .LBB2_8-.Ltmp3, $2  }
0x42: {  	_ =	sdelay $0x2  }
0x43: {  	s16 =	sshra.s32 s15, $0x2;
	s15 =	sadd.s32 $0x40, s15;
	[tilespmem:v7+s2+$0x0] =	vst.idx.add.f32.msk $0xffff, v6  }
0x44: {  	v7 =	vld [tilespmem:s16+$0x2B00];
	_ =	sdelay $0x7  }
0x45: {  	s15 =	simm.s32 $0x0;
	[tilespmem:v7+s2+$0x0] =	vst.idx.add.f32.msk $0xffff, v6  }
0x46: {  	[tilespmem:s10], [sflag:$0x1] =	stream.linear.gather [hbm4b:s8+s15], $0x7D0, $0x38;
	[tilespmem:$0x3300] =	vst v63  }
0x47: {  	_ =	swait.ge [sflag:s11], $0x7D0  }
0x48: {  	[sflag:s11] =	ssyncset.done $0x0  }
0x49: {  	s16 =	simm.s32 $0x0;
	s15 =	simm.s32 $0x40;
	[sflag:s11] =	ssyncadd.s32 $0xFFFFF830  }
.LBB2_10:
0x4a: {  	p1 =	sne.s32 s15, $0x1F00;
	v7 =	vld [tilespmem:s16+$0x2B00];
	_ =	sdelay $0x3  }
.Ltmp4:
0x4b: {  	(pc) =	sbr.rel @p1 .LBB2_10-.Ltmp4, $2  }
0x4c: {  	_ =	sdelay $0x2  }
0x4d: {  	s16 =	sshra.s32 s15, $0x2;
	s15 =	sadd.s32 $0x40, s15;
	[tilespmem:v7+s2+$0x0] =	vst.idx.add.f32.msk $0xffff, v6  }
0x4e: {  	v7 =	vld [tilespmem:s16+$0x2B00];
	_ =	sdelay $0x7  }
0x4f: {  	s15 =	simm.s32 $0x0;
	[tilespmem:v7+s2+$0x0] =	vst.idx.add.f32.msk $0xffff, v6  }
0x50: {  	[tilespmem:s10], [sflag:$0x1] =	stream.linear.gather [hbm4b:s9+s15], $0x7D0, $0x38;
	[tilespmem:$0x3300] =	vst v63  }
0x51: {  	_ =	swait.ge [sflag:s11], $0x7D0  }
0x52: {  	[sflag:s11] =	ssyncset.done $0x0  }
0x53: {  	s16 =	simm.s32 $0x0;
	s15 =	simm.s32 $0x40;
	[sflag:s11] =	ssyncadd.s32 $0xFFFFF830  }
.LBB2_12:
0x54: {  	p1 =	sne.s32 s15, $0x1F00;
	v7 =	vld [tilespmem:s16+$0x2B00];
	_ =	sdelay $0x3  }
.Ltmp5:
0x55: {  	(pc) =	sbr.rel @p1 .LBB2_12-.Ltmp5, $2  }
0x56: {  	_ =	sdelay $0x2  }
0x57: {  	s16 =	sshra.s32 s15, $0x2;
	s15 =	sadd.s32 $0x40, s15;
	[tilespmem:v7+s2+$0x0] =	vst.idx.add.f32.msk $0xffff, v6  }
0x58: {  	v7 =	vld [tilespmem:s16+$0x2B00];
	_ =	sdelay $0x7  }
0x59: {  	[tilespmem:v7+s2+$0x0] =	vst.idx.add.f32.msk $0xffff, v6  }
0x5a: {  	[spmem:s1] =	stream.indirect.scatter.add.f32 [tilespmem:s2], [sflag:$0x1], $0x80, s13, s12, $0xb8;
	[tilespmem:$0x3300] =	vst v63  }
0x5b: {  	_ =	swait.ge [sflag:s11], $0x2800  }
0x5c: {  	[sflag:s11] =	ssyncset.done $0x0  }
0x5d: {  	s15 =	sshrl.u32 @!p0 s1, $0x3;
	s14 =	sadd.s32 $0x1, s14;
	[sflag:s11] =	ssyncadd.s32 $0xFFFFD800  }
0x5e: {  	s16 =	simm.s32 @!p0 $0x1C01;
	p1 =	sne.s32 s14, s4;
	[bflag:$0x0] =	sbarrier.arrive $0xFFFF  }
0x5f: {  	[hbm:s3], [sflag:s16] =	dma.local @!p0 [spmem:s15], $0x500  }
.Ltmp6:
0x60: {  	_ = 	snop;
	(pc) =	sbr.rel @p1 .LBB2_1-.Ltmp6, $4  }
0x61: {  	s15 =	simm.s32 @!p0 $0x1  }
0x62: {  	_ =	swait.ge @!p0 [sflag:s15], $0x500  }
0x63: {  	[sflag:s15] =	ssyncset.done @!p0 $0x0  }
0x64: {  	[sflag:s15] =	ssyncadd.s32 @!p0 $0xFFFFFB00  }
0x65: {  	_ =	sfence.sel $0x180000  }
0x66: {  	[bflag:$0x0] =	sbarrier.arrive $0xFFFF  }
0x67: {  	_ =	strace $0x90000047  }
0x68: {  	s0 =	sadd.s32 @!p0 $0x100000, s0;
	[bflag:$0x2] =	sbarrier.arrive $0xFFFF  }
0x69: {  	[sflag:s0] =	ssyncadd.tile.s32 @!p0 $0x1;
	_ =	shalt  }
.Lfunc_end2:
_tile_overlayer_lowered:
.L_overlay_start_2:
0x6a: {  	(tag) =	ssettag $0x2  }
0x6b: {  	s0 =	rddreg [dreg:$0x0];
	s2 =	stileid.u32  }
0x6c: {  	s1 =	rddreg [dreg:$0x1];
	p0 =	sne.s32 s2, $0x0  }
0x6d: {  	s3 =	rddreg [dreg:$0x2];
	[bflag:$0x3] =	sbarrier.arrive $0xFFFF;
	s2 =	simm.s32 @!p0 $0x1C01  }
0x6e: {  	[timem:s3], [sflag:s2] =	dma.local @!p0 [hbm:s0], s1  }
0x6f: {  	s0 =	simm.s32 @!p0 $0x1  }
0x70: {  	_ =	swait.ge @!p0 [sflag:s0], s1  }
0x71: {  	s1 =	ssub.s32 @!p0 $0x0, s1;
	[sflag:s0] =	ssyncset.done @!p0 $0x0  }
0x72: {  	[sflag:s0] =	ssyncadd.s32 @!p0 s1  }
0x73: {  	[bflag:$0x3] =	sbarrier.arrive $0xFFFF  }
0x74: {  	_ =	shalt  }

</sc_bundles>
